<compile_context>
chip_gen: v7x
topology: tpu7x:2x2x1
jax: 0.10.2.dev20260603
libtpu: 0.0.44.dev20260713+nightly
codegen_flags: <defaults>
</compile_context>

<pallas_src>
import jax
import jax.numpy as jnp
from jax import lax
from jax.experimental import pallas as pl
from jax.experimental.pallas import tpu as pltpu
from jax.experimental.pallas import tpu_sc as plsc

_BC = 16384


def _ent_add_kernel(e0, e1, out_e):
    out_e[...] = e0[...] + e1[...]


def _ent_add(e0t, e1t):
    d_ent, n_ent = e0t.shape
    ent_spec = pl.BlockSpec((d_ent, _BC), lambda i: (0, i))
    return pl.pallas_call(
        _ent_add_kernel,
        grid=(pl.cdiv(n_ent, _BC),),
        in_specs=[ent_spec, ent_spec],
        out_specs=ent_spec,
        out_shape=jax.ShapeDtypeStruct((d_ent, n_ent), e0t.dtype),
        compiler_params=pltpu.CompilerParams(
            dimension_semantics=("arbitrary",),
        ),
    )(e0t, e1t)


def _rel_sc_body(r0_hbm, r1_hbm, out_hbm, a, b, c, sem0, sem1):
    w = lax.axis_index("s") * 2 + lax.axis_index("c")
    rows = pl.ds(2 * w, 2)
    cp0 = pltpu.make_async_copy(r0_hbm.at[rows, :], a, sem0)
    cp1 = pltpu.make_async_copy(r1_hbm.at[rows, :], b, sem1)
    cp0.start()
    cp1.start()
    cp0.wait()
    cp1.wait()
    n = a.shape[1]
    offs = [16 * j for j in range(n // 16)]
    if n % 16:
        offs.append(n - 16)
    for i in range(a.shape[0]):
        for off in offs:
            sl = pl.ds(off, 16)
            c[i, sl] = a[i, sl] + b[i, sl]
    pltpu.sync_copy(c, out_hbm.at[rows, :])


def _rel_add(r0t, r1t):
    d_rel, n_rel = r0t.shape
    rows_per_w = d_rel // 32
    k = pl.kernel(
        _rel_sc_body,
        out_type=jax.ShapeDtypeStruct((d_rel, n_rel), r0t.dtype),
        mesh=plsc.VectorSubcoreMesh(core_axis_name="c", subcore_axis_name="s"),
        scratch_types=[
            pltpu.VMEM((rows_per_w, n_rel), r0t.dtype),
            pltpu.VMEM((rows_per_w, n_rel), r0t.dtype),
            pltpu.VMEM((rows_per_w, n_rel), r0t.dtype),
            pltpu.SemaphoreType.DMA,
            pltpu.SemaphoreType.DMA,
        ],
    )
    return k(r0t, r1t)


def kernel(inputs, ent_embeds_0, rel_embeds_0, ent_embeds_1, rel_embeds_1):
    out_et = _ent_add(ent_embeds_0.T, ent_embeds_1.T)
    out_rt = _rel_add(rel_embeds_0.T, rel_embeds_1.T)
    return (out_et.T, out_rt.T)

# --- scband reference (transcript-rebuilt; emitter-appended) ---
"""Pipeline reference for scband-init-layer-17076789969302 (READ-ONLY COPY).

The authoritative reference and input builder live on the scoring server;
editing this copy changes nothing except your own understanding.
"""

import jax, jax.numpy as jnp
import numpy as np
import math

NUM_SUPPORTS = 2
N_ENT = 100000
N_REL = 1000
D_ENT = 64
D_REL = 64


def _glorot(key, shape):
    # glorot uniform init as in the original GCN-style code
    init_range = math.sqrt(6.0 / (shape[0] + shape[1]))
    return jax.random.uniform(key, shape, minval=-init_range, maxval=init_range, dtype=jnp.float32)


def setup_inputs(seed: int = 0) -> dict:
    key = jax.random.key(seed)
    keys = jax.random.split(key, 2 * NUM_SUPPORTS)
    inp = {}
    # dummy forward input (unused when featureless=True)
    inp["inputs"] = jnp.zeros((1,), dtype=jnp.float32)
    for i in range(NUM_SUPPORTS):
        inp["ent_embeds_%d" % i] = _glorot(keys[2 * i], (N_ENT, D_ENT))
        inp["rel_embeds_%d" % i] = _glorot(keys[2 * i + 1], (N_REL, D_REL))
    return inp


def reference(inputs, ent_embeds_0, rel_embeds_0, ent_embeds_1, rel_embeds_1):
    # featureless=True: pre_ent is the entity table itself, pre_rel is the relation table.
    ent_supports = [ent_embeds_0, ent_embeds_1]
    rel_supports = [rel_embeds_0, rel_embeds_1]
    # tf.add_n over supports
    output_ent = ent_supports[0]
    for t in ent_supports[1:]:
        output_ent = output_ent + t
    output_rel = rel_supports[0]
    for t in rel_supports[1:]:
        output_rel = output_rel + t
    return (output_ent, output_rel)

if __name__ == "__main__":
    import jax
    _d = setup_inputs()
    print(jax.jit(kernel)(*tuple(_d.values())))

</pallas_src>

<mosaic_0001>
#map = affine_map<(d0, d1) -> (0, 0)>
module attributes {stable_mosaic.version = 14 : i64} {
  func.func @_rel_sc_body(%arg0: i32, %arg1: i32, %arg2: memref<64x1000xf32, #tpu.memory_space<hbm>>, %arg3: memref<64x1000xf32, #tpu.memory_space<hbm>>, %arg4: memref<64x1000xf32, #tpu.memory_space<hbm>>, %arg5: memref<2x1000xf32, #tpu.memory_space<vmem>>, %arg6: memref<2x1000xf32, #tpu.memory_space<vmem>>, %arg7: memref<2x1000xf32, #tpu.memory_space<vmem>>, %arg8: memref<!tpu.dma_semaphore, #tpu.memory_space<semaphore_mem>>, %arg9: memref<!tpu.dma_semaphore, #tpu.memory_space<semaphore_mem>>) attributes {dimension_semantics = [#tpu.dimension_semantics<core_parallel>, #tpu.dimension_semantics<subcore_parallel>], iteration_bounds = array<i64: 2, 16>, scalar_prefetch = 0 : i64, scratch_operands = 5 : i64, tpu.core_type = #tpu.core_type<sc_vector_subcore>, window_params = [{transform_indices = #map}, {transform_indices = #map}, {transform_indices = #map}]} {
    %mul3A = arith.constant 2 : i32
    %mul3A_0 = arith.muli %arg1, %mul3A : i32
    %add3A = arith.addi %mul3A_0, %arg0 : i32
    %mul3A_1 = arith.constant 2 : i32
    %mul3A_2 = arith.muli %mul3A_1, %add3A : i32
    %dma_start3A = arith.constant 0 : i32
    %dma_start3A_3 = tpu.memref_slice %arg2[%mul3A_2, %dma_start3A] : memref<64x1000xf32, #tpu.memory_space<hbm>> -> memref<2x1000xf32, #tpu.memory_space<hbm>>
    %dma_start3A_4 = arith.constant 0 : i32
    %dma_start3A_5 = tpu.memref_slice %arg2[%mul3A_2, %dma_start3A_4] : memref<64x1000xf32, #tpu.memory_space<hbm>> -> memref<2x1000xf32, #tpu.memory_space<hbm>>
    tpu.enqueue_dma source(%dma_start3A_5 : memref<2x1000xf32, #tpu.memory_space<hbm>>) target(%arg5 : memref<2x1000xf32, #tpu.memory_space<vmem>>) target_semaphore(%arg8 : memref<!tpu.dma_semaphore, #tpu.memory_space<semaphore_mem>>)
    %dma_start3A_6 = arith.constant 0 : i32
    %dma_start3A_7 = tpu.memref_slice %arg3[%mul3A_2, %dma_start3A_6] : memref<64x1000xf32, #tpu.memory_space<hbm>> -> memref<2x1000xf32, #tpu.memory_space<hbm>>
    %dma_start3A_8 = arith.constant 0 : i32
    %dma_start3A_9 = tpu.memref_slice %arg3[%mul3A_2, %dma_start3A_8] : memref<64x1000xf32, #tpu.memory_space<hbm>> -> memref<2x1000xf32, #tpu.memory_space<hbm>>
    tpu.enqueue_dma source(%dma_start3A_9 : memref<2x1000xf32, #tpu.memory_space<hbm>>) target(%arg6 : memref<2x1000xf32, #tpu.memory_space<vmem>>) target_semaphore(%arg9 : memref<!tpu.dma_semaphore, #tpu.memory_space<semaphore_mem>>)
    %dma_wait3A = arith.constant 0 : i32
    %dma_wait3A_10 = tpu.memref_slice %arg2[%mul3A_2, %dma_wait3A] : memref<64x1000xf32, #tpu.memory_space<hbm>> -> memref<2x1000xf32, #tpu.memory_space<hbm>>
    %dma_wait3A_11 = arith.constant 0 : i32
    %dma_wait3A_12 = tpu.memref_slice %arg2[%mul3A_2, %dma_wait3A_11] : memref<64x1000xf32, #tpu.memory_space<hbm>> -> memref<2x1000xf32, #tpu.memory_space<hbm>>
    tpu.wait_dma2 semaphore(%arg8 : memref<!tpu.dma_semaphore, #tpu.memory_space<semaphore_mem>>) src(%dma_wait3A_12 : memref<2x1000xf32, #tpu.memory_space<hbm>>) dst(%arg5 : memref<2x1000xf32, #tpu.memory_space<vmem>>)
    %dma_wait3A_13 = arith.constant 0 : i32
    %dma_wait3A_14 = tpu.memref_slice %arg3[%mul3A_2, %dma_wait3A_13] : memref<64x1000xf32, #tpu.memory_space<hbm>> -> memref<2x1000xf32, #tpu.memory_space<hbm>>
    %dma_wait3A_15 = arith.constant 0 : i32
    %dma_wait3A_16 = tpu.memref_slice %arg3[%mul3A_2, %dma_wait3A_15] : memref<64x1000xf32, #tpu.memory_space<hbm>> -> memref<2x1000xf32, #tpu.memory_space<hbm>>
    tpu.wait_dma2 semaphore(%arg9 : memref<!tpu.dma_semaphore, #tpu.memory_space<semaphore_mem>>) src(%dma_wait3A_16 : memref<2x1000xf32, #tpu.memory_space<hbm>>) dst(%arg6 : memref<2x1000xf32, #tpu.memory_space<vmem>>)
    %get3A = arith.constant 0 : i32
    %get3A_17 = arith.index_cast %get3A : i32 to index
    %get3A_18 = arith.constant 0 : index
    %get3A_19 = tpu.vector_load %arg5[%get3A_17, %get3A_18] {strides = array<i32>} : memref<2x1000xf32, #tpu.memory_space<vmem>>, vector<1x16xf32>,
    %get3A_20 = vector.shape_cast %get3A_19 : vector<1x16xf32> to vector<16xf32>
    %get3A_21 = arith.constant 0 : i32
    %get3A_22 = arith.index_cast %get3A_21 : i32 to index
    %get3A_23 = arith.constant 0 : index
    %get3A_24 = tpu.vector_load %arg6[%get3A_22, %get3A_23] {strides = array<i32>} : memref<2x1000xf32, #tpu.memory_space<vmem>>, vector<1x16xf32>,
    %get3A_25 = vector.shape_cast %get3A_24 : vector<1x16xf32> to vector<16xf32>
    %add3A_26 = arith.addf %get3A_20, %get3A_25 : vector<16xf32>
    %swap3A = arith.constant 0 : i32
    %swap3A_27 = arith.index_cast %swap3A : i32 to index
    %swap3A_28 = arith.constant 0 : index
    %swap3A_29 = tpu.vector_load %arg7[%swap3A_27, %swap3A_28] {strides = array<i32>} : memref<2x1000xf32, #tpu.memory_space<vmem>>, vector<1x16xf32>,
    %swap3A_30 = vector.shape_cast %swap3A_29 : vector<1x16xf32> to vector<16xf32>
    %swap3A_31 = vector.shape_cast %add3A_26 : vector<16xf32> to vector<1x16xf32>
    tpu.vector_store %arg7[%swap3A_27, %swap3A_28], %swap3A_31 {strides = array<i32>} : memref<2x1000xf32, #tpu.memory_space<vmem>>, vector<1x16xf32>,
    %get3A_32 = arith.constant 0 : i32
    %get3A_33 = arith.index_cast %get3A_32 : i32 to index
    %get3A_34 = arith.constant 16 : index
    %get3A_35 = tpu.vector_load %arg5[%get3A_33, %get3A_34] {strides = array<i32>} : memref<2x1000xf32, #tpu.memory_space<vmem>>, vector<1x16xf32>,
    %get3A_36 = vector.shape_cast %get3A_35 : vector<1x16xf32> to vector<16xf32>
    %get3A_37 = arith.constant 0 : i32
    %get3A_38 = arith.index_cast %get3A_37 : i32 to index
    %get3A_39 = arith.constant 16 : index
    %get3A_40 = tpu.vector_load %arg6[%get3A_38, %get3A_39] {strides = array<i32>} : memref<2x1000xf32, #tpu.memory_space<vmem>>, vector<1x16xf32>,
    %get3A_41 = vector.shape_cast %get3A_40 : vector<1x16xf32> to vector<16xf32>
    %add3A_42 = arith.addf %get3A_36, %get3A_41 : vector<16xf32>
    %swap3A_43 = arith.constant 0 : i32
    %swap3A_44 = arith.index_cast %swap3A_43 : i32 to index
    %swap3A_45 = arith.constant 16 : index
    %swap3A_46 = tpu.vector_load %arg7[%swap3A_44, %swap3A_45] {strides = array<i32>} : memref<2x1000xf32, #tpu.memory_space<vmem>>, vector<1x16xf32>,
    %swap3A_47 = vector.shape_cast %swap3A_46 : vector<1x16xf32> to vector<16xf32>
    %swap3A_48 = vector.shape_cast %add3A_42 : vector<16xf32> to vector<1x16xf32>
    tpu.vector_store %arg7[%swap3A_44, %swap3A_45], %swap3A_48 {strides = array<i32>} : memref<2x1000xf32, #tpu.memory_space<vmem>>, vector<1x16xf32>,
    %get3A_49 = arith.constant 0 : i32
    %get3A_50 = arith.index_cast %get3A_49 : i32 to index
    %get3A_51 = arith.constant 32 : index
    %get3A_52 = tpu.vector_load %arg5[%get3A_50, %get3A_51] {strides = array<i32>} : memref<2x1000xf32, #tpu.memory_space<vmem>>, vector<1x16xf32>,
    %get3A_53 = vector.shape_cast %get3A_52 : vector<1x16xf32> to vector<16xf32>
    %get3A_54 = arith.constant 0 : i32
    %get3A_55 = arith.index_cast %get3A_54 : i32 to index
    %get3A_56 = arith.constant 32 : index
    %get3A_57 = tpu.vector_load %arg6[%get3A_55, %get3A_56] {strides = array<i32>} : memref<2x1000xf32, #tpu.memory_space<vmem>>, vector<1x16xf32>,
    %get3A_58 = vector.shape_cast %get3A_57 : vector<1x16xf32> to vector<16xf32>
    %add3A_59 = arith.addf %get3A_53, %get3A_58 : vector<16xf32>
    %swap3A_60 = arith.constant 0 : i32
    %swap3A_61 = arith.index_cast %swap3A_60 : i32 to index
    %swap3A_62 = arith.constant 32 : index
    %swap3A_63 = tpu.vector_load %arg7[%swap3A_61, %swap3A_62] {strides = array<i32>} : memref<2x1000xf32, #tpu.memory_space<vmem>>, vector<1x16xf32>,
    %swap3A_64 = vector.shape_cast %swap3A_63 : vector<1x16xf32> to vector<16xf32>
    %swap3A_65 = vector.shape_cast %add3A_59 : vector<16xf32> to vector<1x16xf32>
    tpu.vector_store %arg7[%swap3A_61, %swap3A_62], %swap3A_65 {strides = array<i32>} : memref<2x1000xf32, #tpu.memory_space<vmem>>, vector<1x16xf32>,
    %get3A_66 = arith.constant 0 : i32
    %get3A_67 = arith.index_cast %get3A_66 : i32 to index
    %get3A_68 = arith.constant 48 : index
    %get3A_69 = tpu.vector_load %arg5[%get3A_67, %get3A_68] {strides = array<i32>} : memref<2x1000xf32, #tpu.memory_space<vmem>>, vector<1x16xf32>,
    %get3A_70 = vector.shape_cast %get3A_69 : vector<1x16xf32> to vector<16xf32>
    %get3A_71 = arith.constant 0 : i32
    %get3A_72 = arith.index_cast %get3A_71 : i32 to index
    %get3A_73 = arith.constant 48 : index
    %get3A_74 = tpu.vector_load %arg6[%get3A_72, %get3A_73] {strides = array<i32>} : memref<2x1000xf32, #tpu.memory_space<vmem>>, vector<1x16xf32>,
    %get3A_75 = vector.shape_cast %get3A_74 : vector<1x16xf32> to vector<16xf32>
    %add3A_76 = arith.addf %get3A_70, %get3A_75 : vector<16xf32>
    %swap3A_77 = arith.constant 0 : i32
    %swap3A_78 = arith.index_cast %swap3A_77 : i32 to index
    %swap3A_79 = arith.constant 48 : index
    %swap3A_80 = tpu.vector_load %arg7[%swap3A_78, %swap3A_79] {strides = array<i32>} : memref<2x1000xf32, #tpu.memory_space<vmem>>, vector<1x16xf32>,
    %swap3A_81 = vector.shape_cast %swap3A_80 : vector<1x16xf32> to vector<16xf32>
    %swap3A_82 = vector.shape_cast %add3A_76 : vector<16xf32> to vector<1x16xf32>
    tpu.vector_store %arg7[%swap3A_78, %swap3A_79], %swap3A_82 {strides = array<i32>} : memref<2x1000xf32, #tpu.memory_space<vmem>>, vector<1x16xf32>,
    %get3A_83 = arith.constant 0 : i32
    %get3A_84 = arith.index_cast %get3A_83 : i32 to index
    %get3A_85 = arith.constant 64 : index
    %get3A_86 = tpu.vector_load %arg5[%get3A_84, %get3A_85] {strides = array<i32>} : memref<2x1000xf32, #tpu.memory_space<vmem>>, vector<1x16xf32>,
    %get3A_87 = vector.shape_cast %get3A_86 : vector<1x16xf32> to vector<16xf32>
    %get3A_88 = arith.constant 0 : i32
    %get3A_89 = arith.index_cast %get3A_88 : i32 to index
    %get3A_90 = arith.constant 64 : index
    %get3A_91 = tpu.vector_load %arg6[%get3A_89, %get3A_90] {strides = array<i32>} : memref<2x1000xf32, #tpu.memory_space<vmem>>, vector<1x16xf32>,
    %get3A_92 = vector.shape_cast %get3A_91 : vector<1x16xf32> to vector<16xf32>
    %add3A_93 = arith.addf %get3A_87, %get3A_92 : vector<16xf32>
    %swap3A_94 = arith.constant 0 : i32
    %swap3A_95 = arith.index_cast %swap3A_94 : i32 to index
    %swap3A_96 = arith.constant 64 : index
    %swap3A_97 = tpu.vector_load %arg7[%swap3A_95, %swap3A_96] {strides = array<i32>} : memref<2x1000xf32, #tpu.memory_space<vmem>>, vector<1x16xf32>,
    %swap3A_98 = vector.shape_cast %swap3A_97 : vector<1x16xf32> to vector<16xf32>
    %swap3A_99 = vector.shape_cast %add3A_93 : vector<16xf32> to vector<1x16xf32>
    tpu.vector_store %arg7[%swap3A_95, %swap3A_96], %swap3A_99 {strides = array<i32>} : memref<2x1000xf32, #tpu.memory_space<vmem>>, vector<1x16xf32>,
    %get3A_100 = arith.constant 0 : i32
    %get3A_101 = arith.index_cast %get3A_100 : i32 to index
    %get3A_102 = arith.constant 80 : index
    %get3A_103 = tpu.vector_load %arg5[%get3A_101, %get3A_102] {strides = array<i32>} : memref<2x1000xf32, #tpu.memory_space<vmem>>, vector<1x16xf32>,
    %get3A_104 = vector.shape_cast %get3A_103 : vector<1x16xf32> to vector<16xf32>
    %get3A_105 = arith.constant 0 : i32
    %get3A_106 = arith.index_cast %get3A_105 : i32 to index
    %get3A_107 = arith.constant 80 : index
    %get3A_108 = tpu.vector_load %arg6[%get3A_106, %get3A_107] {strides = array<i32>} : memref<2x1000xf32, #tpu.memory_space<vmem>>, vector<1x16xf32>,
    %get3A_109 = vector.shape_cast %get3A_108 : vector<1x16xf32> to vector<16xf32>
    %add3A_110 = arith.addf %get3A_104, %get3A_109 : vector<16xf32>
    %swap3A_111 = arith.constant 0 : i32
    %swap3A_112 = arith.index_cast %swap3A_111 : i32 to index
    %swap3A_113 = arith.constant 80 : index
    %swap3A_114 = tpu.vector_load %arg7[%swap3A_112, %swap3A_113] {strides = array<i32>} : memref<2x1000xf32, #tpu.memory_space<vmem>>, vector<1x16xf32>,
    %swap3A_115 = vector.shape_cast %swap3A_114 : vector<1x16xf32> to vector<16xf32>
    %swap3A_116 = vector.shape_cast %add3A_110 : vector<16xf32> to vector<1x16xf32>
    tpu.vector_store %arg7[%swap3A_112, %swap3A_113], %swap3A_116 {strides = array<i32>} : memref<2x1000xf32, #tpu.memory_space<vmem>>, vector<1x16xf32>,
    %get3A_117 = arith.constant 0 : i32
    %get3A_118 = arith.index_cast %get3A_117 : i32 to index
    %get3A_119 = arith.constant 96 : index
    %get3A_120 = tpu.vector_load %arg5[%get3A_118, %get3A_119] {strides = array<i32>} : memref<2x1000xf32, #tpu.memory_space<vmem>>, vector<1x16xf32>,
    %get3A_121 = vector.shape_cast %get3A_120 : vector<1x16xf32> to vector<16xf32>
    %get3A_122 = arith.constant 0 : i32
    %get3A_123 = arith.index_cast %get3A_122 : i32 to index
    %get3A_124 = arith.constant 96 : index
    %get3A_125 = tpu.vector_load %arg6[%get3A_123, %get3A_124] {strides = array<i32>} : memref<2x1000xf32, #tpu.memory_space<vmem>>, vector<1x16xf32>,
    %get3A_126 = vector.shape_cast %get3A_125 : vector<1x16xf32> to vector<16xf32>
    %add3A_127 = arith.addf %get3A_121, %get3A_126 : vector<16xf32>
    %swap3A_128 = arith.constant 0 : i32
    %swap3A_129 = arith.index_cast %swap3A_128 : i32 to index
    %swap3A_130 = arith.constant 96 : index
    %swap3A_131 = tpu.vector_load %arg7[%swap3A_129, %swap3A_130] {strides = array<i32>} : memref<2x1000xf32, #tpu.memory_space<vmem>>, vector<1x16xf32>,
    %swap3A_132 = vector.shape_cast %swap3A_131 : vector<1x16xf32> to vector<16xf32>
    %swap3A_133 = vector.shape_cast %add3A_127 : vector<16xf32> to vector<1x16xf32>
    tpu.vector_store %arg7[%swap3A_129, %swap3A_130], %swap3A_133 {strides = array<i32>} : memref<2x1000xf32, #tpu.memory_space<vmem>>, vector<1x16xf32>,
    %get3A_134 = arith.constant 0 : i32
    %get3A_135 = arith.index_cast %get3A_134 : i32 to index
    %get3A_136 = arith.constant 112 : index
    %get3A_137 = tpu.vector_load %arg5[%get3A_135, %get3A_136] {strides = array<i32>} : memref<2x1000xf32, #tpu.memory_space<vmem>>, vector<1x16xf32>,
    %get3A_138 = vector.shape_cast %get3A_137 : vector<1x16xf32> to vector<16xf32>
    %get3A_139 = arith.constant 0 : i32
    %get3A_140 = arith.index_cast %get3A_139 : i32 to index
    %get3A_141 = arith.constant 112 : index
    %get3A_142 = tpu.vector_load %arg6[%get3A_140, %get3A_141] {strides = array<i32>} : memref<2x1000xf32, #tpu.memory_space<vmem>>, vector<1x16xf32>,
    %get3A_143 = vector.shape_cast %get3A_142 : vector<1x16xf32> to vector<16xf32>
    %add3A_144 = arith.addf %get3A_138, %get3A_143 : vector<16xf32>
    %swap3A_145 = arith.constant 0 : i32
    %swap3A_146 = arith.index_cast %swap3A_145 : i32 to index
    %swap3A_147 = arith.constant 112 : index
    %swap3A_148 = tpu.vector_load %arg7[%swap3A_146, %swap3A_147] {strides = array<i32>} : memref<2x1000xf32, #tpu.memory_space<vmem>>, vector<1x16xf32>,
    %swap3A_149 = vector.shape_cast %swap3A_148 : vector<1x16xf32> to vector<16xf32>
    %swap3A_150 = vector.shape_cast %add3A_144 : vector<16xf32> to vector<1x16xf32>
    tpu.vector_store %arg7[%swap3A_146, %swap3A_147], %swap3A_150 {strides = array<i32>} : memref<2x1000xf32, #tpu.memory_space<vmem>>, vector<1x16xf32>,
    %get3A_151 = arith.constant 0 : i32
    %get3A_152 = arith.index_cast %get3A_151 : i32 to index
    %get3A_153 = arith.constant 128 : index
    %get3A_154 = tpu.vector_load %arg5[%get3A_152, %get3A_153] {strides = array<i32>} : memref<2x1000xf32, #tpu.memory_space<vmem>>, vector<1x16xf32>,
    %get3A_155 = vector.shape_cast %get3A_154 : vector<1x16xf32> to vector<16xf32>
    %get3A_156 = arith.constant 0 : i32
    %get3A_157 = arith.index_cast %get3A_156 : i32 to index
    %get3A_158 = arith.constant 128 : index
    %get3A_159 = tpu.vector_load %arg6[%get3A_157, %get3A_158] {strides = array<i32>} : memref<2x1000xf32, #tpu.memory_space<vmem>>, vector<1x16xf32>,
    %get3A_160 = vector.shape_cast %get3A_159 : vector<1x16xf32> to vector<16xf32>
    %add3A_161 = arith.addf %get3A_155, %get3A_160 : vector<16xf32>
    %swap3A_162 = arith.constant 0 : i32
    %swap3A_163 = arith.index_cast %swap3A_162 : i32 to index
    %swap3A_164 = arith.constant 128 : index
    %swap3A_165 = tpu.vector_load %arg7[%swap3A_163, %swap3A_164] {strides = array<i32>} : memref<2x1000xf32, #tpu.memory_space<vmem>>, vector<1x16xf32>,
    %swap3A_166 = vector.shape_cast %swap3A_165 : vector<1x16xf32> to vector<16xf32>
    %swap3A_167 = vector.shape_cast %add3A_161 : vector<16xf32> to vector<1x16xf32>
    tpu.vector_store %arg7[%swap3A_163, %swap3A_164], %swap3A_167 {strides = array<i32>} : memref<2x1000xf32, #tpu.memory_space<vmem>>, vector<1x16xf32>,
    %get3A_168 = arith.constant 0 : i32
    %get3A_169 = arith.index_cast %get3A_168 : i32 to index
    %get3A_170 = arith.constant 144 : index
    %get3A_171 = tpu.vector_load %arg5[%get3A_169, %get3A_170] {strides = array<i32>} : memref<2x1000xf32, #tpu.memory_space<vmem>>, vector<1x16xf32>,
    %get3A_172 = vector.shape_cast %get3A_171 : vector<1x16xf32> to vector<16xf32>
    %get3A_173 = arith.constant 0 : i32
    %get3A_174 = arith.index_cast %get3A_173 : i32 to index
    %get3A_175 = arith.constant 144 : index
    %get3A_176 = tpu.vector_load %arg6[%get3A_174, %get3A_175] {strides = array<i32>} : memref<2x1000xf32, #tpu.memory_space<vmem>>, vector<1x16xf32>,
    %get3A_177 = vector.shape_cast %get3A_176 : vector<1x16xf32> to vector<16xf32>
    %add3A_178 = arith.addf %get3A_172, %get3A_177 : vector<16xf32>
    %swap3A_179 = arith.constant 0 : i32
    %swap3A_180 = arith.index_cast %swap3A_179 : i32 to index
    %swap3A_181 = arith.constant 144 : index
    %swap3A_182 = tpu.vector_load %arg7[%swap3A_180, %swap3A_181] {strides = array<i32>} : memref<2x1000xf32, #tpu.memory_space<vmem>>, vector<1x16xf32>,
    %swap3A_183 = vector.shape_cast %swap3A_182 : vector<1x16xf32> to vector<16xf32>
    %swap3A_184 = vector.shape_cast %add3A_178 : vector<16xf32> to vector<1x16xf32>
    tpu.vector_store %arg7[%swap3A_180, %swap3A_181], %swap3A_184 {strides = array<i32>} : memref<2x1000xf32, #tpu.memory_space<vmem>>, vector<1x16xf32>,
    %get3A_185 = arith.constant 0 : i32
    %get3A_186 = arith.index_cast %get3A_185 : i32 to index
    %get3A_187 = arith.constant 160 : index
    %get3A_188 = tpu.vector_load %arg5[%get3A_186, %get3A_187] {strides = array<i32>} : memref<2x1000xf32, #tpu.memory_space<vmem>>, vector<1x16xf32>,
    %get3A_189 = vector.shape_cast %get3A_188 : vector<1x16xf32> to vector<16xf32>
    %get3A_190 = arith.constant 0 : i32
    %get3A_191 = arith.index_cast %get3A_190 : i32 to index
    %get3A_192 = arith.constant 160 : index
    %get3A_193 = tpu.vector_load %arg6[%get3A_191, %get3A_192] {strides = array<i32>} : memref<2x1000xf32, #tpu.memory_space<vmem>>, vector<1x16xf32>,
    %get3A_194 = vector.shape_cast %get3A_193 : vector<1x16xf32> to vector<16xf32>
    %add3A_195 = arith.addf %get3A_189, %get3A_194 : vector<16xf32>
    %swap3A_196 = arith.constant 0 : i32
    %swap3A_197 = arith.index_cast %swap3A_196 : i32 to index
    %swap3A_198 = arith.constant 160 : index
    %swap3A_199 = tpu.vector_load %arg7[%swap3A_197, %swap3A_198] {strides = array<i32>} : memref<2x1000xf32, #tpu.memory_space<vmem>>, vector<1x16xf32>,
    %swap3A_200 = vector.shape_cast %swap3A_199 : vector<1x16xf32> to vector<16xf32>
    %swap3A_201 = vector.shape_cast %add3A_195 : vector<16xf32> to vector<1x16xf32>
    tpu.vector_store %arg7[%swap3A_197, %swap3A_198], %swap3A_201 {strides = array<i32>} : memref<2x1000xf32, #tpu.memory_space<vmem>>, vector<1x16xf32>,
    %get3A_202 = arith.constant 0 : i32
    %get3A_203 = arith.index_cast %get3A_202 : i32 to index
    %get3A_204 = arith.constant 176 : index
    %get3A_205 = tpu.vector_load %arg5[%get3A_203, %get3A_204] {strides = array<i32>} : memref<2x1000xf32, #tpu.memory_space<vmem>>, vector<1x16xf32>,
    %get3A_206 = vector.shape_cast %get3A_205 : vector<1x16xf32> to vector<16xf32>
    %get3A_207 = arith.constant 0 : i32
    %get3A_208 = arith.index_cast %get3A_207 : i32 to index
    %get3A_209 = arith.constant 176 : index
    %get3A_210 = tpu.vector_load %arg6[%get3A_208, %get3A_209] {strides = array<i32>} : memref<2x1000xf32, #tpu.memory_space<vmem>>, vector<1x16xf32>,
    %get3A_211 = vector.shape_cast %get3A_210 : vector<1x16xf32> to vector<16xf32>
    %add3A_212 = arith.addf %get3A_206, %get3A_211 : vector<16xf32>
    %swap3A_213 = arith.constant 0 : i32
    %swap3A_214 = arith.index_cast %swap3A_213 : i32 to index
    %swap3A_215 = arith.constant 176 : index
    %swap3A_216 = tpu.vector_load %arg7[%swap3A_214, %swap3A_215] {strides = array<i32>} : memref<2x1000xf32, #tpu.memory_space<vmem>>, vector<1x16xf32>,
    %swap3A_217 = vector.shape_cast %swap3A_216 : vector<1x16xf32> to vector<16xf32>
    %swap3A_218 = vector.shape_cast %add3A_212 : vector<16xf32> to vector<1x16xf32>
    tpu.vector_store %arg7[%swap3A_214, %swap3A_215], %swap3A_218 {strides = array<i32>} : memref<2x1000xf32, #tpu.memory_space<vmem>>, vector<1x16xf32>,
    %get3A_219 = arith.constant 0 : i32
    %get3A_220 = arith.index_cast %get3A_219 : i32 to index
    %get3A_221 = arith.constant 192 : index
    %get3A_222 = tpu.vector_load %arg5[%get3A_220, %get3A_221] {strides = array<i32>} : memref<2x1000xf32, #tpu.memory_space<vmem>>, vector<1x16xf32>,
    %get3A_223 = vector.shape_cast %get3A_222 : vector<1x16xf32> to vector<16xf32>
    %get3A_224 = arith.constant 0 : i32
    %get3A_225 = arith.index_cast %get3A_224 : i32 to index
    %get3A_226 = arith.constant 192 : index
    %get3A_227 = tpu.vector_load %arg6[%get3A_225, %get3A_226] {strides = array<i32>} : memref<2x1000xf32, #tpu.memory_space<vmem>>, vector<1x16xf32>,
    %get3A_228 = vector.shape_cast %get3A_227 : vector<1x16xf32> to vector<16xf32>
    %add3A_229 = arith.addf %get3A_223, %get3A_228 : vector<16xf32>
    %swap3A_230 = arith.constant 0 : i32
    %swap3A_231 = arith.index_cast %swap3A_230 : i32 to index
    %swap3A_232 = arith.constant 192 : index
    %swap3A_233 = tpu.vector_load %arg7[%swap3A_231, %swap3A_232] {strides = array<i32>} : memref<2x1000xf32, #tpu.memory_space<vmem>>, vector<1x16xf32>,
    %swap3A_234 = vector.shape_cast %swap3A_233 : vector<1x16xf32> to vector<16xf32>
    %swap3A_235 = vector.shape_cast %add3A_229 : vector<16xf32> to vector<1x16xf32>
    tpu.vector_store %arg7[%swap3A_231, %swap3A_232], %swap3A_235 {strides = array<i32>} : memref<2x1000xf32, #tpu.memory_space<vmem>>, vector<1x16xf32>,
    %get3A_236 = arith.constant 0 : i32
    %get3A_237 = arith.index_cast %get3A_236 : i32 to index
    %get3A_238 = arith.constant 208 : index
    %get3A_239 = tpu.vector_load %arg5[%get3A_237, %get3A_238] {strides = array<i32>} : memref<2x1000xf32, #tpu.memory_space<vmem>>, vector<1x16xf32>,
    %get3A_240 = vector.shape_cast %get3A_239 : vector<1x16xf32> to vector<16xf32>
    %get3A_241 = arith.constant 0 : i32
    %get3A_242 = arith.index_cast %get3A_241 : i32 to index
    %get3A_243 = arith.constant 208 : index
    %get3A_244 = tpu.vector_load %arg6[%get3A_242, %get3A_243] {strides = array<i32>} : memref<2x1000xf32, #tpu.memory_space<vmem>>, vector<1x16xf32>,
    %get3A_245 = vector.shape_cast %get3A_244 : vector<1x16xf32> to vector<16xf32>
    %add3A_246 = arith.addf %get3A_240, %get3A_245 : vector<16xf32>
    %swap3A_247 = arith.constant 0 : i32
    %swap3A_248 = arith.index_cast %swap3A_247 : i32 to index
    %swap3A_249 = arith.constant 208 : index
    %swap3A_250 = tpu.vector_load %arg7[%swap3A_248, %swap3A_249] {strides = array<i32>} : memref<2x1000xf32, #tpu.memory_space<vmem>>, vector<1x16xf32>,
    %swap3A_251 = vector.shape_cast %swap3A_250 : vector<1x16xf32> to vector<16xf32>
    %swap3A_252 = vector.shape_cast %add3A_246 : vector<16xf32> to vector<1x16xf32>
    tpu.vector_store %arg7[%swap3A_248, %swap3A_249], %swap3A_252 {strides = array<i32>} : memref<2x1000xf32, #tpu.memory_space<vmem>>, vector<1x16xf32>,
    %get3A_253 = arith.constant 0 : i32
    %get3A_254 = arith.index_cast %get3A_253 : i32 to index
    %get3A_255 = arith.constant 224 : index
    %get3A_256 = tpu.vector_load %arg5[%get3A_254, %get3A_255] {strides = array<i32>} : memref<2x1000xf32, #tpu.memory_space<vmem>>, vector<1x16xf32>,
    %get3A_257 = vector.shape_cast %get3A_256 : vector<1x16xf32> to vector<16xf32>
    %get3A_258 = arith.constant 0 : i32
    %get3A_259 = arith.index_cast %get3A_258 : i32 to index
    %get3A_260 = arith.constant 224 : index
    %get3A_261 = tpu.vector_load %arg6[%get3A_259, %get3A_260] {strides = array<i32>} : memref<2x1000xf32, #tpu.memory_space<vmem>>, vector<1x16xf32>,
    %get3A_262 = vector.shape_cast %get3A_261 : vector<1x16xf32> to vector<16xf32>
    %add3A_263 = arith.addf %get3A_257, %get3A_262 : vector<16xf32>
    %swap3A_264 = arith.constant 0 : i32
    %swap3A_265 = arith.index_cast %swap3A_264 : i32 to index
    %swap3A_266 = arith.constant 224 : index
    %swap3A_267 = tpu.vector_load %arg7[%swap3A_265, %swap3A_266] {strides = array<i32>} : memref<2x1000xf32, #tpu.memory_space<vmem>>, vector<1x16xf32>,
    %swap3A_268 = vector.shape_cast %swap3A_267 : vector<1x16xf32> to vector<16xf32>
    %swap3A_269 = vector.shape_cast %add3A_263 : vector<16xf32> to vector<1x16xf32>
    tpu.vector_store %arg7[%swap3A_265, %swap3A_266], %swap3A_269 {strides = array<i32>} : memref<2x1000xf32, #tpu.memory_space<vmem>>, vector<1x16xf32>,
    %get3A_270 = arith.constant 0 : i32
    %get3A_271 = arith.index_cast %get3A_270 : i32 to index
    %get3A_272 = arith.constant 240 : index
    %get3A_273 = tpu.vector_load %arg5[%get3A_271, %get3A_272] {strides = array<i32>} : memref<2x1000xf32, #tpu.memory_space<vmem>>, vector<1x16xf32>,
    %get3A_274 = vector.shape_cast %get3A_273 : vector<1x16xf32> to vector<16xf32>
    %get3A_275 = arith.constant 0 : i32
    %get3A_276 = arith.index_cast %get3A_275 : i32 to index
    %get3A_277 = arith.constant 240 : index
    %get3A_278 = tpu.vector_load %arg6[%get3A_276, %get3A_277] {strides = array<i32>} : memref<2x1000xf32, #tpu.memory_space<vmem>>, vector<1x16xf32>,
    %get3A_279 = vector.shape_cast %get3A_278 : vector<1x16xf32> to vector<16xf32>
    %add3A_280 = arith.addf %get3A_274, %get3A_279 : vector<16xf32>
    %swap3A_281 = arith.constant 0 : i32
    %swap3A_282 = arith.index_cast %swap3A_281 : i32 to index
    %swap3A_283 = arith.constant 240 : index
    %swap3A_284 = tpu.vector_load %arg7[%swap3A_282, %swap3A_283] {strides = array<i32>} : memref<2x1000xf32, #tpu.memory_space<vmem>>, vector<1x16xf32>,
    %swap3A_285 = vector.shape_cast %swap3A_284 : vector<1x16xf32> to vector<16xf32>
    %swap3A_286 = vector.shape_cast %add3A_280 : vector<16xf32> to vector<1x16xf32>
    tpu.vector_store %arg7[%swap3A_282, %swap3A_283], %swap3A_286 {strides = array<i32>} : memref<2x1000xf32, #tpu.memory_space<vmem>>, vector<1x16xf32>,
    %get3A_287 = arith.constant 0 : i32
    %get3A_288 = arith.index_cast %get3A_287 : i32 to index
    %get3A_289 = arith.constant 256 : index
    %get3A_290 = tpu.vector_load %arg5[%get3A_288, %get3A_289] {strides = array<i32>} : memref<2x1000xf32, #tpu.memory_space<vmem>>, vector<1x16xf32>,
    %get3A_291 = vector.shape_cast %get3A_290 : vector<1x16xf32> to vector<16xf32>
    %get3A_292 = arith.constant 0 : i32
    %get3A_293 = arith.index_cast %get3A_292 : i32 to index
    %get3A_294 = arith.constant 256 : index
    %get3A_295 = tpu.vector_load %arg6[%get3A_293, %get3A_294] {strides = array<i32>} : memref<2x1000xf32, #tpu.memory_space<vmem>>, vector<1x16xf32>,
    %get3A_296 = vector.shape_cast %get3A_295 : vector<1x16xf32> to vector<16xf32>
    %add3A_297 = arith.addf %get3A_291, %get3A_296 : vector<16xf32>
    %swap3A_298 = arith.constant 0 : i32
    %swap3A_299 = arith.index_cast %swap3A_298 : i32 to index
    %swap3A_300 = arith.constant 256 : index
    %swap3A_301 = tpu.vector_load %arg7[%swap3A_299, %swap3A_300] {strides = array<i32>} : memref<2x1000xf32, #tpu.memory_space<vmem>>, vector<1x16xf32>,
    %swap3A_302 = vector.shape_cast %swap3A_301 : vector<1x16xf32> to vector<16xf32>
    %swap3A_303 = vector.shape_cast %add3A_297 : vector<16xf32> to vector<1x16xf32>
    tpu.vector_store %arg7[%swap3A_299, %swap3A_300], %swap3A_303 {strides = array<i32>} : memref<2x1000xf32, #tpu.memory_space<vmem>>, vector<1x16xf32>,
    %get3A_304 = arith.constant 0 : i32
    %get3A_305 = arith.index_cast %get3A_304 : i32 to index
    %get3A_306 = arith.constant 272 : index
    %get3A_307 = tpu.vector_load %arg5[%get3A_305, %get3A_306] {strides = array<i32>} : memref<2x1000xf32, #tpu.memory_space<vmem>>, vector<1x16xf32>,
    %get3A_308 = vector.shape_cast %get3A_307 : vector<1x16xf32> to vector<16xf32>
    %get3A_309 = arith.constant 0 : i32
    %get3A_310 = arith.index_cast %get3A_309 : i32 to index
    %get3A_311 = arith.constant 272 : index
    %get3A_312 = tpu.vector_load %arg6[%get3A_310, %get3A_311] {strides = array<i32>} : memref<2x1000xf32, #tpu.memory_space<vmem>>, vector<1x16xf32>,
    %get3A_313 = vector.shape_cast %get3A_312 : vector<1x16xf32> to vector<16xf32>
    %add3A_314 = arith.addf %get3A_308, %get3A_313 : vector<16xf32>
    %swap3A_315 = arith.constant 0 : i32
    %swap3A_316 = arith.index_cast %swap3A_315 : i32 to index
    %swap3A_317 = arith.constant 272 : index
    %swap3A_318 = tpu.vector_load %arg7[%swap3A_316, %swap3A_317] {strides = array<i32>} : memref<2x1000xf32, #tpu.memory_space<vmem>>, vector<1x16xf32>,
    %swap3A_319 = vector.shape_cast %swap3A_318 : vector<1x16xf32> to vector<16xf32>
    %swap3A_320 = vector.shape_cast %add3A_314 : vector<16xf32> to vector<1x16xf32>
    tpu.vector_store %arg7[%swap3A_316, %swap3A_317], %swap3A_320 {strides = array<i32>} : memref<2x1000xf32, #tpu.memory_space<vmem>>, vector<1x16xf32>,
    %get3A_321 = arith.constant 0 : i32
    %get3A_322 = arith.index_cast %get3A_321 : i32 to index
    %get3A_323 = arith.constant 288 : index
    %get3A_324 = tpu.vector_load %arg5[%get3A_322, %get3A_323] {strides = array<i32>} : memref<2x1000xf32, #tpu.memory_space<vmem>>, vector<1x16xf32>,
    %get3A_325 = vector.shape_cast %get3A_324 : vector<1x16xf32> to vector<16xf32>
    %get3A_326 = arith.constant 0 : i32
    %get3A_327 = arith.index_cast %get3A_326 : i32 to index
    %get3A_328 = arith.constant 288 : index
    %get3A_329 = tpu.vector_load %arg6[%get3A_327, %get3A_328] {strides = array<i32>} : memref<2x1000xf32, #tpu.memory_space<vmem>>, vector<1x16xf32>,
    %get3A_330 = vector.shape_cast %get3A_329 : vector<1x16xf32> to vector<16xf32>
    %add3A_331 = arith.addf %get3A_325, %get3A_330 : vector<16xf32>
    %swap3A_332 = arith.constant 0 : i32
    %swap3A_333 = arith.index_cast %swap3A_332 : i32 to index
    %swap3A_334 = arith.constant 288 : index
    %swap3A_335 = tpu.vector_load %arg7[%swap3A_333, %swap3A_334] {strides = array<i32>} : memref<2x1000xf32, #tpu.memory_space<vmem>>, vector<1x16xf32>,
    %swap3A_336 = vector.shape_cast %swap3A_335 : vector<1x16xf32> to vector<16xf32>
    %swap3A_337 = vector.shape_cast %add3A_331 : vector<16xf32> to vector<1x16xf32>
    tpu.vector_store %arg7[%swap3A_333, %swap3A_334], %swap3A_337 {strides = array<i32>} : memref<2x1000xf32, #tpu.memory_space<vmem>>, vector<1x16xf32>,
    %get3A_338 = arith.constant 0 : i32
    %get3A_339 = arith.index_cast %get3A_338 : i32 to index
    %get3A_340 = arith.constant 304 : index
    %get3A_341 = tpu.vector_load %arg5[%get3A_339, %get3A_340] {strides = array<i32>} : memref<2x1000xf32, #tpu.memory_space<vmem>>, vector<1x16xf32>,
    %get3A_342 = vector.shape_cast %get3A_341 : vector<1x16xf32> to vector<16xf32>
    %get3A_343 = arith.constant 0 : i32
    %get3A_344 = arith.index_cast %get3A_343 : i32 to index
    %get3A_345 = arith.constant 304 : index
    %get3A_346 = tpu.vector_load %arg6[%get3A_344, %get3A_345] {strides = array<i32>} : memref<2x1000xf32, #tpu.memory_space<vmem>>, vector<1x16xf32>,
    %get3A_347 = vector.shape_cast %get3A_346 : vector<1x16xf32> to vector<16xf32>
    %add3A_348 = arith.addf %get3A_342, %get3A_347 : vector<16xf32>
    %swap3A_349 = arith.constant 0 : i32
    %swap3A_350 = arith.index_cast %swap3A_349 : i32 to index
    %swap3A_351 = arith.constant 304 : index
    %swap3A_352 = tpu.vector_load %arg7[%swap3A_350, %swap3A_351] {strides = array<i32>} : memref<2x1000xf32, #tpu.memory_space<vmem>>, vector<1x16xf32>,
    %swap3A_353 = vector.shape_cast %swap3A_352 : vector<1x16xf32> to vector<16xf32>
    %swap3A_354 = vector.shape_cast %add3A_348 : vector<16xf32> to vector<1x16xf32>
    tpu.vector_store %arg7[%swap3A_350, %swap3A_351], %swap3A_354 {strides = array<i32>} : memref<2x1000xf32, #tpu.memory_space<vmem>>, vector<1x16xf32>,
    %get3A_355 = arith.constant 0 : i32
    %get3A_356 = arith.index_cast %get3A_355 : i32 to index
    %get3A_357 = arith.constant 320 : index
    %get3A_358 = tpu.vector_load %arg5[%get3A_356, %get3A_357] {strides = array<i32>} : memref<2x1000xf32, #tpu.memory_space<vmem>>, vector<1x16xf32>,
    %get3A_359 = vector.shape_cast %get3A_358 : vector<1x16xf32> to vector<16xf32>
    %get3A_360 = arith.constant 0 : i32
    %get3A_361 = arith.index_cast %get3A_360 : i32 to index
    %get3A_362 = arith.constant 320 : index
    %get3A_363 = tpu.vector_load %arg6[%get3A_361, %get3A_362] {strides = array<i32>} : memref<2x1000xf32, #tpu.memory_space<vmem>>, vector<1x16xf32>,
    %get3A_364 = vector.shape_cast %get3A_363 : vector<1x16xf32> to vector<16xf32>
    %add3A_365 = arith.addf %get3A_359, %get3A_364 : vector<16xf32>
    %swap3A_366 = arith.constant 0 : i32
    %swap3A_367 = arith.index_cast %swap3A_366 : i32 to index
    %swap3A_368 = arith.constant 320 : index
    %swap3A_369 = tpu.vector_load %arg7[%swap3A_367, %swap3A_368] {strides = array<i32>} : memref<2x1000xf32, #tpu.memory_space<vmem>>, vector<1x16xf32>,
    %swap3A_370 = vector.shape_cast %swap3A_369 : vector<1x16xf32> to vector<16xf32>
    %swap3A_371 = vector.shape_cast %add3A_365 : vector<16xf32> to vector<1x16xf32>
    tpu.vector_store %arg7[%swap3A_367, %swap3A_368], %swap3A_371 {strides = array<i32>} : memref<2x1000xf32, #tpu.memory_space<vmem>>, vector<1x16xf32>,
    %get3A_372 = arith.constant 0 : i32
    %get3A_373 = arith.index_cast %get3A_372 : i32 to index
    %get3A_374 = arith.constant 336 : index
    %get3A_375 = tpu.vector_load %arg5[%get3A_373, %get3A_374] {strides = array<i32>} : memref<2x1000xf32, #tpu.memory_space<vmem>>, vector<1x16xf32>,
    %get3A_376 = vector.shape_cast %get3A_375 : vector<1x16xf32> to vector<16xf32>
    %get3A_377 = arith.constant 0 : i32
    %get3A_378 = arith.index_cast %get3A_377 : i32 to index
    %get3A_379 = arith.constant 336 : index
    %get3A_380 = tpu.vector_load %arg6[%get3A_378, %get3A_379] {strides = array<i32>} : memref<2x1000xf32, #tpu.memory_space<vmem>>, vector<1x16xf32>,
    %get3A_381 = vector.shape_cast %get3A_380 : vector<1x16xf32> to vector<16xf32>
    %add3A_382 = arith.addf %get3A_376, %get3A_381 : vector<16xf32>
    %swap3A_383 = arith.constant 0 : i32
    %swap3A_384 = arith.index_cast %swap3A_383 : i32 to index
    %swap3A_385 = arith.constant 336 : index
    %swap3A_386 = tpu.vector_load %arg7[%swap3A_384, %swap3A_385] {strides = array<i32>} : memref<2x1000xf32, #tpu.memory_space<vmem>>, vector<1x16xf32>,
    %swap3A_387 = vector.shape_cast %swap3A_386 : vector<1x16xf32> to vector<16xf32>
    %swap3A_388 = vector.shape_cast %add3A_382 : vector<16xf32> to vector<1x16xf32>
    tpu.vector_store %arg7[%swap3A_384, %swap3A_385], %swap3A_388 {strides = array<i32>} : memref<2x1000xf32, #tpu.memory_space<vmem>>, vector<1x16xf32>,
    %get3A_389 = arith.constant 0 : i32
    %get3A_390 = arith.index_cast %get3A_389 : i32 to index
    %get3A_391 = arith.constant 352 : index
    %get3A_392 = tpu.vector_load %arg5[%get3A_390, %get3A_391] {strides = array<i32>} : memref<2x1000xf32, #tpu.memory_space<vmem>>, vector<1x16xf32>,
    %get3A_393 = vector.shape_cast %get3A_392 : vector<1x16xf32> to vector<16xf32>
    %get3A_394 = arith.constant 0 : i32
    %get3A_395 = arith.index_cast %get3A_394 : i32 to index
    %get3A_396 = arith.constant 352 : index
    %get3A_397 = tpu.vector_load %arg6[%get3A_395, %get3A_396] {strides = array<i32>} : memref<2x1000xf32, #tpu.memory_space<vmem>>, vector<1x16xf32>,
    %get3A_398 = vector.shape_cast %get3A_397 : vector<1x16xf32> to vector<16xf32>
    %add3A_399 = arith.addf %get3A_393, %get3A_398 : vector<16xf32>
    %swap3A_400 = arith.constant 0 : i32
    %swap3A_401 = arith.index_cast %swap3A_400 : i32 to index
    %swap3A_402 = arith.constant 352 : index
    %swap3A_403 = tpu.vector_load %arg7[%swap3A_401, %swap3A_402] {strides = array<i32>} : memref<2x1000xf32, #tpu.memory_space<vmem>>, vector<1x16xf32>,
    %swap3A_404 = vector.shape_cast %swap3A_403 : vector<1x16xf32> to vector<16xf32>
    %swap3A_405 = vector.shape_cast %add3A_399 : vector<16xf32> to vector<1x16xf32>
    tpu.vector_store %arg7[%swap3A_401, %swap3A_402], %swap3A_405 {strides = array<i32>} : memref<2x1000xf32, #tpu.memory_space<vmem>>, vector<1x16xf32>,
    %get3A_406 = arith.constant 0 : i32
    %get3A_407 = arith.index_cast %get3A_406 : i32 to index
    %get3A_408 = arith.constant 368 : index
    %get3A_409 = tpu.vector_load %arg5[%get3A_407, %get3A_408] {strides = array<i32>} : memref<2x1000xf32, #tpu.memory_space<vmem>>, vector<1x16xf32>,
    %get3A_410 = vector.shape_cast %get3A_409 : vector<1x16xf32> to vector<16xf32>
    %get3A_411 = arith.constant 0 : i32
    %get3A_412 = arith.index_cast %get3A_411 : i32 to index
    %get3A_413 = arith.constant 368 : index
    %get3A_414 = tpu.vector_load %arg6[%get3A_412, %get3A_413] {strides = array<i32>} : memref<2x1000xf32, #tpu.memory_space<vmem>>, vector<1x16xf32>,
    %get3A_415 = vector.shape_cast %get3A_414 : vector<1x16xf32> to vector<16xf32>
    %add3A_416 = arith.addf %get3A_410, %get3A_415 : vector<16xf32>
    %swap3A_417 = arith.constant 0 : i32
    %swap3A_418 = arith.index_cast %swap3A_417 : i32 to index
    %swap3A_419 = arith.constant 368 : index
    %swap3A_420 = tpu.vector_load %arg7[%swap3A_418, %swap3A_419] {strides = array<i32>} : memref<2x1000xf32, #tpu.memory_space<vmem>>, vector<1x16xf32>,
    %swap3A_421 = vector.shape_cast %swap3A_420 : vector<1x16xf32> to vector<16xf32>
    %swap3A_422 = vector.shape_cast %add3A_416 : vector<16xf32> to vector<1x16xf32>
    tpu.vector_store %arg7[%swap3A_418, %swap3A_419], %swap3A_422 {strides = array<i32>} : memref<2x1000xf32, #tpu.memory_space<vmem>>, vector<1x16xf32>,
    %get3A_423 = arith.constant 0 : i32
    %get3A_424 = arith.index_cast %get3A_423 : i32 to index
    %get3A_425 = arith.constant 384 : index
    %get3A_426 = tpu.vector_load %arg5[%get3A_424, %get3A_425] {strides = array<i32>} : memref<2x1000xf32, #tpu.memory_space<vmem>>, vector<1x16xf32>,
    %get3A_427 = vector.shape_cast %get3A_426 : vector<1x16xf32> to vector<16xf32>
    %get3A_428 = arith.constant 0 : i32
    %get3A_429 = arith.index_cast %get3A_428 : i32 to index
    %get3A_430 = arith.constant 384 : index
    %get3A_431 = tpu.vector_load %arg6[%get3A_429, %get3A_430] {strides = array<i32>} : memref<2x1000xf32, #tpu.memory_space<vmem>>, vector<1x16xf32>,
    %get3A_432 = vector.shape_cast %get3A_431 : vector<1x16xf32> to vector<16xf32>
    %add3A_433 = arith.addf %get3A_427, %get3A_432 : vector<16xf32>
    %swap3A_434 = arith.constant 0 : i32
    %swap3A_435 = arith.index_cast %swap3A_434 : i32 to index
    %swap3A_436 = arith.constant 384 : index
    %swap3A_437 = tpu.vector_load %arg7[%swap3A_435, %swap3A_436] {strides = array<i32>} : memref<2x1000xf32, #tpu.memory_space<vmem>>, vector<1x16xf32>,
    %swap3A_438 = vector.shape_cast %swap3A_437 : vector<1x16xf32> to vector<16xf32>
    %swap3A_439 = vector.shape_cast %add3A_433 : vector<16xf32> to vector<1x16xf32>
    tpu.vector_store %arg7[%swap3A_435, %swap3A_436], %swap3A_439 {strides = array<i32>} : memref<2x1000xf32, #tpu.memory_space<vmem>>, vector<1x16xf32>,
    %get3A_440 = arith.constant 0 : i32
    %get3A_441 = arith.index_cast %get3A_440 : i32 to index
    %get3A_442 = arith.constant 400 : index
    %get3A_443 = tpu.vector_load %arg5[%get3A_441, %get3A_442] {strides = array<i32>} : memref<2x1000xf32, #tpu.memory_space<vmem>>, vector<1x16xf32>,
    %get3A_444 = vector.shape_cast %get3A_443 : vector<1x16xf32> to vector<16xf32>
    %get3A_445 = arith.constant 0 : i32
    %get3A_446 = arith.index_cast %get3A_445 : i32 to index
    %get3A_447 = arith.constant 400 : index
    %get3A_448 = tpu.vector_load %arg6[%get3A_446, %get3A_447] {strides = array<i32>} : memref<2x1000xf32, #tpu.memory_space<vmem>>, vector<1x16xf32>,
    %get3A_449 = vector.shape_cast %get3A_448 : vector<1x16xf32> to vector<16xf32>
    %add3A_450 = arith.addf %get3A_444, %get3A_449 : vector<16xf32>
    %swap3A_451 = arith.constant 0 : i32
    %swap3A_452 = arith.index_cast %swap3A_451 : i32 to index
    %swap3A_453 = arith.constant 400 : index
    %swap3A_454 = tpu.vector_load %arg7[%swap3A_452, %swap3A_453] {strides = array<i32>} : memref<2x1000xf32, #tpu.memory_space<vmem>>, vector<1x16xf32>,
    %swap3A_455 = vector.shape_cast %swap3A_454 : vector<1x16xf32> to vector<16xf32>
    %swap3A_456 = vector.shape_cast %add3A_450 : vector<16xf32> to vector<1x16xf32>
    tpu.vector_store %arg7[%swap3A_452, %swap3A_453], %swap3A_456 {strides = array<i32>} : memref<2x1000xf32, #tpu.memory_space<vmem>>, vector<1x16xf32>,
    %get3A_457 = arith.constant 0 : i32
    %get3A_458 = arith.index_cast %get3A_457 : i32 to index
    %get3A_459 = arith.constant 416 : index
    %get3A_460 = tpu.vector_load %arg5[%get3A_458, %get3A_459] {strides = array<i32>} : memref<2x1000xf32, #tpu.memory_space<vmem>>, vector<1x16xf32>,
    %get3A_461 = vector.shape_cast %get3A_460 : vector<1x16xf32> to vector<16xf32>
    %get3A_462 = arith.constant 0 : i32
    %get3A_463 = arith.index_cast %get3A_462 : i32 to index
    %get3A_464 = arith.constant 416 : index
    %get3A_465 = tpu.vector_load %arg6[%get3A_463, %get3A_464] {strides = array<i32>} : memref<2x1000xf32, #tpu.memory_space<vmem>>, vector<1x16xf32>,
    %get3A_466 = vector.shape_cast %get3A_465 : vector<1x16xf32> to vector<16xf32>
    %add3A_467 = arith.addf %get3A_461, %get3A_466 : vector<16xf32>
    %swap3A_468 = arith.constant 0 : i32
    %swap3A_469 = arith.index_cast %swap3A_468 : i32 to index
    %swap3A_470 = arith.constant 416 : index
    %swap3A_471 = tpu.vector_load %arg7[%swap3A_469, %swap3A_470] {strides = array<i32>} : memref<2x1000xf32, #tpu.memory_space<vmem>>, vector<1x16xf32>,
    %swap3A_472 = vector.shape_cast %swap3A_471 : vector<1x16xf32> to vector<16xf32>
    %swap3A_473 = vector.shape_cast %add3A_467 : vector<16xf32> to vector<1x16xf32>
    tpu.vector_store %arg7[%swap3A_469, %swap3A_470], %swap3A_473 {strides = array<i32>} : memref<2x1000xf32, #tpu.memory_space<vmem>>, vector<1x16xf32>,
    %get3A_474 = arith.constant 0 : i32
    %get3A_475 = arith.index_cast %get3A_474 : i32 to index
    %get3A_476 = arith.constant 432 : index
    %get3A_477 = tpu.vector_load %arg5[%get3A_475, %get3A_476] {strides = array<i32>} : memref<2x1000xf32, #tpu.memory_space<vmem>>, vector<1x16xf32>,
    %get3A_478 = vector.shape_cast %get3A_477 : vector<1x16xf32> to vector<16xf32>
    %get3A_479 = arith.constant 0 : i32
    %get3A_480 = arith.index_cast %get3A_479 : i32 to index
    %get3A_481 = arith.constant 432 : index
    %get3A_482 = tpu.vector_load %arg6[%get3A_480, %get3A_481] {strides = array<i32>} : memref<2x1000xf32, #tpu.memory_space<vmem>>, vector<1x16xf32>,
    %get3A_483 = vector.shape_cast %get3A_482 : vector<1x16xf32> to vector<16xf32>
    %add3A_484 = arith.addf %get3A_478, %get3A_483 : vector<16xf32>
    %swap3A_485 = arith.constant 0 : i32
    %swap3A_486 = arith.index_cast %swap3A_485 : i32 to index
    %swap3A_487 = arith.constant 432 : index
    %swap3A_488 = tpu.vector_load %arg7[%swap3A_486, %swap3A_487] {strides = array<i32>} : memref<2x1000xf32, #tpu.memory_space<vmem>>, vector<1x16xf32>,
    %swap3A_489 = vector.shape_cast %swap3A_488 : vector<1x16xf32> to vector<16xf32>
    %swap3A_490 = vector.shape_cast %add3A_484 : vector<16xf32> to vector<1x16xf32>
    tpu.vector_store %arg7[%swap3A_486, %swap3A_487], %swap3A_490 {strides = array<i32>} : memref<2x1000xf32, #tpu.memory_space<vmem>>, vector<1x16xf32>,
    %get3A_491 = arith.constant 0 : i32
    %get3A_492 = arith.index_cast %get3A_491 : i32 to index
    %get3A_493 = arith.constant 448 : index
    %get3A_494 = tpu.vector_load %arg5[%get3A_492, %get3A_493] {strides = array<i32>} : memref<2x1000xf32, #tpu.memory_space<vmem>>, vector<1x16xf32>,
    %get3A_495 = vector.shape_cast %get3A_494 : vector<1x16xf32> to vector<16xf32>
    %get3A_496 = arith.constant 0 : i32
    %get3A_497 = arith.index_cast %get3A_496 : i32 to index
    %get3A_498 = arith.constant 448 : index
    %get3A_499 = tpu.vector_load %arg6[%get3A_497, %get3A_498] {strides = array<i32>} : memref<2x1000xf32, #tpu.memory_space<vmem>>, vector<1x16xf32>,
    %get3A_500 = vector.shape_cast %get3A_499 : vector<1x16xf32> to vector<16xf32>
    %add3A_501 = arith.addf %get3A_495, %get3A_500 : vector<16xf32>
    %swap3A_502 = arith.constant 0 : i32
    %swap3A_503 = arith.index_cast %swap3A_502 : i32 to index
    %swap3A_504 = arith.constant 448 : index
    %swap3A_505 = tpu.vector_load %arg7[%swap3A_503, %swap3A_504] {strides = array<i32>} : memref<2x1000xf32, #tpu.memory_space<vmem>>, vector<1x16xf32>,
    %swap3A_506 = vector.shape_cast %swap3A_505 : vector<1x16xf32> to vector<16xf32>
    %swap3A_507 = vector.shape_cast %add3A_501 : vector<16xf32> to vector<1x16xf32>
    tpu.vector_store %arg7[%swap3A_503, %swap3A_504], %swap3A_507 {strides = array<i32>} : memref<2x1000xf32, #tpu.memory_space<vmem>>, vector<1x16xf32>,
    %get3A_508 = arith.constant 0 : i32
    %get3A_509 = arith.index_cast %get3A_508 : i32 to index
    %get3A_510 = arith.constant 464 : index
    %get3A_511 = tpu.vector_load %arg5[%get3A_509, %get3A_510] {strides = array<i32>} : memref<2x1000xf32, #tpu.memory_space<vmem>>, vector<1x16xf32>,
    %get3A_512 = vector.shape_cast %get3A_511 : vector<1x16xf32> to vector<16xf32>
    %get3A_513 = arith.constant 0 : i32
    %get3A_514 = arith.index_cast %get3A_513 : i32 to index
    %get3A_515 = arith.constant 464 : index
    %get3A_516 = tpu.vector_load %arg6[%get3A_514, %get3A_515] {strides = array<i32>} : memref<2x1000xf32, #tpu.memory_space<vmem>>, vector<1x16xf32>,
    %get3A_517 = vector.shape_cast %get3A_516 : vector<1x16xf32> to vector<16xf32>
    %add3A_518 = arith.addf %get3A_512, %get3A_517 : vector<16xf32>
    %swap3A_519 = arith.constant 0 : i32
    %swap3A_520 = arith.index_cast %swap3A_519 : i32 to index
    %swap3A_521 = arith.constant 464 : index
    %swap3A_522 = tpu.vector_load %arg7[%swap3A_520, %swap3A_521] {strides = array<i32>} : memref<2x1000xf32, #tpu.memory_space<vmem>>, vector<1x16xf32>,
    %swap3A_523 = vector.shape_cast %swap3A_522 : vector<1x16xf32> to vector<16xf32>
    %swap3A_524 = vector.shape_cast %add3A_518 : vector<16xf32> to vector<1x16xf32>
    tpu.vector_store %arg7[%swap3A_520, %swap3A_521], %swap3A_524 {strides = array<i32>} : memref<2x1000xf32, #tpu.memory_space<vmem>>, vector<1x16xf32>,
    %get3A_525 = arith.constant 0 : i32
    %get3A_526 = arith.index_cast %get3A_525 : i32 to index
    %get3A_527 = arith.constant 480 : index
    %get3A_528 = tpu.vector_load %arg5[%get3A_526, %get3A_527] {strides = array<i32>} : memref<2x1000xf32, #tpu.memory_space<vmem>>, vector<1x16xf32>,
    %get3A_529 = vector.shape_cast %get3A_528 : vector<1x16xf32> to vector<16xf32>
    %get3A_530 = arith.constant 0 : i32
    %get3A_531 = arith.index_cast %get3A_530 : i32 to index
    %get3A_532 = arith.constant 480 : index
    %get3A_533 = tpu.vector_load %arg6[%get3A_531, %get3A_532] {strides = array<i32>} : memref<2x1000xf32, #tpu.memory_space<vmem>>, vector<1x16xf32>,
    %get3A_534 = vector.shape_cast %get3A_533 : vector<1x16xf32> to vector<16xf32>
    %add3A_535 = arith.addf %get3A_529, %get3A_534 : vector<16xf32>
    %swap3A_536 = arith.constant 0 : i32
    %swap3A_537 = arith.index_cast %swap3A_536 : i32 to index
    %swap3A_538 = arith.constant 480 : index
    %swap3A_539 = tpu.vector_load %arg7[%swap3A_537, %swap3A_538] {strides = array<i32>} : memref<2x1000xf32, #tpu.memory_space<vmem>>, vector<1x16xf32>,
    %swap3A_540 = vector.shape_cast %swap3A_539 : vector<1x16xf32> to vector<16xf32>
    %swap3A_541 = vector.shape_cast %add3A_535 : vector<16xf32> to vector<1x16xf32>
    tpu.vector_store %arg7[%swap3A_537, %swap3A_538], %swap3A_541 {strides = array<i32>} : memref<2x1000xf32, #tpu.memory_space<vmem>>, vector<1x16xf32>,
    %get3A_542 = arith.constant 0 : i32
    %get3A_543 = arith.index_cast %get3A_542 : i32 to index
    %get3A_544 = arith.constant 496 : index
    %get3A_545 = tpu.vector_load %arg5[%get3A_543, %get3A_544] {strides = array<i32>} : memref<2x1000xf32, #tpu.memory_space<vmem>>, vector<1x16xf32>,
    %get3A_546 = vector.shape_cast %get3A_545 : vector<1x16xf32> to vector<16xf32>
    %get3A_547 = arith.constant 0 : i32
    %get3A_548 = arith.index_cast %get3A_547 : i32 to index
    %get3A_549 = arith.constant 496 : index
    %get3A_550 = tpu.vector_load %arg6[%get3A_548, %get3A_549] {strides = array<i32>} : memref<2x1000xf32, #tpu.memory_space<vmem>>, vector<1x16xf32>,
    %get3A_551 = vector.shape_cast %get3A_550 : vector<1x16xf32> to vector<16xf32>
    %add3A_552 = arith.addf %get3A_546, %get3A_551 : vector<16xf32>
    %swap3A_553 = arith.constant 0 : i32
    %swap3A_554 = arith.index_cast %swap3A_553 : i32 to index
    %swap3A_555 = arith.constant 496 : index
    %swap3A_556 = tpu.vector_load %arg7[%swap3A_554, %swap3A_555] {strides = array<i32>} : memref<2x1000xf32, #tpu.memory_space<vmem>>, vector<1x16xf32>,
    %swap3A_557 = vector.shape_cast %swap3A_556 : vector<1x16xf32> to vector<16xf32>
    %swap3A_558 = vector.shape_cast %add3A_552 : vector<16xf32> to vector<1x16xf32>
    tpu.vector_store %arg7[%swap3A_554, %swap3A_555], %swap3A_558 {strides = array<i32>} : memref<2x1000xf32, #tpu.memory_space<vmem>>, vector<1x16xf32>,
    %get3A_559 = arith.constant 0 : i32
    %get3A_560 = arith.index_cast %get3A_559 : i32 to index
    %get3A_561 = arith.constant 512 : index
    %get3A_562 = tpu.vector_load %arg5[%get3A_560, %get3A_561] {strides = array<i32>} : memref<2x1000xf32, #tpu.memory_space<vmem>>, vector<1x16xf32>,
    %get3A_563 = vector.shape_cast %get3A_562 : vector<1x16xf32> to vector<16xf32>
    %get3A_564 = arith.constant 0 : i32
    %get3A_565 = arith.index_cast %get3A_564 : i32 to index
    %get3A_566 = arith.constant 512 : index
    %get3A_567 = tpu.vector_load %arg6[%get3A_565, %get3A_566] {strides = array<i32>} : memref<2x1000xf32, #tpu.memory_space<vmem>>, vector<1x16xf32>,
    %get3A_568 = vector.shape_cast %get3A_567 : vector<1x16xf32> to vector<16xf32>
    %add3A_569 = arith.addf %get3A_563, %get3A_568 : vector<16xf32>
    %swap3A_570 = arith.constant 0 : i32
    %swap3A_571 = arith.index_cast %swap3A_570 : i32 to index
    %swap3A_572 = arith.constant 512 : index
    %swap3A_573 = tpu.vector_load %arg7[%swap3A_571, %swap3A_572] {strides = array<i32>} : memref<2x1000xf32, #tpu.memory_space<vmem>>, vector<1x16xf32>,
    %swap3A_574 = vector.shape_cast %swap3A_573 : vector<1x16xf32> to vector<16xf32>
    %swap3A_575 = vector.shape_cast %add3A_569 : vector<16xf32> to vector<1x16xf32>
    tpu.vector_store %arg7[%swap3A_571, %swap3A_572], %swap3A_575 {strides = array<i32>} : memref<2x1000xf32, #tpu.memory_space<vmem>>, vector<1x16xf32>,
    %get3A_576 = arith.constant 0 : i32
    %get3A_577 = arith.index_cast %get3A_576 : i32 to index
    %get3A_578 = arith.constant 528 : index
    %get3A_579 = tpu.vector_load %arg5[%get3A_577, %get3A_578] {strides = array<i32>} : memref<2x1000xf32, #tpu.memory_space<vmem>>, vector<1x16xf32>,
    %get3A_580 = vector.shape_cast %get3A_579 : vector<1x16xf32> to vector<16xf32>
    %get3A_581 = arith.constant 0 : i32
    %get3A_582 = arith.index_cast %get3A_581 : i32 to index
    %get3A_583 = arith.constant 528 : index
    %get3A_584 = tpu.vector_load %arg6[%get3A_582, %get3A_583] {strides = array<i32>} : memref<2x1000xf32, #tpu.memory_space<vmem>>, vector<1x16xf32>,
    %get3A_585 = vector.shape_cast %get3A_584 : vector<1x16xf32> to vector<16xf32>
    %add3A_586 = arith.addf %get3A_580, %get3A_585 : vector<16xf32>
    %swap3A_587 = arith.constant 0 : i32
    %swap3A_588 = arith.index_cast %swap3A_587 : i32 to index
    %swap3A_589 = arith.constant 528 : index
    %swap3A_590 = tpu.vector_load %arg7[%swap3A_588, %swap3A_589] {strides = array<i32>} : memref<2x1000xf32, #tpu.memory_space<vmem>>, vector<1x16xf32>,
    %swap3A_591 = vector.shape_cast %swap3A_590 : vector<1x16xf32> to vector<16xf32>
    %swap3A_592 = vector.shape_cast %add3A_586 : vector<16xf32> to vector<1x16xf32>
    tpu.vector_store %arg7[%swap3A_588, %swap3A_589], %swap3A_592 {strides = array<i32>} : memref<2x1000xf32, #tpu.memory_space<vmem>>, vector<1x16xf32>,
    %get3A_593 = arith.constant 0 : i32
    %get3A_594 = arith.index_cast %get3A_593 : i32 to index
    %get3A_595 = arith.constant 544 : index
    %get3A_596 = tpu.vector_load %arg5[%get3A_594, %get3A_595] {strides = array<i32>} : memref<2x1000xf32, #tpu.memory_space<vmem>>, vector<1x16xf32>,
    %get3A_597 = vector.shape_cast %get3A_596 : vector<1x16xf32> to vector<16xf32>
    %get3A_598 = arith.constant 0 : i32
    %get3A_599 = arith.index_cast %get3A_598 : i32 to index
    %get3A_600 = arith.constant 544 : index
    %get3A_601 = tpu.vector_load %arg6[%get3A_599, %get3A_600] {strides = array<i32>} : memref<2x1000xf32, #tpu.memory_space<vmem>>, vector<1x16xf32>,
    %get3A_602 = vector.shape_cast %get3A_601 : vector<1x16xf32> to vector<16xf32>
    %add3A_603 = arith.addf %get3A_597, %get3A_602 : vector<16xf32>
    %swap3A_604 = arith.constant 0 : i32
    %swap3A_605 = arith.index_cast %swap3A_604 : i32 to index
    %swap3A_606 = arith.constant 544 : index
    %swap3A_607 = tpu.vector_load %arg7[%swap3A_605, %swap3A_606] {strides = array<i32>} : memref<2x1000xf32, #tpu.memory_space<vmem>>, vector<1x16xf32>,
    %swap3A_608 = vector.shape_cast %swap3A_607 : vector<1x16xf32> to vector<16xf32>
    %swap3A_609 = vector.shape_cast %add3A_603 : vector<16xf32> to vector<1x16xf32>
    tpu.vector_store %arg7[%swap3A_605, %swap3A_606], %swap3A_609 {strides = array<i32>} : memref<2x1000xf32, #tpu.memory_space<vmem>>, vector<1x16xf32>,
    %get3A_610 = arith.constant 0 : i32
    %get3A_611 = arith.index_cast %get3A_610 : i32 to index
    %get3A_612 = arith.constant 560 : index
    %get3A_613 = tpu.vector_load %arg5[%get3A_611, %get3A_612] {strides = array<i32>} : memref<2x1000xf32, #tpu.memory_space<vmem>>, vector<1x16xf32>,
    %get3A_614 = vector.shape_cast %get3A_613 : vector<1x16xf32> to vector<16xf32>
    %get3A_615 = arith.constant 0 : i32
    %get3A_616 = arith.index_cast %get3A_615 : i32 to index
    %get3A_617 = arith.constant 560 : index
    %get3A_618 = tpu.vector_load %arg6[%get3A_616, %get3A_617] {strides = array<i32>} : memref<2x1000xf32, #tpu.memory_space<vmem>>, vector<1x16xf32>,
    %get3A_619 = vector.shape_cast %get3A_618 : vector<1x16xf32> to vector<16xf32>
    %add3A_620 = arith.addf %get3A_614, %get3A_619 : vector<16xf32>
    %swap3A_621 = arith.constant 0 : i32
    %swap3A_622 = arith.index_cast %swap3A_621 : i32 to index
    %swap3A_623 = arith.constant 560 : index
    %swap3A_624 = tpu.vector_load %arg7[%swap3A_622, %swap3A_623] {strides = array<i32>} : memref<2x1000xf32, #tpu.memory_space<vmem>>, vector<1x16xf32>,
    %swap3A_625 = vector.shape_cast %swap3A_624 : vector<1x16xf32> to vector<16xf32>
    %swap3A_626 = vector.shape_cast %add3A_620 : vector<16xf32> to vector<1x16xf32>
    tpu.vector_store %arg7[%swap3A_622, %swap3A_623], %swap3A_626 {strides = array<i32>} : memref<2x1000xf32, #tpu.memory_space<vmem>>, vector<1x16xf32>,
    %get3A_627 = arith.constant 0 : i32
    %get3A_628 = arith.index_cast %get3A_627 : i32 to index
    %get3A_629 = arith.constant 576 : index
    %get3A_630 = tpu.vector_load %arg5[%get3A_628, %get3A_629] {strides = array<i32>} : memref<2x1000xf32, #tpu.memory_space<vmem>>, vector<1x16xf32>,
    %get3A_631 = vector.shape_cast %get3A_630 : vector<1x16xf32> to vector<16xf32>
    %get3A_632 = arith.constant 0 : i32
    %get3A_633 = arith.index_cast %get3A_632 : i32 to index
    %get3A_634 = arith.constant 576 : index
    %get3A_635 = tpu.vector_load %arg6[%get3A_633, %get3A_634] {strides = array<i32>} : memref<2x1000xf32, #tpu.memory_space<vmem>>, vector<1x16xf32>,
    %get3A_636 = vector.shape_cast %get3A_635 : vector<1x16xf32> to vector<16xf32>
    %add3A_637 = arith.addf %get3A_631, %get3A_636 : vector<16xf32>
    %swap3A_638 = arith.constant 0 : i32
    %swap3A_639 = arith.index_cast %swap3A_638 : i32 to index
    %swap3A_640 = arith.constant 576 : index
    %swap3A_641 = tpu.vector_load %arg7[%swap3A_639, %swap3A_640] {strides = array<i32>} : memref<2x1000xf32, #tpu.memory_space<vmem>>, vector<1x16xf32>,
    %swap3A_642 = vector.shape_cast %swap3A_641 : vector<1x16xf32> to vector<16xf32>
    %swap3A_643 = vector.shape_cast %add3A_637 : vector<16xf32> to vector<1x16xf32>
    tpu.vector_store %arg7[%swap3A_639, %swap3A_640], %swap3A_643 {strides = array<i32>} : memref<2x1000xf32, #tpu.memory_space<vmem>>, vector<1x16xf32>,
    %get3A_644 = arith.constant 0 : i32
    %get3A_645 = arith.index_cast %get3A_644 : i32 to index
    %get3A_646 = arith.constant 592 : index
    %get3A_647 = tpu.vector_load %arg5[%get3A_645, %get3A_646] {strides = array<i32>} : memref<2x1000xf32, #tpu.memory_space<vmem>>, vector<1x16xf32>,
    %get3A_648 = vector.shape_cast %get3A_647 : vector<1x16xf32> to vector<16xf32>
    %get3A_649 = arith.constant 0 : i32
    %get3A_650 = arith.index_cast %get3A_649 : i32 to index
    %get3A_651 = arith.constant 592 : index
    %get3A_652 = tpu.vector_load %arg6[%get3A_650, %get3A_651] {strides = array<i32>} : memref<2x1000xf32, #tpu.memory_space<vmem>>, vector<1x16xf32>,
    %get3A_653 = vector.shape_cast %get3A_652 : vector<1x16xf32> to vector<16xf32>
    %add3A_654 = arith.addf %get3A_648, %get3A_653 : vector<16xf32>
    %swap3A_655 = arith.constant 0 : i32
    %swap3A_656 = arith.index_cast %swap3A_655 : i32 to index
    %swap3A_657 = arith.constant 592 : index
    %swap3A_658 = tpu.vector_load %arg7[%swap3A_656, %swap3A_657] {strides = array<i32>} : memref<2x1000xf32, #tpu.memory_space<vmem>>, vector<1x16xf32>,
    %swap3A_659 = vector.shape_cast %swap3A_658 : vector<1x16xf32> to vector<16xf32>
    %swap3A_660 = vector.shape_cast %add3A_654 : vector<16xf32> to vector<1x16xf32>
    tpu.vector_store %arg7[%swap3A_656, %swap3A_657], %swap3A_660 {strides = array<i32>} : memref<2x1000xf32, #tpu.memory_space<vmem>>, vector<1x16xf32>,
    %get3A_661 = arith.constant 0 : i32
    %get3A_662 = arith.index_cast %get3A_661 : i32 to index
    %get3A_663 = arith.constant 608 : index
    %get3A_664 = tpu.vector_load %arg5[%get3A_662, %get3A_663] {strides = array<i32>} : memref<2x1000xf32, #tpu.memory_space<vmem>>, vector<1x16xf32>,
    %get3A_665 = vector.shape_cast %get3A_664 : vector<1x16xf32> to vector<16xf32>
    %get3A_666 = arith.constant 0 : i32
    %get3A_667 = arith.index_cast %get3A_666 : i32 to index
    %get3A_668 = arith.constant 608 : index
    %get3A_669 = tpu.vector_load %arg6[%get3A_667, %get3A_668] {strides = array<i32>} : memref<2x1000xf32, #tpu.memory_space<vmem>>, vector<1x16xf32>,
    %get3A_670 = vector.shape_cast %get3A_669 : vector<1x16xf32> to vector<16xf32>
    %add3A_671 = arith.addf %get3A_665, %get3A_670 : vector<16xf32>
    %swap3A_672 = arith.constant 0 : i32
    %swap3A_673 = arith.index_cast %swap3A_672 : i32 to index
    %swap3A_674 = arith.constant 608 : index
    %swap3A_675 = tpu.vector_load %arg7[%swap3A_673, %swap3A_674] {strides = array<i32>} : memref<2x1000xf32, #tpu.memory_space<vmem>>, vector<1x16xf32>,
    %swap3A_676 = vector.shape_cast %swap3A_675 : vector<1x16xf32> to vector<16xf32>
    %swap3A_677 = vector.shape_cast %add3A_671 : vector<16xf32> to vector<1x16xf32>
    tpu.vector_store %arg7[%swap3A_673, %swap3A_674], %swap3A_677 {strides = array<i32>} : memref<2x1000xf32, #tpu.memory_space<vmem>>, vector<1x16xf32>,
    %get3A_678 = arith.constant 0 : i32
    %get3A_679 = arith.index_cast %get3A_678 : i32 to index
    %get3A_680 = arith.constant 624 : index
    %get3A_681 = tpu.vector_load %arg5[%get3A_679, %get3A_680] {strides = array<i32>} : memref<2x1000xf32, #tpu.memory_space<vmem>>, vector<1x16xf32>,
    %get3A_682 = vector.shape_cast %get3A_681 : vector<1x16xf32> to vector<16xf32>
    %get3A_683 = arith.constant 0 : i32
    %get3A_684 = arith.index_cast %get3A_683 : i32 to index
    %get3A_685 = arith.constant 624 : index
    %get3A_686 = tpu.vector_load %arg6[%get3A_684, %get3A_685] {strides = array<i32>} : memref<2x1000xf32, #tpu.memory_space<vmem>>, vector<1x16xf32>,
    %get3A_687 = vector.shape_cast %get3A_686 : vector<1x16xf32> to vector<16xf32>
    %add3A_688 = arith.addf %get3A_682, %get3A_687 : vector<16xf32>
    %swap3A_689 = arith.constant 0 : i32
    %swap3A_690 = arith.index_cast %swap3A_689 : i32 to index
    %swap3A_691 = arith.constant 624 : index
    %swap3A_692 = tpu.vector_load %arg7[%swap3A_690, %swap3A_691] {strides = array<i32>} : memref<2x1000xf32, #tpu.memory_space<vmem>>, vector<1x16xf32>,
    %swap3A_693 = vector.shape_cast %swap3A_692 : vector<1x16xf32> to vector<16xf32>
    %swap3A_694 = vector.shape_cast %add3A_688 : vector<16xf32> to vector<1x16xf32>
    tpu.vector_store %arg7[%swap3A_690, %swap3A_691], %swap3A_694 {strides = array<i32>} : memref<2x1000xf32, #tpu.memory_space<vmem>>, vector<1x16xf32>,
    %get3A_695 = arith.constant 0 : i32
    %get3A_696 = arith.index_cast %get3A_695 : i32 to index
    %get3A_697 = arith.constant 640 : index
    %get3A_698 = tpu.vector_load %arg5[%get3A_696, %get3A_697] {strides = array<i32>} : memref<2x1000xf32, #tpu.memory_space<vmem>>, vector<1x16xf32>,
    %get3A_699 = vector.shape_cast %get3A_698 : vector<1x16xf32> to vector<16xf32>
    %get3A_700 = arith.constant 0 : i32
    %get3A_701 = arith.index_cast %get3A_700 : i32 to index
    %get3A_702 = arith.constant 640 : index
    %get3A_703 = tpu.vector_load %arg6[%get3A_701, %get3A_702] {strides = array<i32>} : memref<2x1000xf32, #tpu.memory_space<vmem>>, vector<1x16xf32>,
    %get3A_704 = vector.shape_cast %get3A_703 : vector<1x16xf32> to vector<16xf32>
    %add3A_705 = arith.addf %get3A_699, %get3A_704 : vector<16xf32>
    %swap3A_706 = arith.constant 0 : i32
    %swap3A_707 = arith.index_cast %swap3A_706 : i32 to index
    %swap3A_708 = arith.constant 640 : index
    %swap3A_709 = tpu.vector_load %arg7[%swap3A_707, %swap3A_708] {strides = array<i32>} : memref<2x1000xf32, #tpu.memory_space<vmem>>, vector<1x16xf32>,
    %swap3A_710 = vector.shape_cast %swap3A_709 : vector<1x16xf32> to vector<16xf32>
    %swap3A_711 = vector.shape_cast %add3A_705 : vector<16xf32> to vector<1x16xf32>
    tpu.vector_store %arg7[%swap3A_707, %swap3A_708], %swap3A_711 {strides = array<i32>} : memref<2x1000xf32, #tpu.memory_space<vmem>>, vector<1x16xf32>,
    %get3A_712 = arith.constant 0 : i32
    %get3A_713 = arith.index_cast %get3A_712 : i32 to index
    %get3A_714 = arith.constant 656 : index
    %get3A_715 = tpu.vector_load %arg5[%get3A_713, %get3A_714] {strides = array<i32>} : memref<2x1000xf32, #tpu.memory_space<vmem>>, vector<1x16xf32>,
    %get3A_716 = vector.shape_cast %get3A_715 : vector<1x16xf32> to vector<16xf32>
    %get3A_717 = arith.constant 0 : i32
    %get3A_718 = arith.index_cast %get3A_717 : i32 to index
    %get3A_719 = arith.constant 656 : index
    %get3A_720 = tpu.vector_load %arg6[%get3A_718, %get3A_719] {strides = array<i32>} : memref<2x1000xf32, #tpu.memory_space<vmem>>, vector<1x16xf32>,
    %get3A_721 = vector.shape_cast %get3A_720 : vector<1x16xf32> to vector<16xf32>
    %add3A_722 = arith.addf %get3A_716, %get3A_721 : vector<16xf32>
    %swap3A_723 = arith.constant 0 : i32
    %swap3A_724 = arith.index_cast %swap3A_723 : i32 to index
    %swap3A_725 = arith.constant 656 : index
    %swap3A_726 = tpu.vector_load %arg7[%swap3A_724, %swap3A_725] {strides = array<i32>} : memref<2x1000xf32, #tpu.memory_space<vmem>>, vector<1x16xf32>,
    %swap3A_727 = vector.shape_cast %swap3A_726 : vector<1x16xf32> to vector<16xf32>
    %swap3A_728 = vector.shape_cast %add3A_722 : vector<16xf32> to vector<1x16xf32>
    tpu.vector_store %arg7[%swap3A_724, %swap3A_725], %swap3A_728 {strides = array<i32>} : memref<2x1000xf32, #tpu.memory_space<vmem>>, vector<1x16xf32>,
    %get3A_729 = arith.constant 0 : i32
    %get3A_730 = arith.index_cast %get3A_729 : i32 to index
    %get3A_731 = arith.constant 672 : index
    %get3A_732 = tpu.vector_load %arg5[%get3A_730, %get3A_731] {strides = array<i32>} : memref<2x1000xf32, #tpu.memory_space<vmem>>, vector<1x16xf32>,
    %get3A_733 = vector.shape_cast %get3A_732 : vector<1x16xf32> to vector<16xf32>
    %get3A_734 = arith.constant 0 : i32
    %get3A_735 = arith.index_cast %get3A_734 : i32 to index
    %get3A_736 = arith.constant 672 : index
    %get3A_737 = tpu.vector_load %arg6[%get3A_735, %get3A_736] {strides = array<i32>} : memref<2x1000xf32, #tpu.memory_space<vmem>>, vector<1x16xf32>,
    %get3A_738 = vector.shape_cast %get3A_737 : vector<1x16xf32> to vector<16xf32>
    %add3A_739 = arith.addf %get3A_733, %get3A_738 : vector<16xf32>
    %swap3A_740 = arith.constant 0 : i32
    %swap3A_741 = arith.index_cast %swap3A_740 : i32 to index
    %swap3A_742 = arith.constant 672 : index
    %swap3A_743 = tpu.vector_load %arg7[%swap3A_741, %swap3A_742] {strides = array<i32>} : memref<2x1000xf32, #tpu.memory_space<vmem>>, vector<1x16xf32>,
    %swap3A_744 = vector.shape_cast %swap3A_743 : vector<1x16xf32> to vector<16xf32>
    %swap3A_745 = vector.shape_cast %add3A_739 : vector<16xf32> to vector<1x16xf32>
    tpu.vector_store %arg7[%swap3A_741, %swap3A_742], %swap3A_745 {strides = array<i32>} : memref<2x1000xf32, #tpu.memory_space<vmem>>, vector<1x16xf32>,
    %get3A_746 = arith.constant 0 : i32
    %get3A_747 = arith.index_cast %get3A_746 : i32 to index
    %get3A_748 = arith.constant 688 : index
    %get3A_749 = tpu.vector_load %arg5[%get3A_747, %get3A_748] {strides = array<i32>} : memref<2x1000xf32, #tpu.memory_space<vmem>>, vector<1x16xf32>,
    %get3A_750 = vector.shape_cast %get3A_749 : vector<1x16xf32> to vector<16xf32>
    %get3A_751 = arith.constant 0 : i32
    %get3A_752 = arith.index_cast %get3A_751 : i32 to index
    %get3A_753 = arith.constant 688 : index
    %get3A_754 = tpu.vector_load %arg6[%get3A_752, %get3A_753] {strides = array<i32>} : memref<2x1000xf32, #tpu.memory_space<vmem>>, vector<1x16xf32>,
    %get3A_755 = vector.shape_cast %get3A_754 : vector<1x16xf32> to vector<16xf32>
    %add3A_756 = arith.addf %get3A_750, %get3A_755 : vector<16xf32>
    %swap3A_757 = arith.constant 0 : i32
    %swap3A_758 = arith.index_cast %swap3A_757 : i32 to index
    %swap3A_759 = arith.constant 688 : index
    %swap3A_760 = tpu.vector_load %arg7[%swap3A_758, %swap3A_759] {strides = array<i32>} : memref<2x1000xf32, #tpu.memory_space<vmem>>, vector<1x16xf32>,
    %swap3A_761 = vector.shape_cast %swap3A_760 : vector<1x16xf32> to vector<16xf32>
    %swap3A_762 = vector.shape_cast %add3A_756 : vector<16xf32> to vector<1x16xf32>
    tpu.vector_store %arg7[%swap3A_758, %swap3A_759], %swap3A_762 {strides = array<i32>} : memref<2x1000xf32, #tpu.memory_space<vmem>>, vector<1x16xf32>,
    %get3A_763 = arith.constant 0 : i32
    %get3A_764 = arith.index_cast %get3A_763 : i32 to index
    %get3A_765 = arith.constant 704 : index
    %get3A_766 = tpu.vector_load %arg5[%get3A_764, %get3A_765] {strides = array<i32>} : memref<2x1000xf32, #tpu.memory_space<vmem>>, vector<1x16xf32>,
    %get3A_767 = vector.shape_cast %get3A_766 : vector<1x16xf32> to vector<16xf32>
    %get3A_768 = arith.constant 0 : i32
    %get3A_769 = arith.index_cast %get3A_768 : i32 to index
    %get3A_770 = arith.constant 704 : index
    %get3A_771 = tpu.vector_load %arg6[%get3A_769, %get3A_770] {strides = array<i32>} : memref<2x1000xf32, #tpu.memory_space<vmem>>, vector<1x16xf32>,
    %get3A_772 = vector.shape_cast %get3A_771 : vector<1x16xf32> to vector<16xf32>
    %add3A_773 = arith.addf %get3A_767, %get3A_772 : vector<16xf32>
    %swap3A_774 = arith.constant 0 : i32
    %swap3A_775 = arith.index_cast %swap3A_774 : i32 to index
    %swap3A_776 = arith.constant 704 : index
    %swap3A_777 = tpu.vector_load %arg7[%swap3A_775, %swap3A_776] {strides = array<i32>} : memref<2x1000xf32, #tpu.memory_space<vmem>>, vector<1x16xf32>,
    %swap3A_778 = vector.shape_cast %swap3A_777 : vector<1x16xf32> to vector<16xf32>
    %swap3A_779 = vector.shape_cast %add3A_773 : vector<16xf32> to vector<1x16xf32>
    tpu.vector_store %arg7[%swap3A_775, %swap3A_776], %swap3A_779 {strides = array<i32>} : memref<2x1000xf32, #tpu.memory_space<vmem>>, vector<1x16xf32>,
    %get3A_780 = arith.constant 0 : i32
    %get3A_781 = arith.index_cast %get3A_780 : i32 to index
    %get3A_782 = arith.constant 720 : index
    %get3A_783 = tpu.vector_load %arg5[%get3A_781, %get3A_782] {strides = array<i32>} : memref<2x1000xf32, #tpu.memory_space<vmem>>, vector<1x16xf32>,
    %get3A_784 = vector.shape_cast %get3A_783 : vector<1x16xf32> to vector<16xf32>
    %get3A_785 = arith.constant 0 : i32
    %get3A_786 = arith.index_cast %get3A_785 : i32 to index
    %get3A_787 = arith.constant 720 : index
    %get3A_788 = tpu.vector_load %arg6[%get3A_786, %get3A_787] {strides = array<i32>} : memref<2x1000xf32, #tpu.memory_space<vmem>>, vector<1x16xf32>,
    %get3A_789 = vector.shape_cast %get3A_788 : vector<1x16xf32> to vector<16xf32>
    %add3A_790 = arith.addf %get3A_784, %get3A_789 : vector<16xf32>
    %swap3A_791 = arith.constant 0 : i32
    %swap3A_792 = arith.index_cast %swap3A_791 : i32 to index
    %swap3A_793 = arith.constant 720 : index
    %swap3A_794 = tpu.vector_load %arg7[%swap3A_792, %swap3A_793] {strides = array<i32>} : memref<2x1000xf32, #tpu.memory_space<vmem>>, vector<1x16xf32>,
    %swap3A_795 = vector.shape_cast %swap3A_794 : vector<1x16xf32> to vector<16xf32>
    %swap3A_796 = vector.shape_cast %add3A_790 : vector<16xf32> to vector<1x16xf32>
    tpu.vector_store %arg7[%swap3A_792, %swap3A_793], %swap3A_796 {strides = array<i32>} : memref<2x1000xf32, #tpu.memory_space<vmem>>, vector<1x16xf32>,
    %get3A_797 = arith.constant 0 : i32
    %get3A_798 = arith.index_cast %get3A_797 : i32 to index
    %get3A_799 = arith.constant 736 : index
    %get3A_800 = tpu.vector_load %arg5[%get3A_798, %get3A_799] {strides = array<i32>} : memref<2x1000xf32, #tpu.memory_space<vmem>>, vector<1x16xf32>,
    %get3A_801 = vector.shape_cast %get3A_800 : vector<1x16xf32> to vector<16xf32>
    %get3A_802 = arith.constant 0 : i32
    %get3A_803 = arith.index_cast %get3A_802 : i32 to index
    %get3A_804 = arith.constant 736 : index
    %get3A_805 = tpu.vector_load %arg6[%get3A_803, %get3A_804] {strides = array<i32>} : memref<2x1000xf32, #tpu.memory_space<vmem>>, vector<1x16xf32>,
    %get3A_806 = vector.shape_cast %get3A_805 : vector<1x16xf32> to vector<16xf32>
    %add3A_807 = arith.addf %get3A_801, %get3A_806 : vector<16xf32>
    %swap3A_808 = arith.constant 0 : i32
    %swap3A_809 = arith.index_cast %swap3A_808 : i32 to index
    %swap3A_810 = arith.constant 736 : index
    %swap3A_811 = tpu.vector_load %arg7[%swap3A_809, %swap3A_810] {strides = array<i32>} : memref<2x1000xf32, #tpu.memory_space<vmem>>, vector<1x16xf32>,
    %swap3A_812 = vector.shape_cast %swap3A_811 : vector<1x16xf32> to vector<16xf32>
    %swap3A_813 = vector.shape_cast %add3A_807 : vector<16xf32> to vector<1x16xf32>
    tpu.vector_store %arg7[%swap3A_809, %swap3A_810], %swap3A_813 {strides = array<i32>} : memref<2x1000xf32, #tpu.memory_space<vmem>>, vector<1x16xf32>,
    %get3A_814 = arith.constant 0 : i32
    %get3A_815 = arith.index_cast %get3A_814 : i32 to index
    %get3A_816 = arith.constant 752 : index
    %get3A_817 = tpu.vector_load %arg5[%get3A_815, %get3A_816] {strides = array<i32>} : memref<2x1000xf32, #tpu.memory_space<vmem>>, vector<1x16xf32>,
    %get3A_818 = vector.shape_cast %get3A_817 : vector<1x16xf32> to vector<16xf32>
    %get3A_819 = arith.constant 0 : i32
    %get3A_820 = arith.index_cast %get3A_819 : i32 to index
    %get3A_821 = arith.constant 752 : index
    %get3A_822 = tpu.vector_load %arg6[%get3A_820, %get3A_821] {strides = array<i32>} : memref<2x1000xf32, #tpu.memory_space<vmem>>, vector<1x16xf32>,
    %get3A_823 = vector.shape_cast %get3A_822 : vector<1x16xf32> to vector<16xf32>
    %add3A_824 = arith.addf %get3A_818, %get3A_823 : vector<16xf32>
    %swap3A_825 = arith.constant 0 : i32
    %swap3A_826 = arith.index_cast %swap3A_825 : i32 to index
    %swap3A_827 = arith.constant 752 : index
    %swap3A_828 = tpu.vector_load %arg7[%swap3A_826, %swap3A_827] {strides = array<i32>} : memref<2x1000xf32, #tpu.memory_space<vmem>>, vector<1x16xf32>,
    %swap3A_829 = vector.shape_cast %swap3A_828 : vector<1x16xf32> to vector<16xf32>
    %swap3A_830 = vector.shape_cast %add3A_824 : vector<16xf32> to vector<1x16xf32>
    tpu.vector_store %arg7[%swap3A_826, %swap3A_827], %swap3A_830 {strides = array<i32>} : memref<2x1000xf32, #tpu.memory_space<vmem>>, vector<1x16xf32>,
    %get3A_831 = arith.constant 0 : i32
    %get3A_832 = arith.index_cast %get3A_831 : i32 to index
    %get3A_833 = arith.constant 768 : index
    %get3A_834 = tpu.vector_load %arg5[%get3A_832, %get3A_833] {strides = array<i32>} : memref<2x1000xf32, #tpu.memory_space<vmem>>, vector<1x16xf32>,
    %get3A_835 = vector.shape_cast %get3A_834 : vector<1x16xf32> to vector<16xf32>
    %get3A_836 = arith.constant 0 : i32
    %get3A_837 = arith.index_cast %get3A_836 : i32 to index
    %get3A_838 = arith.constant 768 : index
    %get3A_839 = tpu.vector_load %arg6[%get3A_837, %get3A_838] {strides = array<i32>} : memref<2x1000xf32, #tpu.memory_space<vmem>>, vector<1x16xf32>,
    %get3A_840 = vector.shape_cast %get3A_839 : vector<1x16xf32> to vector<16xf32>
    %add3A_841 = arith.addf %get3A_835, %get3A_840 : vector<16xf32>
    %swap3A_842 = arith.constant 0 : i32
    %swap3A_843 = arith.index_cast %swap3A_842 : i32 to index
    %swap3A_844 = arith.constant 768 : index
    %swap3A_845 = tpu.vector_load %arg7[%swap3A_843, %swap3A_844] {strides = array<i32>} : memref<2x1000xf32, #tpu.memory_space<vmem>>, vector<1x16xf32>,
    %swap3A_846 = vector.shape_cast %swap3A_845 : vector<1x16xf32> to vector<16xf32>
    %swap3A_847 = vector.shape_cast %add3A_841 : vector<16xf32> to vector<1x16xf32>
    tpu.vector_store %arg7[%swap3A_843, %swap3A_844], %swap3A_847 {strides = array<i32>} : memref<2x1000xf32, #tpu.memory_space<vmem>>, vector<1x16xf32>,
    %get3A_848 = arith.constant 0 : i32
    %get3A_849 = arith.index_cast %get3A_848 : i32 to index
    %get3A_850 = arith.constant 784 : index
    %get3A_851 = tpu.vector_load %arg5[%get3A_849, %get3A_850] {strides = array<i32>} : memref<2x1000xf32, #tpu.memory_space<vmem>>, vector<1x16xf32>,
    %get3A_852 = vector.shape_cast %get3A_851 : vector<1x16xf32> to vector<16xf32>
    %get3A_853 = arith.constant 0 : i32
    %get3A_854 = arith.index_cast %get3A_853 : i32 to index
    %get3A_855 = arith.constant 784 : index
    %get3A_856 = tpu.vector_load %arg6[%get3A_854, %get3A_855] {strides = array<i32>} : memref<2x1000xf32, #tpu.memory_space<vmem>>, vector<1x16xf32>,
    %get3A_857 = vector.shape_cast %get3A_856 : vector<1x16xf32> to vector<16xf32>
    %add3A_858 = arith.addf %get3A_852, %get3A_857 : vector<16xf32>
    %swap3A_859 = arith.constant 0 : i32
    %swap3A_860 = arith.index_cast %swap3A_859 : i32 to index
    %swap3A_861 = arith.constant 784 : index
    %swap3A_862 = tpu.vector_load %arg7[%swap3A_860, %swap3A_861] {strides = array<i32>} : memref<2x1000xf32, #tpu.memory_space<vmem>>, vector<1x16xf32>,
    %swap3A_863 = vector.shape_cast %swap3A_862 : vector<1x16xf32> to vector<16xf32>
    %swap3A_864 = vector.shape_cast %add3A_858 : vector<16xf32> to vector<1x16xf32>
    tpu.vector_store %arg7[%swap3A_860, %swap3A_861], %swap3A_864 {strides = array<i32>} : memref<2x1000xf32, #tpu.memory_space<vmem>>, vector<1x16xf32>,
    %get3A_865 = arith.constant 0 : i32
    %get3A_866 = arith.index_cast %get3A_865 : i32 to index
    %get3A_867 = arith.constant 800 : index
    %get3A_868 = tpu.vector_load %arg5[%get3A_866, %get3A_867] {strides = array<i32>} : memref<2x1000xf32, #tpu.memory_space<vmem>>, vector<1x16xf32>,
    %get3A_869 = vector.shape_cast %get3A_868 : vector<1x16xf32> to vector<16xf32>
    %get3A_870 = arith.constant 0 : i32
    %get3A_871 = arith.index_cast %get3A_870 : i32 to index
    %get3A_872 = arith.constant 800 : index
    %get3A_873 = tpu.vector_load %arg6[%get3A_871, %get3A_872] {strides = array<i32>} : memref<2x1000xf32, #tpu.memory_space<vmem>>, vector<1x16xf32>,
    %get3A_874 = vector.shape_cast %get3A_873 : vector<1x16xf32> to vector<16xf32>
    %add3A_875 = arith.addf %get3A_869, %get3A_874 : vector<16xf32>
    %swap3A_876 = arith.constant 0 : i32
    %swap3A_877 = arith.index_cast %swap3A_876 : i32 to index
    %swap3A_878 = arith.constant 800 : index
    %swap3A_879 = tpu.vector_load %arg7[%swap3A_877, %swap3A_878] {strides = array<i32>} : memref<2x1000xf32, #tpu.memory_space<vmem>>, vector<1x16xf32>,
    %swap3A_880 = vector.shape_cast %swap3A_879 : vector<1x16xf32> to vector<16xf32>
    %swap3A_881 = vector.shape_cast %add3A_875 : vector<16xf32> to vector<1x16xf32>
    tpu.vector_store %arg7[%swap3A_877, %swap3A_878], %swap3A_881 {strides = array<i32>} : memref<2x1000xf32, #tpu.memory_space<vmem>>, vector<1x16xf32>,
    %get3A_882 = arith.constant 0 : i32
    %get3A_883 = arith.index_cast %get3A_882 : i32 to index
    %get3A_884 = arith.constant 816 : index
    %get3A_885 = tpu.vector_load %arg5[%get3A_883, %get3A_884] {strides = array<i32>} : memref<2x1000xf32, #tpu.memory_space<vmem>>, vector<1x16xf32>,
    %get3A_886 = vector.shape_cast %get3A_885 : vector<1x16xf32> to vector<16xf32>
    %get3A_887 = arith.constant 0 : i32
    %get3A_888 = arith.index_cast %get3A_887 : i32 to index
    %get3A_889 = arith.constant 816 : index
    %get3A_890 = tpu.vector_load %arg6[%get3A_888, %get3A_889] {strides = array<i32>} : memref<2x1000xf32, #tpu.memory_space<vmem>>, vector<1x16xf32>,
    %get3A_891 = vector.shape_cast %get3A_890 : vector<1x16xf32> to vector<16xf32>
    %add3A_892 = arith.addf %get3A_886, %get3A_891 : vector<16xf32>
    %swap3A_893 = arith.constant 0 : i32
    %swap3A_894 = arith.index_cast %swap3A_893 : i32 to index
    %swap3A_895 = arith.constant 816 : index
    %swap3A_896 = tpu.vector_load %arg7[%swap3A_894, %swap3A_895] {strides = array<i32>} : memref<2x1000xf32, #tpu.memory_space<vmem>>, vector<1x16xf32>,
    %swap3A_897 = vector.shape_cast %swap3A_896 : vector<1x16xf32> to vector<16xf32>
    %swap3A_898 = vector.shape_cast %add3A_892 : vector<16xf32> to vector<1x16xf32>
    tpu.vector_store %arg7[%swap3A_894, %swap3A_895], %swap3A_898 {strides = array<i32>} : memref<2x1000xf32, #tpu.memory_space<vmem>>, vector<1x16xf32>,
    %get3A_899 = arith.constant 0 : i32
    %get3A_900 = arith.index_cast %get3A_899 : i32 to index
    %get3A_901 = arith.constant 832 : index
    %get3A_902 = tpu.vector_load %arg5[%get3A_900, %get3A_901] {strides = array<i32>} : memref<2x1000xf32, #tpu.memory_space<vmem>>, vector<1x16xf32>,
    %get3A_903 = vector.shape_cast %get3A_902 : vector<1x16xf32> to vector<16xf32>
    %get3A_904 = arith.constant 0 : i32
    %get3A_905 = arith.index_cast %get3A_904 : i32 to index
    %get3A_906 = arith.constant 832 : index
    %get3A_907 = tpu.vector_load %arg6[%get3A_905, %get3A_906] {strides = array<i32>} : memref<2x1000xf32, #tpu.memory_space<vmem>>, vector<1x16xf32>,
    %get3A_908 = vector.shape_cast %get3A_907 : vector<1x16xf32> to vector<16xf32>
    %add3A_909 = arith.addf %get3A_903, %get3A_908 : vector<16xf32>
    %swap3A_910 = arith.constant 0 : i32
    %swap3A_911 = arith.index_cast %swap3A_910 : i32 to index
    %swap3A_912 = arith.constant 832 : index
    %swap3A_913 = tpu.vector_load %arg7[%swap3A_911, %swap3A_912] {strides = array<i32>} : memref<2x1000xf32, #tpu.memory_space<vmem>>, vector<1x16xf32>,
    %swap3A_914 = vector.shape_cast %swap3A_913 : vector<1x16xf32> to vector<16xf32>
    %swap3A_915 = vector.shape_cast %add3A_909 : vector<16xf32> to vector<1x16xf32>
    tpu.vector_store %arg7[%swap3A_911, %swap3A_912], %swap3A_915 {strides = array<i32>} : memref<2x1000xf32, #tpu.memory_space<vmem>>, vector<1x16xf32>,
    %get3A_916 = arith.constant 0 : i32
    %get3A_917 = arith.index_cast %get3A_916 : i32 to index
    %get3A_918 = arith.constant 848 : index
    %get3A_919 = tpu.vector_load %arg5[%get3A_917, %get3A_918] {strides = array<i32>} : memref<2x1000xf32, #tpu.memory_space<vmem>>, vector<1x16xf32>,
    %get3A_920 = vector.shape_cast %get3A_919 : vector<1x16xf32> to vector<16xf32>
    %get3A_921 = arith.constant 0 : i32
    %get3A_922 = arith.index_cast %get3A_921 : i32 to index
    %get3A_923 = arith.constant 848 : index
    %get3A_924 = tpu.vector_load %arg6[%get3A_922, %get3A_923] {strides = array<i32>} : memref<2x1000xf32, #tpu.memory_space<vmem>>, vector<1x16xf32>,
    %get3A_925 = vector.shape_cast %get3A_924 : vector<1x16xf32> to vector<16xf32>
    %add3A_926 = arith.addf %get3A_920, %get3A_925 : vector<16xf32>
    %swap3A_927 = arith.constant 0 : i32
    %swap3A_928 = arith.index_cast %swap3A_927 : i32 to index
    %swap3A_929 = arith.constant 848 : index
    %swap3A_930 = tpu.vector_load %arg7[%swap3A_928, %swap3A_929] {strides = array<i32>} : memref<2x1000xf32, #tpu.memory_space<vmem>>, vector<1x16xf32>,
    %swap3A_931 = vector.shape_cast %swap3A_930 : vector<1x16xf32> to vector<16xf32>
    %swap3A_932 = vector.shape_cast %add3A_926 : vector<16xf32> to vector<1x16xf32>
    tpu.vector_store %arg7[%swap3A_928, %swap3A_929], %swap3A_932 {strides = array<i32>} : memref<2x1000xf32, #tpu.memory_space<vmem>>, vector<1x16xf32>,
    %get3A_933 = arith.constant 0 : i32
    %get3A_934 = arith.index_cast %get3A_933 : i32 to index
    %get3A_935 = arith.constant 864 : index
    %get3A_936 = tpu.vector_load %arg5[%get3A_934, %get3A_935] {strides = array<i32>} : memref<2x1000xf32, #tpu.memory_space<vmem>>, vector<1x16xf32>,
    %get3A_937 = vector.shape_cast %get3A_936 : vector<1x16xf32> to vector<16xf32>
    %get3A_938 = arith.constant 0 : i32
    %get3A_939 = arith.index_cast %get3A_938 : i32 to index
    %get3A_940 = arith.constant 864 : index
    %get3A_941 = tpu.vector_load %arg6[%get3A_939, %get3A_940] {strides = array<i32>} : memref<2x1000xf32, #tpu.memory_space<vmem>>, vector<1x16xf32>,
    %get3A_942 = vector.shape_cast %get3A_941 : vector<1x16xf32> to vector<16xf32>
    %add3A_943 = arith.addf %get3A_937, %get3A_942 : vector<16xf32>
    %swap3A_944 = arith.constant 0 : i32
    %swap3A_945 = arith.index_cast %swap3A_944 : i32 to index
    %swap3A_946 = arith.constant 864 : index
    %swap3A_947 = tpu.vector_load %arg7[%swap3A_945, %swap3A_946] {strides = array<i32>} : memref<2x1000xf32, #tpu.memory_space<vmem>>, vector<1x16xf32>,
    %swap3A_948 = vector.shape_cast %swap3A_947 : vector<1x16xf32> to vector<16xf32>
    %swap3A_949 = vector.shape_cast %add3A_943 : vector<16xf32> to vector<1x16xf32>
    tpu.vector_store %arg7[%swap3A_945, %swap3A_946], %swap3A_949 {strides = array<i32>} : memref<2x1000xf32, #tpu.memory_space<vmem>>, vector<1x16xf32>,
    %get3A_950 = arith.constant 0 : i32
    %get3A_951 = arith.index_cast %get3A_950 : i32 to index
    %get3A_952 = arith.constant 880 : index
    %get3A_953 = tpu.vector_load %arg5[%get3A_951, %get3A_952] {strides = array<i32>} : memref<2x1000xf32, #tpu.memory_space<vmem>>, vector<1x16xf32>,
    %get3A_954 = vector.shape_cast %get3A_953 : vector<1x16xf32> to vector<16xf32>
    %get3A_955 = arith.constant 0 : i32
    %get3A_956 = arith.index_cast %get3A_955 : i32 to index
    %get3A_957 = arith.constant 880 : index
    %get3A_958 = tpu.vector_load %arg6[%get3A_956, %get3A_957] {strides = array<i32>} : memref<2x1000xf32, #tpu.memory_space<vmem>>, vector<1x16xf32>,
    %get3A_959 = vector.shape_cast %get3A_958 : vector<1x16xf32> to vector<16xf32>
    %add3A_960 = arith.addf %get3A_954, %get3A_959 : vector<16xf32>
    %swap3A_961 = arith.constant 0 : i32
    %swap3A_962 = arith.index_cast %swap3A_961 : i32 to index
    %swap3A_963 = arith.constant 880 : index
    %swap3A_964 = tpu.vector_load %arg7[%swap3A_962, %swap3A_963] {strides = array<i32>} : memref<2x1000xf32, #tpu.memory_space<vmem>>, vector<1x16xf32>,
    %swap3A_965 = vector.shape_cast %swap3A_964 : vector<1x16xf32> to vector<16xf32>
    %swap3A_966 = vector.shape_cast %add3A_960 : vector<16xf32> to vector<1x16xf32>
    tpu.vector_store %arg7[%swap3A_962, %swap3A_963], %swap3A_966 {strides = array<i32>} : memref<2x1000xf32, #tpu.memory_space<vmem>>, vector<1x16xf32>,
    %get3A_967 = arith.constant 0 : i32
    %get3A_968 = arith.index_cast %get3A_967 : i32 to index
    %get3A_969 = arith.constant 896 : index
    %get3A_970 = tpu.vector_load %arg5[%get3A_968, %get3A_969] {strides = array<i32>} : memref<2x1000xf32, #tpu.memory_space<vmem>>, vector<1x16xf32>,
    %get3A_971 = vector.shape_cast %get3A_970 : vector<1x16xf32> to vector<16xf32>
    %get3A_972 = arith.constant 0 : i32
    %get3A_973 = arith.index_cast %get3A_972 : i32 to index
    %get3A_974 = arith.constant 896 : index
    %get3A_975 = tpu.vector_load %arg6[%get3A_973, %get3A_974] {strides = array<i32>} : memref<2x1000xf32, #tpu.memory_space<vmem>>, vector<1x16xf32>,
    %get3A_976 = vector.shape_cast %get3A_975 : vector<1x16xf32> to vector<16xf32>
    %add3A_977 = arith.addf %get3A_971, %get3A_976 : vector<16xf32>
    %swap3A_978 = arith.constant 0 : i32
    %swap3A_979 = arith.index_cast %swap3A_978 : i32 to index
    %swap3A_980 = arith.constant 896 : index
    %swap3A_981 = tpu.vector_load %arg7[%swap3A_979, %swap3A_980] {strides = array<i32>} : memref<2x1000xf32, #tpu.memory_space<vmem>>, vector<1x16xf32>,
    %swap3A_982 = vector.shape_cast %swap3A_981 : vector<1x16xf32> to vector<16xf32>
    %swap3A_983 = vector.shape_cast %add3A_977 : vector<16xf32> to vector<1x16xf32>
    tpu.vector_store %arg7[%swap3A_979, %swap3A_980], %swap3A_983 {strides = array<i32>} : memref<2x1000xf32, #tpu.memory_space<vmem>>, vector<1x16xf32>,
    %get3A_984 = arith.constant 0 : i32
    %get3A_985 = arith.index_cast %get3A_984 : i32 to index
    %get3A_986 = arith.constant 912 : index
    %get3A_987 = tpu.vector_load %arg5[%get3A_985, %get3A_986] {strides = array<i32>} : memref<2x1000xf32, #tpu.memory_space<vmem>>, vector<1x16xf32>,
    %get3A_988 = vector.shape_cast %get3A_987 : vector<1x16xf32> to vector<16xf32>
    %get3A_989 = arith.constant 0 : i32
    %get3A_990 = arith.index_cast %get3A_989 : i32 to index
    %get3A_991 = arith.constant 912 : index
    %get3A_992 = tpu.vector_load %arg6[%get3A_990, %get3A_991] {strides = array<i32>} : memref<2x1000xf32, #tpu.memory_space<vmem>>, vector<1x16xf32>,
    %get3A_993 = vector.shape_cast %get3A_992 : vector<1x16xf32> to vector<16xf32>
    %add3A_994 = arith.addf %get3A_988, %get3A_993 : vector<16xf32>
    %swap3A_995 = arith.constant 0 : i32
    %swap3A_996 = arith.index_cast %swap3A_995 : i32 to index
    %swap3A_997 = arith.constant 912 : index
    %swap3A_998 = tpu.vector_load %arg7[%swap3A_996, %swap3A_997] {strides = array<i32>} : memref<2x1000xf32, #tpu.memory_space<vmem>>, vector<1x16xf32>,
    %swap3A_999 = vector.shape_cast %swap3A_998 : vector<1x16xf32> to vector<16xf32>
    %swap3A_1000 = vector.shape_cast %add3A_994 : vector<16xf32> to vector<1x16xf32>
    tpu.vector_store %arg7[%swap3A_996, %swap3A_997], %swap3A_1000 {strides = array<i32>} : memref<2x1000xf32, #tpu.memory_space<vmem>>, vector<1x16xf32>,
    %get3A_1001 = arith.constant 0 : i32
    %get3A_1002 = arith.index_cast %get3A_1001 : i32 to index
    %get3A_1003 = arith.constant 928 : index
    %get3A_1004 = tpu.vector_load %arg5[%get3A_1002, %get3A_1003] {strides = array<i32>} : memref<2x1000xf32, #tpu.memory_space<vmem>>, vector<1x16xf32>,
    %get3A_1005 = vector.shape_cast %get3A_1004 : vector<1x16xf32> to vector<16xf32>
    %get3A_1006 = arith.constant 0 : i32
    %get3A_1007 = arith.index_cast %get3A_1006 : i32 to index
    %get3A_1008 = arith.constant 928 : index
    %get3A_1009 = tpu.vector_load %arg6[%get3A_1007, %get3A_1008] {strides = array<i32>} : memref<2x1000xf32, #tpu.memory_space<vmem>>, vector<1x16xf32>,
    %get3A_1010 = vector.shape_cast %get3A_1009 : vector<1x16xf32> to vector<16xf32>
    %add3A_1011 = arith.addf %get3A_1005, %get3A_1010 : vector<16xf32>
    %swap3A_1012 = arith.constant 0 : i32
    %swap3A_1013 = arith.index_cast %swap3A_1012 : i32 to index
    %swap3A_1014 = arith.constant 928 : index
    %swap3A_1015 = tpu.vector_load %arg7[%swap3A_1013, %swap3A_1014] {strides = array<i32>} : memref<2x1000xf32, #tpu.memory_space<vmem>>, vector<1x16xf32>,
    %swap3A_1016 = vector.shape_cast %swap3A_1015 : vector<1x16xf32> to vector<16xf32>
    %swap3A_1017 = vector.shape_cast %add3A_1011 : vector<16xf32> to vector<1x16xf32>
    tpu.vector_store %arg7[%swap3A_1013, %swap3A_1014], %swap3A_1017 {strides = array<i32>} : memref<2x1000xf32, #tpu.memory_space<vmem>>, vector<1x16xf32>,
    %get3A_1018 = arith.constant 0 : i32
    %get3A_1019 = arith.index_cast %get3A_1018 : i32 to index
    %get3A_1020 = arith.constant 944 : index
    %get3A_1021 = tpu.vector_load %arg5[%get3A_1019, %get3A_1020] {strides = array<i32>} : memref<2x1000xf32, #tpu.memory_space<vmem>>, vector<1x16xf32>,
    %get3A_1022 = vector.shape_cast %get3A_1021 : vector<1x16xf32> to vector<16xf32>
    %get3A_1023 = arith.constant 0 : i32
    %get3A_1024 = arith.index_cast %get3A_1023 : i32 to index
    %get3A_1025 = arith.constant 944 : index
    %get3A_1026 = tpu.vector_load %arg6[%get3A_1024, %get3A_1025] {strides = array<i32>} : memref<2x1000xf32, #tpu.memory_space<vmem>>, vector<1x16xf32>,
    %get3A_1027 = vector.shape_cast %get3A_1026 : vector<1x16xf32> to vector<16xf32>
    %add3A_1028 = arith.addf %get3A_1022, %get3A_1027 : vector<16xf32>
    %swap3A_1029 = arith.constant 0 : i32
    %swap3A_1030 = arith.index_cast %swap3A_1029 : i32 to index
    %swap3A_1031 = arith.constant 944 : index
    %swap3A_1032 = tpu.vector_load %arg7[%swap3A_1030, %swap3A_1031] {strides = array<i32>} : memref<2x1000xf32, #tpu.memory_space<vmem>>, vector<1x16xf32>,
    %swap3A_1033 = vector.shape_cast %swap3A_1032 : vector<1x16xf32> to vector<16xf32>
    %swap3A_1034 = vector.shape_cast %add3A_1028 : vector<16xf32> to vector<1x16xf32>
    tpu.vector_store %arg7[%swap3A_1030, %swap3A_1031], %swap3A_1034 {strides = array<i32>} : memref<2x1000xf32, #tpu.memory_space<vmem>>, vector<1x16xf32>,
    %get3A_1035 = arith.constant 0 : i32
    %get3A_1036 = arith.index_cast %get3A_1035 : i32 to index
    %get3A_1037 = arith.constant 960 : index
    %get3A_1038 = tpu.vector_load %arg5[%get3A_1036, %get3A_1037] {strides = array<i32>} : memref<2x1000xf32, #tpu.memory_space<vmem>>, vector<1x16xf32>,
    %get3A_1039 = vector.shape_cast %get3A_1038 : vector<1x16xf32> to vector<16xf32>
    %get3A_1040 = arith.constant 0 : i32
    %get3A_1041 = arith.index_cast %get3A_1040 : i32 to index
    %get3A_1042 = arith.constant 960 : index
    %get3A_1043 = tpu.vector_load %arg6[%get3A_1041, %get3A_1042] {strides = array<i32>} : memref<2x1000xf32, #tpu.memory_space<vmem>>, vector<1x16xf32>,
    %get3A_1044 = vector.shape_cast %get3A_1043 : vector<1x16xf32> to vector<16xf32>
    %add3A_1045 = arith.addf %get3A_1039, %get3A_1044 : vector<16xf32>
    %swap3A_1046 = arith.constant 0 : i32
    %swap3A_1047 = arith.index_cast %swap3A_1046 : i32 to index
    %swap3A_1048 = arith.constant 960 : index
    %swap3A_1049 = tpu.vector_load %arg7[%swap3A_1047, %swap3A_1048] {strides = array<i32>} : memref<2x1000xf32, #tpu.memory_space<vmem>>, vector<1x16xf32>,
    %swap3A_1050 = vector.shape_cast %swap3A_1049 : vector<1x16xf32> to vector<16xf32>
    %swap3A_1051 = vector.shape_cast %add3A_1045 : vector<16xf32> to vector<1x16xf32>
    tpu.vector_store %arg7[%swap3A_1047, %swap3A_1048], %swap3A_1051 {strides = array<i32>} : memref<2x1000xf32, #tpu.memory_space<vmem>>, vector<1x16xf32>,
    %get3A_1052 = arith.constant 0 : i32
    %get3A_1053 = arith.index_cast %get3A_1052 : i32 to index
    %get3A_1054 = arith.constant 976 : index
    %get3A_1055 = tpu.vector_load %arg5[%get3A_1053, %get3A_1054] {strides = array<i32>} : memref<2x1000xf32, #tpu.memory_space<vmem>>, vector<1x16xf32>,
    %get3A_1056 = vector.shape_cast %get3A_1055 : vector<1x16xf32> to vector<16xf32>
    %get3A_1057 = arith.constant 0 : i32
    %get3A_1058 = arith.index_cast %get3A_1057 : i32 to index
    %get3A_1059 = arith.constant 976 : index
    %get3A_1060 = tpu.vector_load %arg6[%get3A_1058, %get3A_1059] {strides = array<i32>} : memref<2x1000xf32, #tpu.memory_space<vmem>>, vector<1x16xf32>,
    %get3A_1061 = vector.shape_cast %get3A_1060 : vector<1x16xf32> to vector<16xf32>
    %add3A_1062 = arith.addf %get3A_1056, %get3A_1061 : vector<16xf32>
    %swap3A_1063 = arith.constant 0 : i32
    %swap3A_1064 = arith.index_cast %swap3A_1063 : i32 to index
    %swap3A_1065 = arith.constant 976 : index
    %swap3A_1066 = tpu.vector_load %arg7[%swap3A_1064, %swap3A_1065] {strides = array<i32>} : memref<2x1000xf32, #tpu.memory_space<vmem>>, vector<1x16xf32>,
    %swap3A_1067 = vector.shape_cast %swap3A_1066 : vector<1x16xf32> to vector<16xf32>
    %swap3A_1068 = vector.shape_cast %add3A_1062 : vector<16xf32> to vector<1x16xf32>
    tpu.vector_store %arg7[%swap3A_1064, %swap3A_1065], %swap3A_1068 {strides = array<i32>} : memref<2x1000xf32, #tpu.memory_space<vmem>>, vector<1x16xf32>,
    %get3A_1069 = arith.constant 0 : i32
    %get3A_1070 = arith.index_cast %get3A_1069 : i32 to index
    %get3A_1071 = arith.constant 984 : index
    %get3A_1072 = tpu.vector_load %arg5[%get3A_1070, %get3A_1071] {strides = array<i32>} : memref<2x1000xf32, #tpu.memory_space<vmem>>, vector<1x16xf32>,
    %get3A_1073 = vector.shape_cast %get3A_1072 : vector<1x16xf32> to vector<16xf32>
    %get3A_1074 = arith.constant 0 : i32
    %get3A_1075 = arith.index_cast %get3A_1074 : i32 to index
    %get3A_1076 = arith.constant 984 : index
    %get3A_1077 = tpu.vector_load %arg6[%get3A_1075, %get3A_1076] {strides = array<i32>} : memref<2x1000xf32, #tpu.memory_space<vmem>>, vector<1x16xf32>,
    %get3A_1078 = vector.shape_cast %get3A_1077 : vector<1x16xf32> to vector<16xf32>
    %add3A_1079 = arith.addf %get3A_1073, %get3A_1078 : vector<16xf32>
    %swap3A_1080 = arith.constant 0 : i32
    %swap3A_1081 = arith.index_cast %swap3A_1080 : i32 to index
    %swap3A_1082 = arith.constant 984 : index
    %swap3A_1083 = tpu.vector_load %arg7[%swap3A_1081, %swap3A_1082] {strides = array<i32>} : memref<2x1000xf32, #tpu.memory_space<vmem>>, vector<1x16xf32>,
    %swap3A_1084 = vector.shape_cast %swap3A_1083 : vector<1x16xf32> to vector<16xf32>
    %swap3A_1085 = vector.shape_cast %add3A_1079 : vector<16xf32> to vector<1x16xf32>
    tpu.vector_store %arg7[%swap3A_1081, %swap3A_1082], %swap3A_1085 {strides = array<i32>} : memref<2x1000xf32, #tpu.memory_space<vmem>>, vector<1x16xf32>,
    %get3A_1086 = arith.constant 1 : i32
    %get3A_1087 = arith.index_cast %get3A_1086 : i32 to index
    %get3A_1088 = arith.constant 0 : index
    %get3A_1089 = tpu.vector_load %arg5[%get3A_1087, %get3A_1088] {strides = array<i32>} : memref<2x1000xf32, #tpu.memory_space<vmem>>, vector<1x16xf32>,
    %get3A_1090 = vector.shape_cast %get3A_1089 : vector<1x16xf32> to vector<16xf32>
    %get3A_1091 = arith.constant 1 : i32
    %get3A_1092 = arith.index_cast %get3A_1091 : i32 to index
    %get3A_1093 = arith.constant 0 : index
    %get3A_1094 = tpu.vector_load %arg6[%get3A_1092, %get3A_1093] {strides = array<i32>} : memref<2x1000xf32, #tpu.memory_space<vmem>>, vector<1x16xf32>,
    %get3A_1095 = vector.shape_cast %get3A_1094 : vector<1x16xf32> to vector<16xf32>
    %add3A_1096 = arith.addf %get3A_1090, %get3A_1095 : vector<16xf32>
    %swap3A_1097 = arith.constant 1 : i32
    %swap3A_1098 = arith.index_cast %swap3A_1097 : i32 to index
    %swap3A_1099 = arith.constant 0 : index
    %swap3A_1100 = tpu.vector_load %arg7[%swap3A_1098, %swap3A_1099] {strides = array<i32>} : memref<2x1000xf32, #tpu.memory_space<vmem>>, vector<1x16xf32>,
    %swap3A_1101 = vector.shape_cast %swap3A_1100 : vector<1x16xf32> to vector<16xf32>
    %swap3A_1102 = vector.shape_cast %add3A_1096 : vector<16xf32> to vector<1x16xf32>
    tpu.vector_store %arg7[%swap3A_1098, %swap3A_1099], %swap3A_1102 {strides = array<i32>} : memref<2x1000xf32, #tpu.memory_space<vmem>>, vector<1x16xf32>,
    %get3A_1103 = arith.constant 1 : i32
    %get3A_1104 = arith.index_cast %get3A_1103 : i32 to index
    %get3A_1105 = arith.constant 16 : index
    %get3A_1106 = tpu.vector_load %arg5[%get3A_1104, %get3A_1105] {strides = array<i32>} : memref<2x1000xf32, #tpu.memory_space<vmem>>, vector<1x16xf32>,
    %get3A_1107 = vector.shape_cast %get3A_1106 : vector<1x16xf32> to vector<16xf32>
    %get3A_1108 = arith.constant 1 : i32
    %get3A_1109 = arith.index_cast %get3A_1108 : i32 to index
    %get3A_1110 = arith.constant 16 : index
    %get3A_1111 = tpu.vector_load %arg6[%get3A_1109, %get3A_1110] {strides = array<i32>} : memref<2x1000xf32, #tpu.memory_space<vmem>>, vector<1x16xf32>,
    %get3A_1112 = vector.shape_cast %get3A_1111 : vector<1x16xf32> to vector<16xf32>
    %add3A_1113 = arith.addf %get3A_1107, %get3A_1112 : vector<16xf32>
    %swap3A_1114 = arith.constant 1 : i32
    %swap3A_1115 = arith.index_cast %swap3A_1114 : i32 to index
    %swap3A_1116 = arith.constant 16 : index
    %swap3A_1117 = tpu.vector_load %arg7[%swap3A_1115, %swap3A_1116] {strides = array<i32>} : memref<2x1000xf32, #tpu.memory_space<vmem>>, vector<1x16xf32>,
    %swap3A_1118 = vector.shape_cast %swap3A_1117 : vector<1x16xf32> to vector<16xf32>
    %swap3A_1119 = vector.shape_cast %add3A_1113 : vector<16xf32> to vector<1x16xf32>
    tpu.vector_store %arg7[%swap3A_1115, %swap3A_1116], %swap3A_1119 {strides = array<i32>} : memref<2x1000xf32, #tpu.memory_space<vmem>>, vector<1x16xf32>,
    %get3A_1120 = arith.constant 1 : i32
    %get3A_1121 = arith.index_cast %get3A_1120 : i32 to index
    %get3A_1122 = arith.constant 32 : index
    %get3A_1123 = tpu.vector_load %arg5[%get3A_1121, %get3A_1122] {strides = array<i32>} : memref<2x1000xf32, #tpu.memory_space<vmem>>, vector<1x16xf32>,
    %get3A_1124 = vector.shape_cast %get3A_1123 : vector<1x16xf32> to vector<16xf32>
    %get3A_1125 = arith.constant 1 : i32
    %get3A_1126 = arith.index_cast %get3A_1125 : i32 to index
    %get3A_1127 = arith.constant 32 : index
    %get3A_1128 = tpu.vector_load %arg6[%get3A_1126, %get3A_1127] {strides = array<i32>} : memref<2x1000xf32, #tpu.memory_space<vmem>>, vector<1x16xf32>,
    %get3A_1129 = vector.shape_cast %get3A_1128 : vector<1x16xf32> to vector<16xf32>
    %add3A_1130 = arith.addf %get3A_1124, %get3A_1129 : vector<16xf32>
    %swap3A_1131 = arith.constant 1 : i32
    %swap3A_1132 = arith.index_cast %swap3A_1131 : i32 to index
    %swap3A_1133 = arith.constant 32 : index
    %swap3A_1134 = tpu.vector_load %arg7[%swap3A_1132, %swap3A_1133] {strides = array<i32>} : memref<2x1000xf32, #tpu.memory_space<vmem>>, vector<1x16xf32>,
    %swap3A_1135 = vector.shape_cast %swap3A_1134 : vector<1x16xf32> to vector<16xf32>
    %swap3A_1136 = vector.shape_cast %add3A_1130 : vector<16xf32> to vector<1x16xf32>
    tpu.vector_store %arg7[%swap3A_1132, %swap3A_1133], %swap3A_1136 {strides = array<i32>} : memref<2x1000xf32, #tpu.memory_space<vmem>>, vector<1x16xf32>,
    %get3A_1137 = arith.constant 1 : i32
    %get3A_1138 = arith.index_cast %get3A_1137 : i32 to index
    %get3A_1139 = arith.constant 48 : index
    %get3A_1140 = tpu.vector_load %arg5[%get3A_1138, %get3A_1139] {strides = array<i32>} : memref<2x1000xf32, #tpu.memory_space<vmem>>, vector<1x16xf32>,
    %get3A_1141 = vector.shape_cast %get3A_1140 : vector<1x16xf32> to vector<16xf32>
    %get3A_1142 = arith.constant 1 : i32
    %get3A_1143 = arith.index_cast %get3A_1142 : i32 to index
    %get3A_1144 = arith.constant 48 : index
    %get3A_1145 = tpu.vector_load %arg6[%get3A_1143, %get3A_1144] {strides = array<i32>} : memref<2x1000xf32, #tpu.memory_space<vmem>>, vector<1x16xf32>,
    %get3A_1146 = vector.shape_cast %get3A_1145 : vector<1x16xf32> to vector<16xf32>
    %add3A_1147 = arith.addf %get3A_1141, %get3A_1146 : vector<16xf32>
    %swap3A_1148 = arith.constant 1 : i32
    %swap3A_1149 = arith.index_cast %swap3A_1148 : i32 to index
    %swap3A_1150 = arith.constant 48 : index
    %swap3A_1151 = tpu.vector_load %arg7[%swap3A_1149, %swap3A_1150] {strides = array<i32>} : memref<2x1000xf32, #tpu.memory_space<vmem>>, vector<1x16xf32>,
    %swap3A_1152 = vector.shape_cast %swap3A_1151 : vector<1x16xf32> to vector<16xf32>
    %swap3A_1153 = vector.shape_cast %add3A_1147 : vector<16xf32> to vector<1x16xf32>
    tpu.vector_store %arg7[%swap3A_1149, %swap3A_1150], %swap3A_1153 {strides = array<i32>} : memref<2x1000xf32, #tpu.memory_space<vmem>>, vector<1x16xf32>,
    %get3A_1154 = arith.constant 1 : i32
    %get3A_1155 = arith.index_cast %get3A_1154 : i32 to index
    %get3A_1156 = arith.constant 64 : index
    %get3A_1157 = tpu.vector_load %arg5[%get3A_1155, %get3A_1156] {strides = array<i32>} : memref<2x1000xf32, #tpu.memory_space<vmem>>, vector<1x16xf32>,
    %get3A_1158 = vector.shape_cast %get3A_1157 : vector<1x16xf32> to vector<16xf32>
    %get3A_1159 = arith.constant 1 : i32
    %get3A_1160 = arith.index_cast %get3A_1159 : i32 to index
    %get3A_1161 = arith.constant 64 : index
    %get3A_1162 = tpu.vector_load %arg6[%get3A_1160, %get3A_1161] {strides = array<i32>} : memref<2x1000xf32, #tpu.memory_space<vmem>>, vector<1x16xf32>,
    %get3A_1163 = vector.shape_cast %get3A_1162 : vector<1x16xf32> to vector<16xf32>
    %add3A_1164 = arith.addf %get3A_1158, %get3A_1163 : vector<16xf32>
    %swap3A_1165 = arith.constant 1 : i32
    %swap3A_1166 = arith.index_cast %swap3A_1165 : i32 to index
    %swap3A_1167 = arith.constant 64 : index
    %swap3A_1168 = tpu.vector_load %arg7[%swap3A_1166, %swap3A_1167] {strides = array<i32>} : memref<2x1000xf32, #tpu.memory_space<vmem>>, vector<1x16xf32>,
    %swap3A_1169 = vector.shape_cast %swap3A_1168 : vector<1x16xf32> to vector<16xf32>
    %swap3A_1170 = vector.shape_cast %add3A_1164 : vector<16xf32> to vector<1x16xf32>
    tpu.vector_store %arg7[%swap3A_1166, %swap3A_1167], %swap3A_1170 {strides = array<i32>} : memref<2x1000xf32, #tpu.memory_space<vmem>>, vector<1x16xf32>,
    %get3A_1171 = arith.constant 1 : i32
    %get3A_1172 = arith.index_cast %get3A_1171 : i32 to index
    %get3A_1173 = arith.constant 80 : index
    %get3A_1174 = tpu.vector_load %arg5[%get3A_1172, %get3A_1173] {strides = array<i32>} : memref<2x1000xf32, #tpu.memory_space<vmem>>, vector<1x16xf32>,
    %get3A_1175 = vector.shape_cast %get3A_1174 : vector<1x16xf32> to vector<16xf32>
    %get3A_1176 = arith.constant 1 : i32
    %get3A_1177 = arith.index_cast %get3A_1176 : i32 to index
    %get3A_1178 = arith.constant 80 : index
    %get3A_1179 = tpu.vector_load %arg6[%get3A_1177, %get3A_1178] {strides = array<i32>} : memref<2x1000xf32, #tpu.memory_space<vmem>>, vector<1x16xf32>,
    %get3A_1180 = vector.shape_cast %get3A_1179 : vector<1x16xf32> to vector<16xf32>
    %add3A_1181 = arith.addf %get3A_1175, %get3A_1180 : vector<16xf32>
    %swap3A_1182 = arith.constant 1 : i32
    %swap3A_1183 = arith.index_cast %swap3A_1182 : i32 to index
    %swap3A_1184 = arith.constant 80 : index
    %swap3A_1185 = tpu.vector_load %arg7[%swap3A_1183, %swap3A_1184] {strides = array<i32>} : memref<2x1000xf32, #tpu.memory_space<vmem>>, vector<1x16xf32>,
    %swap3A_1186 = vector.shape_cast %swap3A_1185 : vector<1x16xf32> to vector<16xf32>
    %swap3A_1187 = vector.shape_cast %add3A_1181 : vector<16xf32> to vector<1x16xf32>
    tpu.vector_store %arg7[%swap3A_1183, %swap3A_1184], %swap3A_1187 {strides = array<i32>} : memref<2x1000xf32, #tpu.memory_space<vmem>>, vector<1x16xf32>,
    %get3A_1188 = arith.constant 1 : i32
    %get3A_1189 = arith.index_cast %get3A_1188 : i32 to index
    %get3A_1190 = arith.constant 96 : index
    %get3A_1191 = tpu.vector_load %arg5[%get3A_1189, %get3A_1190] {strides = array<i32>} : memref<2x1000xf32, #tpu.memory_space<vmem>>, vector<1x16xf32>,
    %get3A_1192 = vector.shape_cast %get3A_1191 : vector<1x16xf32> to vector<16xf32>
    %get3A_1193 = arith.constant 1 : i32
    %get3A_1194 = arith.index_cast %get3A_1193 : i32 to index
    %get3A_1195 = arith.constant 96 : index
    %get3A_1196 = tpu.vector_load %arg6[%get3A_1194, %get3A_1195] {strides = array<i32>} : memref<2x1000xf32, #tpu.memory_space<vmem>>, vector<1x16xf32>,
    %get3A_1197 = vector.shape_cast %get3A_1196 : vector<1x16xf32> to vector<16xf32>
    %add3A_1198 = arith.addf %get3A_1192, %get3A_1197 : vector<16xf32>
    %swap3A_1199 = arith.constant 1 : i32
    %swap3A_1200 = arith.index_cast %swap3A_1199 : i32 to index
    %swap3A_1201 = arith.constant 96 : index
    %swap3A_1202 = tpu.vector_load %arg7[%swap3A_1200, %swap3A_1201] {strides = array<i32>} : memref<2x1000xf32, #tpu.memory_space<vmem>>, vector<1x16xf32>,
    %swap3A_1203 = vector.shape_cast %swap3A_1202 : vector<1x16xf32> to vector<16xf32>
    %swap3A_1204 = vector.shape_cast %add3A_1198 : vector<16xf32> to vector<1x16xf32>
    tpu.vector_store %arg7[%swap3A_1200, %swap3A_1201], %swap3A_1204 {strides = array<i32>} : memref<2x1000xf32, #tpu.memory_space<vmem>>, vector<1x16xf32>,
    %get3A_1205 = arith.constant 1 : i32
    %get3A_1206 = arith.index_cast %get3A_1205 : i32 to index
    %get3A_1207 = arith.constant 112 : index
    %get3A_1208 = tpu.vector_load %arg5[%get3A_1206, %get3A_1207] {strides = array<i32>} : memref<2x1000xf32, #tpu.memory_space<vmem>>, vector<1x16xf32>,
    %get3A_1209 = vector.shape_cast %get3A_1208 : vector<1x16xf32> to vector<16xf32>
    %get3A_1210 = arith.constant 1 : i32
    %get3A_1211 = arith.index_cast %get3A_1210 : i32 to index
    %get3A_1212 = arith.constant 112 : index
    %get3A_1213 = tpu.vector_load %arg6[%get3A_1211, %get3A_1212] {strides = array<i32>} : memref<2x1000xf32, #tpu.memory_space<vmem>>, vector<1x16xf32>,
    %get3A_1214 = vector.shape_cast %get3A_1213 : vector<1x16xf32> to vector<16xf32>
    %add3A_1215 = arith.addf %get3A_1209, %get3A_1214 : vector<16xf32>
    %swap3A_1216 = arith.constant 1 : i32
    %swap3A_1217 = arith.index_cast %swap3A_1216 : i32 to index
    %swap3A_1218 = arith.constant 112 : index
    %swap3A_1219 = tpu.vector_load %arg7[%swap3A_1217, %swap3A_1218] {strides = array<i32>} : memref<2x1000xf32, #tpu.memory_space<vmem>>, vector<1x16xf32>,
    %swap3A_1220 = vector.shape_cast %swap3A_1219 : vector<1x16xf32> to vector<16xf32>
    %swap3A_1221 = vector.shape_cast %add3A_1215 : vector<16xf32> to vector<1x16xf32>
    tpu.vector_store %arg7[%swap3A_1217, %swap3A_1218], %swap3A_1221 {strides = array<i32>} : memref<2x1000xf32, #tpu.memory_space<vmem>>, vector<1x16xf32>,
    %get3A_1222 = arith.constant 1 : i32
    %get3A_1223 = arith.index_cast %get3A_1222 : i32 to index
    %get3A_1224 = arith.constant 128 : index
    %get3A_1225 = tpu.vector_load %arg5[%get3A_1223, %get3A_1224] {strides = array<i32>} : memref<2x1000xf32, #tpu.memory_space<vmem>>, vector<1x16xf32>,
    %get3A_1226 = vector.shape_cast %get3A_1225 : vector<1x16xf32> to vector<16xf32>
    %get3A_1227 = arith.constant 1 : i32
    %get3A_1228 = arith.index_cast %get3A_1227 : i32 to index
    %get3A_1229 = arith.constant 128 : index
    %get3A_1230 = tpu.vector_load %arg6[%get3A_1228, %get3A_1229] {strides = array<i32>} : memref<2x1000xf32, #tpu.memory_space<vmem>>, vector<1x16xf32>,
    %get3A_1231 = vector.shape_cast %get3A_1230 : vector<1x16xf32> to vector<16xf32>
    %add3A_1232 = arith.addf %get3A_1226, %get3A_1231 : vector<16xf32>
    %swap3A_1233 = arith.constant 1 : i32
    %swap3A_1234 = arith.index_cast %swap3A_1233 : i32 to index
    %swap3A_1235 = arith.constant 128 : index
    %swap3A_1236 = tpu.vector_load %arg7[%swap3A_1234, %swap3A_1235] {strides = array<i32>} : memref<2x1000xf32, #tpu.memory_space<vmem>>, vector<1x16xf32>,
    %swap3A_1237 = vector.shape_cast %swap3A_1236 : vector<1x16xf32> to vector<16xf32>
    %swap3A_1238 = vector.shape_cast %add3A_1232 : vector<16xf32> to vector<1x16xf32>
    tpu.vector_store %arg7[%swap3A_1234, %swap3A_1235], %swap3A_1238 {strides = array<i32>} : memref<2x1000xf32, #tpu.memory_space<vmem>>, vector<1x16xf32>,
    %get3A_1239 = arith.constant 1 : i32
    %get3A_1240 = arith.index_cast %get3A_1239 : i32 to index
    %get3A_1241 = arith.constant 144 : index
    %get3A_1242 = tpu.vector_load %arg5[%get3A_1240, %get3A_1241] {strides = array<i32>} : memref<2x1000xf32, #tpu.memory_space<vmem>>, vector<1x16xf32>,
    %get3A_1243 = vector.shape_cast %get3A_1242 : vector<1x16xf32> to vector<16xf32>
    %get3A_1244 = arith.constant 1 : i32
    %get3A_1245 = arith.index_cast %get3A_1244 : i32 to index
    %get3A_1246 = arith.constant 144 : index
    %get3A_1247 = tpu.vector_load %arg6[%get3A_1245, %get3A_1246] {strides = array<i32>} : memref<2x1000xf32, #tpu.memory_space<vmem>>, vector<1x16xf32>,
    %get3A_1248 = vector.shape_cast %get3A_1247 : vector<1x16xf32> to vector<16xf32>
    %add3A_1249 = arith.addf %get3A_1243, %get3A_1248 : vector<16xf32>
    %swap3A_1250 = arith.constant 1 : i32
    %swap3A_1251 = arith.index_cast %swap3A_1250 : i32 to index
    %swap3A_1252 = arith.constant 144 : index
    %swap3A_1253 = tpu.vector_load %arg7[%swap3A_1251, %swap3A_1252] {strides = array<i32>} : memref<2x1000xf32, #tpu.memory_space<vmem>>, vector<1x16xf32>,
    %swap3A_1254 = vector.shape_cast %swap3A_1253 : vector<1x16xf32> to vector<16xf32>
    %swap3A_1255 = vector.shape_cast %add3A_1249 : vector<16xf32> to vector<1x16xf32>
    tpu.vector_store %arg7[%swap3A_1251, %swap3A_1252], %swap3A_1255 {strides = array<i32>} : memref<2x1000xf32, #tpu.memory_space<vmem>>, vector<1x16xf32>,
    %get3A_1256 = arith.constant 1 : i32
    %get3A_1257 = arith.index_cast %get3A_1256 : i32 to index
    %get3A_1258 = arith.constant 160 : index
    %get3A_1259 = tpu.vector_load %arg5[%get3A_1257, %get3A_1258] {strides = array<i32>} : memref<2x1000xf32, #tpu.memory_space<vmem>>, vector<1x16xf32>,
    %get3A_1260 = vector.shape_cast %get3A_1259 : vector<1x16xf32> to vector<16xf32>
    %get3A_1261 = arith.constant 1 : i32
    %get3A_1262 = arith.index_cast %get3A_1261 : i32 to index
    %get3A_1263 = arith.constant 160 : index
    %get3A_1264 = tpu.vector_load %arg6[%get3A_1262, %get3A_1263] {strides = array<i32>} : memref<2x1000xf32, #tpu.memory_space<vmem>>, vector<1x16xf32>,
    %get3A_1265 = vector.shape_cast %get3A_1264 : vector<1x16xf32> to vector<16xf32>
    %add3A_1266 = arith.addf %get3A_1260, %get3A_1265 : vector<16xf32>
    %swap3A_1267 = arith.constant 1 : i32
    %swap3A_1268 = arith.index_cast %swap3A_1267 : i32 to index
    %swap3A_1269 = arith.constant 160 : index
    %swap3A_1270 = tpu.vector_load %arg7[%swap3A_1268, %swap3A_1269] {strides = array<i32>} : memref<2x1000xf32, #tpu.memory_space<vmem>>, vector<1x16xf32>,
    %swap3A_1271 = vector.shape_cast %swap3A_1270 : vector<1x16xf32> to vector<16xf32>
    %swap3A_1272 = vector.shape_cast %add3A_1266 : vector<16xf32> to vector<1x16xf32>
    tpu.vector_store %arg7[%swap3A_1268, %swap3A_1269], %swap3A_1272 {strides = array<i32>} : memref<2x1000xf32, #tpu.memory_space<vmem>>, vector<1x16xf32>,
    %get3A_1273 = arith.constant 1 : i32
    %get3A_1274 = arith.index_cast %get3A_1273 : i32 to index
    %get3A_1275 = arith.constant 176 : index
    %get3A_1276 = tpu.vector_load %arg5[%get3A_1274, %get3A_1275] {strides = array<i32>} : memref<2x1000xf32, #tpu.memory_space<vmem>>, vector<1x16xf32>,
    %get3A_1277 = vector.shape_cast %get3A_1276 : vector<1x16xf32> to vector<16xf32>
    %get3A_1278 = arith.constant 1 : i32
    %get3A_1279 = arith.index_cast %get3A_1278 : i32 to index
    %get3A_1280 = arith.constant 176 : index
    %get3A_1281 = tpu.vector_load %arg6[%get3A_1279, %get3A_1280] {strides = array<i32>} : memref<2x1000xf32, #tpu.memory_space<vmem>>, vector<1x16xf32>,
    %get3A_1282 = vector.shape_cast %get3A_1281 : vector<1x16xf32> to vector<16xf32>
    %add3A_1283 = arith.addf %get3A_1277, %get3A_1282 : vector<16xf32>
    %swap3A_1284 = arith.constant 1 : i32
    %swap3A_1285 = arith.index_cast %swap3A_1284 : i32 to index
    %swap3A_1286 = arith.constant 176 : index
    %swap3A_1287 = tpu.vector_load %arg7[%swap3A_1285, %swap3A_1286] {strides = array<i32>} : memref<2x1000xf32, #tpu.memory_space<vmem>>, vector<1x16xf32>,
    %swap3A_1288 = vector.shape_cast %swap3A_1287 : vector<1x16xf32> to vector<16xf32>
    %swap3A_1289 = vector.shape_cast %add3A_1283 : vector<16xf32> to vector<1x16xf32>
    tpu.vector_store %arg7[%swap3A_1285, %swap3A_1286], %swap3A_1289 {strides = array<i32>} : memref<2x1000xf32, #tpu.memory_space<vmem>>, vector<1x16xf32>,
    %get3A_1290 = arith.constant 1 : i32
    %get3A_1291 = arith.index_cast %get3A_1290 : i32 to index
    %get3A_1292 = arith.constant 192 : index
    %get3A_1293 = tpu.vector_load %arg5[%get3A_1291, %get3A_1292] {strides = array<i32>} : memref<2x1000xf32, #tpu.memory_space<vmem>>, vector<1x16xf32>,
    %get3A_1294 = vector.shape_cast %get3A_1293 : vector<1x16xf32> to vector<16xf32>
    %get3A_1295 = arith.constant 1 : i32
    %get3A_1296 = arith.index_cast %get3A_1295 : i32 to index
    %get3A_1297 = arith.constant 192 : index
    %get3A_1298 = tpu.vector_load %arg6[%get3A_1296, %get3A_1297] {strides = array<i32>} : memref<2x1000xf32, #tpu.memory_space<vmem>>, vector<1x16xf32>,
    %get3A_1299 = vector.shape_cast %get3A_1298 : vector<1x16xf32> to vector<16xf32>
    %add3A_1300 = arith.addf %get3A_1294, %get3A_1299 : vector<16xf32>
    %swap3A_1301 = arith.constant 1 : i32
    %swap3A_1302 = arith.index_cast %swap3A_1301 : i32 to index
    %swap3A_1303 = arith.constant 192 : index
    %swap3A_1304 = tpu.vector_load %arg7[%swap3A_1302, %swap3A_1303] {strides = array<i32>} : memref<2x1000xf32, #tpu.memory_space<vmem>>, vector<1x16xf32>,
    %swap3A_1305 = vector.shape_cast %swap3A_1304 : vector<1x16xf32> to vector<16xf32>
    %swap3A_1306 = vector.shape_cast %add3A_1300 : vector<16xf32> to vector<1x16xf32>
    tpu.vector_store %arg7[%swap3A_1302, %swap3A_1303], %swap3A_1306 {strides = array<i32>} : memref<2x1000xf32, #tpu.memory_space<vmem>>, vector<1x16xf32>,
    %get3A_1307 = arith.constant 1 : i32
    %get3A_1308 = arith.index_cast %get3A_1307 : i32 to index
    %get3A_1309 = arith.constant 208 : index
    %get3A_1310 = tpu.vector_load %arg5[%get3A_1308, %get3A_1309] {strides = array<i32>} : memref<2x1000xf32, #tpu.memory_space<vmem>>, vector<1x16xf32>,
    %get3A_1311 = vector.shape_cast %get3A_1310 : vector<1x16xf32> to vector<16xf32>
    %get3A_1312 = arith.constant 1 : i32
    %get3A_1313 = arith.index_cast %get3A_1312 : i32 to index
    %get3A_1314 = arith.constant 208 : index
    %get3A_1315 = tpu.vector_load %arg6[%get3A_1313, %get3A_1314] {strides = array<i32>} : memref<2x1000xf32, #tpu.memory_space<vmem>>, vector<1x16xf32>,
    %get3A_1316 = vector.shape_cast %get3A_1315 : vector<1x16xf32> to vector<16xf32>
    %add3A_1317 = arith.addf %get3A_1311, %get3A_1316 : vector<16xf32>
    %swap3A_1318 = arith.constant 1 : i32
    %swap3A_1319 = arith.index_cast %swap3A_1318 : i32 to index
    %swap3A_1320 = arith.constant 208 : index
    %swap3A_1321 = tpu.vector_load %arg7[%swap3A_1319, %swap3A_1320] {strides = array<i32>} : memref<2x1000xf32, #tpu.memory_space<vmem>>, vector<1x16xf32>,
    %swap3A_1322 = vector.shape_cast %swap3A_1321 : vector<1x16xf32> to vector<16xf32>
    %swap3A_1323 = vector.shape_cast %add3A_1317 : vector<16xf32> to vector<1x16xf32>
    tpu.vector_store %arg7[%swap3A_1319, %swap3A_1320], %swap3A_1323 {strides = array<i32>} : memref<2x1000xf32, #tpu.memory_space<vmem>>, vector<1x16xf32>,
    %get3A_1324 = arith.constant 1 : i32
    %get3A_1325 = arith.index_cast %get3A_1324 : i32 to index
    %get3A_1326 = arith.constant 224 : index
    %get3A_1327 = tpu.vector_load %arg5[%get3A_1325, %get3A_1326] {strides = array<i32>} : memref<2x1000xf32, #tpu.memory_space<vmem>>, vector<1x16xf32>,
    %get3A_1328 = vector.shape_cast %get3A_1327 : vector<1x16xf32> to vector<16xf32>
    %get3A_1329 = arith.constant 1 : i32
    %get3A_1330 = arith.index_cast %get3A_1329 : i32 to index
    %get3A_1331 = arith.constant 224 : index
    %get3A_1332 = tpu.vector_load %arg6[%get3A_1330, %get3A_1331] {strides = array<i32>} : memref<2x1000xf32, #tpu.memory_space<vmem>>, vector<1x16xf32>,
    %get3A_1333 = vector.shape_cast %get3A_1332 : vector<1x16xf32> to vector<16xf32>
    %add3A_1334 = arith.addf %get3A_1328, %get3A_1333 : vector<16xf32>
    %swap3A_1335 = arith.constant 1 : i32
    %swap3A_1336 = arith.index_cast %swap3A_1335 : i32 to index
    %swap3A_1337 = arith.constant 224 : index
    %swap3A_1338 = tpu.vector_load %arg7[%swap3A_1336, %swap3A_1337] {strides = array<i32>} : memref<2x1000xf32, #tpu.memory_space<vmem>>, vector<1x16xf32>,
    %swap3A_1339 = vector.shape_cast %swap3A_1338 : vector<1x16xf32> to vector<16xf32>
    %swap3A_1340 = vector.shape_cast %add3A_1334 : vector<16xf32> to vector<1x16xf32>
    tpu.vector_store %arg7[%swap3A_1336, %swap3A_1337], %swap3A_1340 {strides = array<i32>} : memref<2x1000xf32, #tpu.memory_space<vmem>>, vector<1x16xf32>,
    %get3A_1341 = arith.constant 1 : i32
    %get3A_1342 = arith.index_cast %get3A_1341 : i32 to index
    %get3A_1343 = arith.constant 240 : index
    %get3A_1344 = tpu.vector_load %arg5[%get3A_1342, %get3A_1343] {strides = array<i32>} : memref<2x1000xf32, #tpu.memory_space<vmem>>, vector<1x16xf32>,
    %get3A_1345 = vector.shape_cast %get3A_1344 : vector<1x16xf32> to vector<16xf32>
    %get3A_1346 = arith.constant 1 : i32
    %get3A_1347 = arith.index_cast %get3A_1346 : i32 to index
    %get3A_1348 = arith.constant 240 : index
    %get3A_1349 = tpu.vector_load %arg6[%get3A_1347, %get3A_1348] {strides = array<i32>} : memref<2x1000xf32, #tpu.memory_space<vmem>>, vector<1x16xf32>,
    %get3A_1350 = vector.shape_cast %get3A_1349 : vector<1x16xf32> to vector<16xf32>
    %add3A_1351 = arith.addf %get3A_1345, %get3A_1350 : vector<16xf32>
    %swap3A_1352 = arith.constant 1 : i32
    %swap3A_1353 = arith.index_cast %swap3A_1352 : i32 to index
    %swap3A_1354 = arith.constant 240 : index
    %swap3A_1355 = tpu.vector_load %arg7[%swap3A_1353, %swap3A_1354] {strides = array<i32>} : memref<2x1000xf32, #tpu.memory_space<vmem>>, vector<1x16xf32>,
    %swap3A_1356 = vector.shape_cast %swap3A_1355 : vector<1x16xf32> to vector<16xf32>
    %swap3A_1357 = vector.shape_cast %add3A_1351 : vector<16xf32> to vector<1x16xf32>
    tpu.vector_store %arg7[%swap3A_1353, %swap3A_1354], %swap3A_1357 {strides = array<i32>} : memref<2x1000xf32, #tpu.memory_space<vmem>>, vector<1x16xf32>,
    %get3A_1358 = arith.constant 1 : i32
    %get3A_1359 = arith.index_cast %get3A_1358 : i32 to index
    %get3A_1360 = arith.constant 256 : index
    %get3A_1361 = tpu.vector_load %arg5[%get3A_1359, %get3A_1360] {strides = array<i32>} : memref<2x1000xf32, #tpu.memory_space<vmem>>, vector<1x16xf32>,
    %get3A_1362 = vector.shape_cast %get3A_1361 : vector<1x16xf32> to vector<16xf32>
    %get3A_1363 = arith.constant 1 : i32
    %get3A_1364 = arith.index_cast %get3A_1363 : i32 to index
    %get3A_1365 = arith.constant 256 : index
    %get3A_1366 = tpu.vector_load %arg6[%get3A_1364, %get3A_1365] {strides = array<i32>} : memref<2x1000xf32, #tpu.memory_space<vmem>>, vector<1x16xf32>,
    %get3A_1367 = vector.shape_cast %get3A_1366 : vector<1x16xf32> to vector<16xf32>
    %add3A_1368 = arith.addf %get3A_1362, %get3A_1367 : vector<16xf32>
    %swap3A_1369 = arith.constant 1 : i32
    %swap3A_1370 = arith.index_cast %swap3A_1369 : i32 to index
    %swap3A_1371 = arith.constant 256 : index
    %swap3A_1372 = tpu.vector_load %arg7[%swap3A_1370, %swap3A_1371] {strides = array<i32>} : memref<2x1000xf32, #tpu.memory_space<vmem>>, vector<1x16xf32>,
    %swap3A_1373 = vector.shape_cast %swap3A_1372 : vector<1x16xf32> to vector<16xf32>
    %swap3A_1374 = vector.shape_cast %add3A_1368 : vector<16xf32> to vector<1x16xf32>
    tpu.vector_store %arg7[%swap3A_1370, %swap3A_1371], %swap3A_1374 {strides = array<i32>} : memref<2x1000xf32, #tpu.memory_space<vmem>>, vector<1x16xf32>,
    %get3A_1375 = arith.constant 1 : i32
    %get3A_1376 = arith.index_cast %get3A_1375 : i32 to index
    %get3A_1377 = arith.constant 272 : index
    %get3A_1378 = tpu.vector_load %arg5[%get3A_1376, %get3A_1377] {strides = array<i32>} : memref<2x1000xf32, #tpu.memory_space<vmem>>, vector<1x16xf32>,
    %get3A_1379 = vector.shape_cast %get3A_1378 : vector<1x16xf32> to vector<16xf32>
    %get3A_1380 = arith.constant 1 : i32
    %get3A_1381 = arith.index_cast %get3A_1380 : i32 to index
    %get3A_1382 = arith.constant 272 : index
    %get3A_1383 = tpu.vector_load %arg6[%get3A_1381, %get3A_1382] {strides = array<i32>} : memref<2x1000xf32, #tpu.memory_space<vmem>>, vector<1x16xf32>,
    %get3A_1384 = vector.shape_cast %get3A_1383 : vector<1x16xf32> to vector<16xf32>
    %add3A_1385 = arith.addf %get3A_1379, %get3A_1384 : vector<16xf32>
    %swap3A_1386 = arith.constant 1 : i32
    %swap3A_1387 = arith.index_cast %swap3A_1386 : i32 to index
    %swap3A_1388 = arith.constant 272 : index
    %swap3A_1389 = tpu.vector_load %arg7[%swap3A_1387, %swap3A_1388] {strides = array<i32>} : memref<2x1000xf32, #tpu.memory_space<vmem>>, vector<1x16xf32>,
    %swap3A_1390 = vector.shape_cast %swap3A_1389 : vector<1x16xf32> to vector<16xf32>
    %swap3A_1391 = vector.shape_cast %add3A_1385 : vector<16xf32> to vector<1x16xf32>
    tpu.vector_store %arg7[%swap3A_1387, %swap3A_1388], %swap3A_1391 {strides = array<i32>} : memref<2x1000xf32, #tpu.memory_space<vmem>>, vector<1x16xf32>,
    %get3A_1392 = arith.constant 1 : i32
    %get3A_1393 = arith.index_cast %get3A_1392 : i32 to index
    %get3A_1394 = arith.constant 288 : index
    %get3A_1395 = tpu.vector_load %arg5[%get3A_1393, %get3A_1394] {strides = array<i32>} : memref<2x1000xf32, #tpu.memory_space<vmem>>, vector<1x16xf32>,
    %get3A_1396 = vector.shape_cast %get3A_1395 : vector<1x16xf32> to vector<16xf32>
    %get3A_1397 = arith.constant 1 : i32
    %get3A_1398 = arith.index_cast %get3A_1397 : i32 to index
    %get3A_1399 = arith.constant 288 : index
    %get3A_1400 = tpu.vector_load %arg6[%get3A_1398, %get3A_1399] {strides = array<i32>} : memref<2x1000xf32, #tpu.memory_space<vmem>>, vector<1x16xf32>,
    %get3A_1401 = vector.shape_cast %get3A_1400 : vector<1x16xf32> to vector<16xf32>
    %add3A_1402 = arith.addf %get3A_1396, %get3A_1401 : vector<16xf32>
    %swap3A_1403 = arith.constant 1 : i32
    %swap3A_1404 = arith.index_cast %swap3A_1403 : i32 to index
    %swap3A_1405 = arith.constant 288 : index
    %swap3A_1406 = tpu.vector_load %arg7[%swap3A_1404, %swap3A_1405] {strides = array<i32>} : memref<2x1000xf32, #tpu.memory_space<vmem>>, vector<1x16xf32>,
    %swap3A_1407 = vector.shape_cast %swap3A_1406 : vector<1x16xf32> to vector<16xf32>
    %swap3A_1408 = vector.shape_cast %add3A_1402 : vector<16xf32> to vector<1x16xf32>
    tpu.vector_store %arg7[%swap3A_1404, %swap3A_1405], %swap3A_1408 {strides = array<i32>} : memref<2x1000xf32, #tpu.memory_space<vmem>>, vector<1x16xf32>,
    %get3A_1409 = arith.constant 1 : i32
    %get3A_1410 = arith.index_cast %get3A_1409 : i32 to index
    %get3A_1411 = arith.constant 304 : index
    %get3A_1412 = tpu.vector_load %arg5[%get3A_1410, %get3A_1411] {strides = array<i32>} : memref<2x1000xf32, #tpu.memory_space<vmem>>, vector<1x16xf32>,
    %get3A_1413 = vector.shape_cast %get3A_1412 : vector<1x16xf32> to vector<16xf32>
    %get3A_1414 = arith.constant 1 : i32
    %get3A_1415 = arith.index_cast %get3A_1414 : i32 to index
    %get3A_1416 = arith.constant 304 : index
    %get3A_1417 = tpu.vector_load %arg6[%get3A_1415, %get3A_1416] {strides = array<i32>} : memref<2x1000xf32, #tpu.memory_space<vmem>>, vector<1x16xf32>,
    %get3A_1418 = vector.shape_cast %get3A_1417 : vector<1x16xf32> to vector<16xf32>
    %add3A_1419 = arith.addf %get3A_1413, %get3A_1418 : vector<16xf32>
    %swap3A_1420 = arith.constant 1 : i32
    %swap3A_1421 = arith.index_cast %swap3A_1420 : i32 to index
    %swap3A_1422 = arith.constant 304 : index
    %swap3A_1423 = tpu.vector_load %arg7[%swap3A_1421, %swap3A_1422] {strides = array<i32>} : memref<2x1000xf32, #tpu.memory_space<vmem>>, vector<1x16xf32>,
    %swap3A_1424 = vector.shape_cast %swap3A_1423 : vector<1x16xf32> to vector<16xf32>
    %swap3A_1425 = vector.shape_cast %add3A_1419 : vector<16xf32> to vector<1x16xf32>
    tpu.vector_store %arg7[%swap3A_1421, %swap3A_1422], %swap3A_1425 {strides = array<i32>} : memref<2x1000xf32, #tpu.memory_space<vmem>>, vector<1x16xf32>,
    %get3A_1426 = arith.constant 1 : i32
    %get3A_1427 = arith.index_cast %get3A_1426 : i32 to index
    %get3A_1428 = arith.constant 320 : index
    %get3A_1429 = tpu.vector_load %arg5[%get3A_1427, %get3A_1428] {strides = array<i32>} : memref<2x1000xf32, #tpu.memory_space<vmem>>, vector<1x16xf32>,
    %get3A_1430 = vector.shape_cast %get3A_1429 : vector<1x16xf32> to vector<16xf32>
    %get3A_1431 = arith.constant 1 : i32
    %get3A_1432 = arith.index_cast %get3A_1431 : i32 to index
    %get3A_1433 = arith.constant 320 : index
    %get3A_1434 = tpu.vector_load %arg6[%get3A_1432, %get3A_1433] {strides = array<i32>} : memref<2x1000xf32, #tpu.memory_space<vmem>>, vector<1x16xf32>,
    %get3A_1435 = vector.shape_cast %get3A_1434 : vector<1x16xf32> to vector<16xf32>
    %add3A_1436 = arith.addf %get3A_1430, %get3A_1435 : vector<16xf32>
    %swap3A_1437 = arith.constant 1 : i32
    %swap3A_1438 = arith.index_cast %swap3A_1437 : i32 to index
    %swap3A_1439 = arith.constant 320 : index
    %swap3A_1440 = tpu.vector_load %arg7[%swap3A_1438, %swap3A_1439] {strides = array<i32>} : memref<2x1000xf32, #tpu.memory_space<vmem>>, vector<1x16xf32>,
    %swap3A_1441 = vector.shape_cast %swap3A_1440 : vector<1x16xf32> to vector<16xf32>
    %swap3A_1442 = vector.shape_cast %add3A_1436 : vector<16xf32> to vector<1x16xf32>
    tpu.vector_store %arg7[%swap3A_1438, %swap3A_1439], %swap3A_1442 {strides = array<i32>} : memref<2x1000xf32, #tpu.memory_space<vmem>>, vector<1x16xf32>,
    %get3A_1443 = arith.constant 1 : i32
    %get3A_1444 = arith.index_cast %get3A_1443 : i32 to index
    %get3A_1445 = arith.constant 336 : index
    %get3A_1446 = tpu.vector_load %arg5[%get3A_1444, %get3A_1445] {strides = array<i32>} : memref<2x1000xf32, #tpu.memory_space<vmem>>, vector<1x16xf32>,
    %get3A_1447 = vector.shape_cast %get3A_1446 : vector<1x16xf32> to vector<16xf32>
    %get3A_1448 = arith.constant 1 : i32
    %get3A_1449 = arith.index_cast %get3A_1448 : i32 to index
    %get3A_1450 = arith.constant 336 : index
    %get3A_1451 = tpu.vector_load %arg6[%get3A_1449, %get3A_1450] {strides = array<i32>} : memref<2x1000xf32, #tpu.memory_space<vmem>>, vector<1x16xf32>,
    %get3A_1452 = vector.shape_cast %get3A_1451 : vector<1x16xf32> to vector<16xf32>
    %add3A_1453 = arith.addf %get3A_1447, %get3A_1452 : vector<16xf32>
    %swap3A_1454 = arith.constant 1 : i32
    %swap3A_1455 = arith.index_cast %swap3A_1454 : i32 to index
    %swap3A_1456 = arith.constant 336 : index
    %swap3A_1457 = tpu.vector_load %arg7[%swap3A_1455, %swap3A_1456] {strides = array<i32>} : memref<2x1000xf32, #tpu.memory_space<vmem>>, vector<1x16xf32>,
    %swap3A_1458 = vector.shape_cast %swap3A_1457 : vector<1x16xf32> to vector<16xf32>
    %swap3A_1459 = vector.shape_cast %add3A_1453 : vector<16xf32> to vector<1x16xf32>
    tpu.vector_store %arg7[%swap3A_1455, %swap3A_1456], %swap3A_1459 {strides = array<i32>} : memref<2x1000xf32, #tpu.memory_space<vmem>>, vector<1x16xf32>,
    %get3A_1460 = arith.constant 1 : i32
    %get3A_1461 = arith.index_cast %get3A_1460 : i32 to index
    %get3A_1462 = arith.constant 352 : index
    %get3A_1463 = tpu.vector_load %arg5[%get3A_1461, %get3A_1462] {strides = array<i32>} : memref<2x1000xf32, #tpu.memory_space<vmem>>, vector<1x16xf32>,
    %get3A_1464 = vector.shape_cast %get3A_1463 : vector<1x16xf32> to vector<16xf32>
    %get3A_1465 = arith.constant 1 : i32
    %get3A_1466 = arith.index_cast %get3A_1465 : i32 to index
    %get3A_1467 = arith.constant 352 : index
    %get3A_1468 = tpu.vector_load %arg6[%get3A_1466, %get3A_1467] {strides = array<i32>} : memref<2x1000xf32, #tpu.memory_space<vmem>>, vector<1x16xf32>,
    %get3A_1469 = vector.shape_cast %get3A_1468 : vector<1x16xf32> to vector<16xf32>
    %add3A_1470 = arith.addf %get3A_1464, %get3A_1469 : vector<16xf32>
    %swap3A_1471 = arith.constant 1 : i32
    %swap3A_1472 = arith.index_cast %swap3A_1471 : i32 to index
    %swap3A_1473 = arith.constant 352 : index
    %swap3A_1474 = tpu.vector_load %arg7[%swap3A_1472, %swap3A_1473] {strides = array<i32>} : memref<2x1000xf32, #tpu.memory_space<vmem>>, vector<1x16xf32>,
    %swap3A_1475 = vector.shape_cast %swap3A_1474 : vector<1x16xf32> to vector<16xf32>
    %swap3A_1476 = vector.shape_cast %add3A_1470 : vector<16xf32> to vector<1x16xf32>
    tpu.vector_store %arg7[%swap3A_1472, %swap3A_1473], %swap3A_1476 {strides = array<i32>} : memref<2x1000xf32, #tpu.memory_space<vmem>>, vector<1x16xf32>,
    %get3A_1477 = arith.constant 1 : i32
    %get3A_1478 = arith.index_cast %get3A_1477 : i32 to index
    %get3A_1479 = arith.constant 368 : index
    %get3A_1480 = tpu.vector_load %arg5[%get3A_1478, %get3A_1479] {strides = array<i32>} : memref<2x1000xf32, #tpu.memory_space<vmem>>, vector<1x16xf32>,
    %get3A_1481 = vector.shape_cast %get3A_1480 : vector<1x16xf32> to vector<16xf32>
    %get3A_1482 = arith.constant 1 : i32
    %get3A_1483 = arith.index_cast %get3A_1482 : i32 to index
    %get3A_1484 = arith.constant 368 : index
    %get3A_1485 = tpu.vector_load %arg6[%get3A_1483, %get3A_1484] {strides = array<i32>} : memref<2x1000xf32, #tpu.memory_space<vmem>>, vector<1x16xf32>,
    %get3A_1486 = vector.shape_cast %get3A_1485 : vector<1x16xf32> to vector<16xf32>
    %add3A_1487 = arith.addf %get3A_1481, %get3A_1486 : vector<16xf32>
    %swap3A_1488 = arith.constant 1 : i32
    %swap3A_1489 = arith.index_cast %swap3A_1488 : i32 to index
    %swap3A_1490 = arith.constant 368 : index
    %swap3A_1491 = tpu.vector_load %arg7[%swap3A_1489, %swap3A_1490] {strides = array<i32>} : memref<2x1000xf32, #tpu.memory_space<vmem>>, vector<1x16xf32>,
    %swap3A_1492 = vector.shape_cast %swap3A_1491 : vector<1x16xf32> to vector<16xf32>
    %swap3A_1493 = vector.shape_cast %add3A_1487 : vector<16xf32> to vector<1x16xf32>
    tpu.vector_store %arg7[%swap3A_1489, %swap3A_1490], %swap3A_1493 {strides = array<i32>} : memref<2x1000xf32, #tpu.memory_space<vmem>>, vector<1x16xf32>,
    %get3A_1494 = arith.constant 1 : i32
    %get3A_1495 = arith.index_cast %get3A_1494 : i32 to index
    %get3A_1496 = arith.constant 384 : index
    %get3A_1497 = tpu.vector_load %arg5[%get3A_1495, %get3A_1496] {strides = array<i32>} : memref<2x1000xf32, #tpu.memory_space<vmem>>, vector<1x16xf32>,
    %get3A_1498 = vector.shape_cast %get3A_1497 : vector<1x16xf32> to vector<16xf32>
    %get3A_1499 = arith.constant 1 : i32
    %get3A_1500 = arith.index_cast %get3A_1499 : i32 to index
    %get3A_1501 = arith.constant 384 : index
    %get3A_1502 = tpu.vector_load %arg6[%get3A_1500, %get3A_1501] {strides = array<i32>} : memref<2x1000xf32, #tpu.memory_space<vmem>>, vector<1x16xf32>,
    %get3A_1503 = vector.shape_cast %get3A_1502 : vector<1x16xf32> to vector<16xf32>
    %add3A_1504 = arith.addf %get3A_1498, %get3A_1503 : vector<16xf32>
    %swap3A_1505 = arith.constant 1 : i32
    %swap3A_1506 = arith.index_cast %swap3A_1505 : i32 to index
    %swap3A_1507 = arith.constant 384 : index
    %swap3A_1508 = tpu.vector_load %arg7[%swap3A_1506, %swap3A_1507] {strides = array<i32>} : memref<2x1000xf32, #tpu.memory_space<vmem>>, vector<1x16xf32>,
    %swap3A_1509 = vector.shape_cast %swap3A_1508 : vector<1x16xf32> to vector<16xf32>
    %swap3A_1510 = vector.shape_cast %add3A_1504 : vector<16xf32> to vector<1x16xf32>
    tpu.vector_store %arg7[%swap3A_1506, %swap3A_1507], %swap3A_1510 {strides = array<i32>} : memref<2x1000xf32, #tpu.memory_space<vmem>>, vector<1x16xf32>,
    %get3A_1511 = arith.constant 1 : i32
    %get3A_1512 = arith.index_cast %get3A_1511 : i32 to index
    %get3A_1513 = arith.constant 400 : index
    %get3A_1514 = tpu.vector_load %arg5[%get3A_1512, %get3A_1513] {strides = array<i32>} : memref<2x1000xf32, #tpu.memory_space<vmem>>, vector<1x16xf32>,
    %get3A_1515 = vector.shape_cast %get3A_1514 : vector<1x16xf32> to vector<16xf32>
    %get3A_1516 = arith.constant 1 : i32
    %get3A_1517 = arith.index_cast %get3A_1516 : i32 to index
    %get3A_1518 = arith.constant 400 : index
    %get3A_1519 = tpu.vector_load %arg6[%get3A_1517, %get3A_1518] {strides = array<i32>} : memref<2x1000xf32, #tpu.memory_space<vmem>>, vector<1x16xf32>,
    %get3A_1520 = vector.shape_cast %get3A_1519 : vector<1x16xf32> to vector<16xf32>
    %add3A_1521 = arith.addf %get3A_1515, %get3A_1520 : vector<16xf32>
    %swap3A_1522 = arith.constant 1 : i32
    %swap3A_1523 = arith.index_cast %swap3A_1522 : i32 to index
    %swap3A_1524 = arith.constant 400 : index
    %swap3A_1525 = tpu.vector_load %arg7[%swap3A_1523, %swap3A_1524] {strides = array<i32>} : memref<2x1000xf32, #tpu.memory_space<vmem>>, vector<1x16xf32>,
    %swap3A_1526 = vector.shape_cast %swap3A_1525 : vector<1x16xf32> to vector<16xf32>
    %swap3A_1527 = vector.shape_cast %add3A_1521 : vector<16xf32> to vector<1x16xf32>
    tpu.vector_store %arg7[%swap3A_1523, %swap3A_1524], %swap3A_1527 {strides = array<i32>} : memref<2x1000xf32, #tpu.memory_space<vmem>>, vector<1x16xf32>,
    %get3A_1528 = arith.constant 1 : i32
    %get3A_1529 = arith.index_cast %get3A_1528 : i32 to index
    %get3A_1530 = arith.constant 416 : index
    %get3A_1531 = tpu.vector_load %arg5[%get3A_1529, %get3A_1530] {strides = array<i32>} : memref<2x1000xf32, #tpu.memory_space<vmem>>, vector<1x16xf32>,
    %get3A_1532 = vector.shape_cast %get3A_1531 : vector<1x16xf32> to vector<16xf32>
    %get3A_1533 = arith.constant 1 : i32
    %get3A_1534 = arith.index_cast %get3A_1533 : i32 to index
    %get3A_1535 = arith.constant 416 : index
    %get3A_1536 = tpu.vector_load %arg6[%get3A_1534, %get3A_1535] {strides = array<i32>} : memref<2x1000xf32, #tpu.memory_space<vmem>>, vector<1x16xf32>,
    %get3A_1537 = vector.shape_cast %get3A_1536 : vector<1x16xf32> to vector<16xf32>
    %add3A_1538 = arith.addf %get3A_1532, %get3A_1537 : vector<16xf32>
    %swap3A_1539 = arith.constant 1 : i32
    %swap3A_1540 = arith.index_cast %swap3A_1539 : i32 to index
    %swap3A_1541 = arith.constant 416 : index
    %swap3A_1542 = tpu.vector_load %arg7[%swap3A_1540, %swap3A_1541] {strides = array<i32>} : memref<2x1000xf32, #tpu.memory_space<vmem>>, vector<1x16xf32>,
    %swap3A_1543 = vector.shape_cast %swap3A_1542 : vector<1x16xf32> to vector<16xf32>
    %swap3A_1544 = vector.shape_cast %add3A_1538 : vector<16xf32> to vector<1x16xf32>
    tpu.vector_store %arg7[%swap3A_1540, %swap3A_1541], %swap3A_1544 {strides = array<i32>} : memref<2x1000xf32, #tpu.memory_space<vmem>>, vector<1x16xf32>,
    %get3A_1545 = arith.constant 1 : i32
    %get3A_1546 = arith.index_cast %get3A_1545 : i32 to index
    %get3A_1547 = arith.constant 432 : index
    %get3A_1548 = tpu.vector_load %arg5[%get3A_1546, %get3A_1547] {strides = array<i32>} : memref<2x1000xf32, #tpu.memory_space<vmem>>, vector<1x16xf32>,
    %get3A_1549 = vector.shape_cast %get3A_1548 : vector<1x16xf32> to vector<16xf32>
    %get3A_1550 = arith.constant 1 : i32
    %get3A_1551 = arith.index_cast %get3A_1550 : i32 to index
    %get3A_1552 = arith.constant 432 : index
    %get3A_1553 = tpu.vector_load %arg6[%get3A_1551, %get3A_1552] {strides = array<i32>} : memref<2x1000xf32, #tpu.memory_space<vmem>>, vector<1x16xf32>,
    %get3A_1554 = vector.shape_cast %get3A_1553 : vector<1x16xf32> to vector<16xf32>
    %add3A_1555 = arith.addf %get3A_1549, %get3A_1554 : vector<16xf32>
    %swap3A_1556 = arith.constant 1 : i32
    %swap3A_1557 = arith.index_cast %swap3A_1556 : i32 to index
    %swap3A_1558 = arith.constant 432 : index
    %swap3A_1559 = tpu.vector_load %arg7[%swap3A_1557, %swap3A_1558] {strides = array<i32>} : memref<2x1000xf32, #tpu.memory_space<vmem>>, vector<1x16xf32>,
    %swap3A_1560 = vector.shape_cast %swap3A_1559 : vector<1x16xf32> to vector<16xf32>
    %swap3A_1561 = vector.shape_cast %add3A_1555 : vector<16xf32> to vector<1x16xf32>
    tpu.vector_store %arg7[%swap3A_1557, %swap3A_1558], %swap3A_1561 {strides = array<i32>} : memref<2x1000xf32, #tpu.memory_space<vmem>>, vector<1x16xf32>,
    %get3A_1562 = arith.constant 1 : i32
    %get3A_1563 = arith.index_cast %get3A_1562 : i32 to index
    %get3A_1564 = arith.constant 448 : index
    %get3A_1565 = tpu.vector_load %arg5[%get3A_1563, %get3A_1564] {strides = array<i32>} : memref<2x1000xf32, #tpu.memory_space<vmem>>, vector<1x16xf32>,
    %get3A_1566 = vector.shape_cast %get3A_1565 : vector<1x16xf32> to vector<16xf32>
    %get3A_1567 = arith.constant 1 : i32
    %get3A_1568 = arith.index_cast %get3A_1567 : i32 to index
    %get3A_1569 = arith.constant 448 : index
    %get3A_1570 = tpu.vector_load %arg6[%get3A_1568, %get3A_1569] {strides = array<i32>} : memref<2x1000xf32, #tpu.memory_space<vmem>>, vector<1x16xf32>,
    %get3A_1571 = vector.shape_cast %get3A_1570 : vector<1x16xf32> to vector<16xf32>
    %add3A_1572 = arith.addf %get3A_1566, %get3A_1571 : vector<16xf32>
    %swap3A_1573 = arith.constant 1 : i32
    %swap3A_1574 = arith.index_cast %swap3A_1573 : i32 to index
    %swap3A_1575 = arith.constant 448 : index
    %swap3A_1576 = tpu.vector_load %arg7[%swap3A_1574, %swap3A_1575] {strides = array<i32>} : memref<2x1000xf32, #tpu.memory_space<vmem>>, vector<1x16xf32>,
    %swap3A_1577 = vector.shape_cast %swap3A_1576 : vector<1x16xf32> to vector<16xf32>
    %swap3A_1578 = vector.shape_cast %add3A_1572 : vector<16xf32> to vector<1x16xf32>
    tpu.vector_store %arg7[%swap3A_1574, %swap3A_1575], %swap3A_1578 {strides = array<i32>} : memref<2x1000xf32, #tpu.memory_space<vmem>>, vector<1x16xf32>,
    %get3A_1579 = arith.constant 1 : i32
    %get3A_1580 = arith.index_cast %get3A_1579 : i32 to index
    %get3A_1581 = arith.constant 464 : index
    %get3A_1582 = tpu.vector_load %arg5[%get3A_1580, %get3A_1581] {strides = array<i32>} : memref<2x1000xf32, #tpu.memory_space<vmem>>, vector<1x16xf32>,
    %get3A_1583 = vector.shape_cast %get3A_1582 : vector<1x16xf32> to vector<16xf32>
    %get3A_1584 = arith.constant 1 : i32
    %get3A_1585 = arith.index_cast %get3A_1584 : i32 to index
    %get3A_1586 = arith.constant 464 : index
    %get3A_1587 = tpu.vector_load %arg6[%get3A_1585, %get3A_1586] {strides = array<i32>} : memref<2x1000xf32, #tpu.memory_space<vmem>>, vector<1x16xf32>,
    %get3A_1588 = vector.shape_cast %get3A_1587 : vector<1x16xf32> to vector<16xf32>
    %add3A_1589 = arith.addf %get3A_1583, %get3A_1588 : vector<16xf32>
    %swap3A_1590 = arith.constant 1 : i32
    %swap3A_1591 = arith.index_cast %swap3A_1590 : i32 to index
    %swap3A_1592 = arith.constant 464 : index
    %swap3A_1593 = tpu.vector_load %arg7[%swap3A_1591, %swap3A_1592] {strides = array<i32>} : memref<2x1000xf32, #tpu.memory_space<vmem>>, vector<1x16xf32>,
    %swap3A_1594 = vector.shape_cast %swap3A_1593 : vector<1x16xf32> to vector<16xf32>
    %swap3A_1595 = vector.shape_cast %add3A_1589 : vector<16xf32> to vector<1x16xf32>
    tpu.vector_store %arg7[%swap3A_1591, %swap3A_1592], %swap3A_1595 {strides = array<i32>} : memref<2x1000xf32, #tpu.memory_space<vmem>>, vector<1x16xf32>,
    %get3A_1596 = arith.constant 1 : i32
    %get3A_1597 = arith.index_cast %get3A_1596 : i32 to index
    %get3A_1598 = arith.constant 480 : index
    %get3A_1599 = tpu.vector_load %arg5[%get3A_1597, %get3A_1598] {strides = array<i32>} : memref<2x1000xf32, #tpu.memory_space<vmem>>, vector<1x16xf32>,
    %get3A_1600 = vector.shape_cast %get3A_1599 : vector<1x16xf32> to vector<16xf32>
    %get3A_1601 = arith.constant 1 : i32
    %get3A_1602 = arith.index_cast %get3A_1601 : i32 to index
    %get3A_1603 = arith.constant 480 : index
    %get3A_1604 = tpu.vector_load %arg6[%get3A_1602, %get3A_1603] {strides = array<i32>} : memref<2x1000xf32, #tpu.memory_space<vmem>>, vector<1x16xf32>,
    %get3A_1605 = vector.shape_cast %get3A_1604 : vector<1x16xf32> to vector<16xf32>
    %add3A_1606 = arith.addf %get3A_1600, %get3A_1605 : vector<16xf32>
    %swap3A_1607 = arith.constant 1 : i32
    %swap3A_1608 = arith.index_cast %swap3A_1607 : i32 to index
    %swap3A_1609 = arith.constant 480 : index
    %swap3A_1610 = tpu.vector_load %arg7[%swap3A_1608, %swap3A_1609] {strides = array<i32>} : memref<2x1000xf32, #tpu.memory_space<vmem>>, vector<1x16xf32>,
    %swap3A_1611 = vector.shape_cast %swap3A_1610 : vector<1x16xf32> to vector<16xf32>
    %swap3A_1612 = vector.shape_cast %add3A_1606 : vector<16xf32> to vector<1x16xf32>
    tpu.vector_store %arg7[%swap3A_1608, %swap3A_1609], %swap3A_1612 {strides = array<i32>} : memref<2x1000xf32, #tpu.memory_space<vmem>>, vector<1x16xf32>,
    %get3A_1613 = arith.constant 1 : i32
    %get3A_1614 = arith.index_cast %get3A_1613 : i32 to index
    %get3A_1615 = arith.constant 496 : index
    %get3A_1616 = tpu.vector_load %arg5[%get3A_1614, %get3A_1615] {strides = array<i32>} : memref<2x1000xf32, #tpu.memory_space<vmem>>, vector<1x16xf32>,
    %get3A_1617 = vector.shape_cast %get3A_1616 : vector<1x16xf32> to vector<16xf32>
    %get3A_1618 = arith.constant 1 : i32
    %get3A_1619 = arith.index_cast %get3A_1618 : i32 to index
    %get3A_1620 = arith.constant 496 : index
    %get3A_1621 = tpu.vector_load %arg6[%get3A_1619, %get3A_1620] {strides = array<i32>} : memref<2x1000xf32, #tpu.memory_space<vmem>>, vector<1x16xf32>,
    %get3A_1622 = vector.shape_cast %get3A_1621 : vector<1x16xf32> to vector<16xf32>
    %add3A_1623 = arith.addf %get3A_1617, %get3A_1622 : vector<16xf32>
    %swap3A_1624 = arith.constant 1 : i32
    %swap3A_1625 = arith.index_cast %swap3A_1624 : i32 to index
    %swap3A_1626 = arith.constant 496 : index
    %swap3A_1627 = tpu.vector_load %arg7[%swap3A_1625, %swap3A_1626] {strides = array<i32>} : memref<2x1000xf32, #tpu.memory_space<vmem>>, vector<1x16xf32>,
    %swap3A_1628 = vector.shape_cast %swap3A_1627 : vector<1x16xf32> to vector<16xf32>
    %swap3A_1629 = vector.shape_cast %add3A_1623 : vector<16xf32> to vector<1x16xf32>
    tpu.vector_store %arg7[%swap3A_1625, %swap3A_1626], %swap3A_1629 {strides = array<i32>} : memref<2x1000xf32, #tpu.memory_space<vmem>>, vector<1x16xf32>,
    %get3A_1630 = arith.constant 1 : i32
    %get3A_1631 = arith.index_cast %get3A_1630 : i32 to index
    %get3A_1632 = arith.constant 512 : index
    %get3A_1633 = tpu.vector_load %arg5[%get3A_1631, %get3A_1632] {strides = array<i32>} : memref<2x1000xf32, #tpu.memory_space<vmem>>, vector<1x16xf32>,
    %get3A_1634 = vector.shape_cast %get3A_1633 : vector<1x16xf32> to vector<16xf32>
    %get3A_1635 = arith.constant 1 : i32
    %get3A_1636 = arith.index_cast %get3A_1635 : i32 to index
    %get3A_1637 = arith.constant 512 : index
    %get3A_1638 = tpu.vector_load %arg6[%get3A_1636, %get3A_1637] {strides = array<i32>} : memref<2x1000xf32, #tpu.memory_space<vmem>>, vector<1x16xf32>,
    %get3A_1639 = vector.shape_cast %get3A_1638 : vector<1x16xf32> to vector<16xf32>
    %add3A_1640 = arith.addf %get3A_1634, %get3A_1639 : vector<16xf32>
    %swap3A_1641 = arith.constant 1 : i32
    %swap3A_1642 = arith.index_cast %swap3A_1641 : i32 to index
    %swap3A_1643 = arith.constant 512 : index
    %swap3A_1644 = tpu.vector_load %arg7[%swap3A_1642, %swap3A_1643] {strides = array<i32>} : memref<2x1000xf32, #tpu.memory_space<vmem>>, vector<1x16xf32>,
    %swap3A_1645 = vector.shape_cast %swap3A_1644 : vector<1x16xf32> to vector<16xf32>
    %swap3A_1646 = vector.shape_cast %add3A_1640 : vector<16xf32> to vector<1x16xf32>
    tpu.vector_store %arg7[%swap3A_1642, %swap3A_1643], %swap3A_1646 {strides = array<i32>} : memref<2x1000xf32, #tpu.memory_space<vmem>>, vector<1x16xf32>,
    %get3A_1647 = arith.constant 1 : i32
    %get3A_1648 = arith.index_cast %get3A_1647 : i32 to index
    %get3A_1649 = arith.constant 528 : index
    %get3A_1650 = tpu.vector_load %arg5[%get3A_1648, %get3A_1649] {strides = array<i32>} : memref<2x1000xf32, #tpu.memory_space<vmem>>, vector<1x16xf32>,
    %get3A_1651 = vector.shape_cast %get3A_1650 : vector<1x16xf32> to vector<16xf32>
    %get3A_1652 = arith.constant 1 : i32
    %get3A_1653 = arith.index_cast %get3A_1652 : i32 to index
    %get3A_1654 = arith.constant 528 : index
    %get3A_1655 = tpu.vector_load %arg6[%get3A_1653, %get3A_1654] {strides = array<i32>} : memref<2x1000xf32, #tpu.memory_space<vmem>>, vector<1x16xf32>,
    %get3A_1656 = vector.shape_cast %get3A_1655 : vector<1x16xf32> to vector<16xf32>
    %add3A_1657 = arith.addf %get3A_1651, %get3A_1656 : vector<16xf32>
    %swap3A_1658 = arith.constant 1 : i32
    %swap3A_1659 = arith.index_cast %swap3A_1658 : i32 to index
    %swap3A_1660 = arith.constant 528 : index
    %swap3A_1661 = tpu.vector_load %arg7[%swap3A_1659, %swap3A_1660] {strides = array<i32>} : memref<2x1000xf32, #tpu.memory_space<vmem>>, vector<1x16xf32>,
    %swap3A_1662 = vector.shape_cast %swap3A_1661 : vector<1x16xf32> to vector<16xf32>
    %swap3A_1663 = vector.shape_cast %add3A_1657 : vector<16xf32> to vector<1x16xf32>
    tpu.vector_store %arg7[%swap3A_1659, %swap3A_1660], %swap3A_1663 {strides = array<i32>} : memref<2x1000xf32, #tpu.memory_space<vmem>>, vector<1x16xf32>,
    %get3A_1664 = arith.constant 1 : i32
    %get3A_1665 = arith.index_cast %get3A_1664 : i32 to index
    %get3A_1666 = arith.constant 544 : index
    %get3A_1667 = tpu.vector_load %arg5[%get3A_1665, %get3A_1666] {strides = array<i32>} : memref<2x1000xf32, #tpu.memory_space<vmem>>, vector<1x16xf32>,
    %get3A_1668 = vector.shape_cast %get3A_1667 : vector<1x16xf32> to vector<16xf32>
    %get3A_1669 = arith.constant 1 : i32
    %get3A_1670 = arith.index_cast %get3A_1669 : i32 to index
    %get3A_1671 = arith.constant 544 : index
    %get3A_1672 = tpu.vector_load %arg6[%get3A_1670, %get3A_1671] {strides = array<i32>} : memref<2x1000xf32, #tpu.memory_space<vmem>>, vector<1x16xf32>,
    %get3A_1673 = vector.shape_cast %get3A_1672 : vector<1x16xf32> to vector<16xf32>
    %add3A_1674 = arith.addf %get3A_1668, %get3A_1673 : vector<16xf32>
    %swap3A_1675 = arith.constant 1 : i32
    %swap3A_1676 = arith.index_cast %swap3A_1675 : i32 to index
    %swap3A_1677 = arith.constant 544 : index
    %swap3A_1678 = tpu.vector_load %arg7[%swap3A_1676, %swap3A_1677] {strides = array<i32>} : memref<2x1000xf32, #tpu.memory_space<vmem>>, vector<1x16xf32>,
    %swap3A_1679 = vector.shape_cast %swap3A_1678 : vector<1x16xf32> to vector<16xf32>
    %swap3A_1680 = vector.shape_cast %add3A_1674 : vector<16xf32> to vector<1x16xf32>
    tpu.vector_store %arg7[%swap3A_1676, %swap3A_1677], %swap3A_1680 {strides = array<i32>} : memref<2x1000xf32, #tpu.memory_space<vmem>>, vector<1x16xf32>,
    %get3A_1681 = arith.constant 1 : i32
    %get3A_1682 = arith.index_cast %get3A_1681 : i32 to index
    %get3A_1683 = arith.constant 560 : index
    %get3A_1684 = tpu.vector_load %arg5[%get3A_1682, %get3A_1683] {strides = array<i32>} : memref<2x1000xf32, #tpu.memory_space<vmem>>, vector<1x16xf32>,
    %get3A_1685 = vector.shape_cast %get3A_1684 : vector<1x16xf32> to vector<16xf32>
    %get3A_1686 = arith.constant 1 : i32
    %get3A_1687 = arith.index_cast %get3A_1686 : i32 to index
    %get3A_1688 = arith.constant 560 : index
    %get3A_1689 = tpu.vector_load %arg6[%get3A_1687, %get3A_1688] {strides = array<i32>} : memref<2x1000xf32, #tpu.memory_space<vmem>>, vector<1x16xf32>,
    %get3A_1690 = vector.shape_cast %get3A_1689 : vector<1x16xf32> to vector<16xf32>
    %add3A_1691 = arith.addf %get3A_1685, %get3A_1690 : vector<16xf32>
    %swap3A_1692 = arith.constant 1 : i32
    %swap3A_1693 = arith.index_cast %swap3A_1692 : i32 to index
    %swap3A_1694 = arith.constant 560 : index
    %swap3A_1695 = tpu.vector_load %arg7[%swap3A_1693, %swap3A_1694] {strides = array<i32>} : memref<2x1000xf32, #tpu.memory_space<vmem>>, vector<1x16xf32>,
    %swap3A_1696 = vector.shape_cast %swap3A_1695 : vector<1x16xf32> to vector<16xf32>
    %swap3A_1697 = vector.shape_cast %add3A_1691 : vector<16xf32> to vector<1x16xf32>
    tpu.vector_store %arg7[%swap3A_1693, %swap3A_1694], %swap3A_1697 {strides = array<i32>} : memref<2x1000xf32, #tpu.memory_space<vmem>>, vector<1x16xf32>,
    %get3A_1698 = arith.constant 1 : i32
    %get3A_1699 = arith.index_cast %get3A_1698 : i32 to index
    %get3A_1700 = arith.constant 576 : index
    %get3A_1701 = tpu.vector_load %arg5[%get3A_1699, %get3A_1700] {strides = array<i32>} : memref<2x1000xf32, #tpu.memory_space<vmem>>, vector<1x16xf32>,
    %get3A_1702 = vector.shape_cast %get3A_1701 : vector<1x16xf32> to vector<16xf32>
    %get3A_1703 = arith.constant 1 : i32
    %get3A_1704 = arith.index_cast %get3A_1703 : i32 to index
    %get3A_1705 = arith.constant 576 : index
    %get3A_1706 = tpu.vector_load %arg6[%get3A_1704, %get3A_1705] {strides = array<i32>} : memref<2x1000xf32, #tpu.memory_space<vmem>>, vector<1x16xf32>,
    %get3A_1707 = vector.shape_cast %get3A_1706 : vector<1x16xf32> to vector<16xf32>
    %add3A_1708 = arith.addf %get3A_1702, %get3A_1707 : vector<16xf32>
    %swap3A_1709 = arith.constant 1 : i32
    %swap3A_1710 = arith.index_cast %swap3A_1709 : i32 to index
    %swap3A_1711 = arith.constant 576 : index
    %swap3A_1712 = tpu.vector_load %arg7[%swap3A_1710, %swap3A_1711] {strides = array<i32>} : memref<2x1000xf32, #tpu.memory_space<vmem>>, vector<1x16xf32>,
    %swap3A_1713 = vector.shape_cast %swap3A_1712 : vector<1x16xf32> to vector<16xf32>
    %swap3A_1714 = vector.shape_cast %add3A_1708 : vector<16xf32> to vector<1x16xf32>
    tpu.vector_store %arg7[%swap3A_1710, %swap3A_1711], %swap3A_1714 {strides = array<i32>} : memref<2x1000xf32, #tpu.memory_space<vmem>>, vector<1x16xf32>,
    %get3A_1715 = arith.constant 1 : i32
    %get3A_1716 = arith.index_cast %get3A_1715 : i32 to index
    %get3A_1717 = arith.constant 592 : index
    %get3A_1718 = tpu.vector_load %arg5[%get3A_1716, %get3A_1717] {strides = array<i32>} : memref<2x1000xf32, #tpu.memory_space<vmem>>, vector<1x16xf32>,
    %get3A_1719 = vector.shape_cast %get3A_1718 : vector<1x16xf32> to vector<16xf32>
    %get3A_1720 = arith.constant 1 : i32
    %get3A_1721 = arith.index_cast %get3A_1720 : i32 to index
    %get3A_1722 = arith.constant 592 : index
    %get3A_1723 = tpu.vector_load %arg6[%get3A_1721, %get3A_1722] {strides = array<i32>} : memref<2x1000xf32, #tpu.memory_space<vmem>>, vector<1x16xf32>,
    %get3A_1724 = vector.shape_cast %get3A_1723 : vector<1x16xf32> to vector<16xf32>
    %add3A_1725 = arith.addf %get3A_1719, %get3A_1724 : vector<16xf32>
    %swap3A_1726 = arith.constant 1 : i32
    %swap3A_1727 = arith.index_cast %swap3A_1726 : i32 to index
    %swap3A_1728 = arith.constant 592 : index
    %swap3A_1729 = tpu.vector_load %arg7[%swap3A_1727, %swap3A_1728] {strides = array<i32>} : memref<2x1000xf32, #tpu.memory_space<vmem>>, vector<1x16xf32>,
    %swap3A_1730 = vector.shape_cast %swap3A_1729 : vector<1x16xf32> to vector<16xf32>
    %swap3A_1731 = vector.shape_cast %add3A_1725 : vector<16xf32> to vector<1x16xf32>
    tpu.vector_store %arg7[%swap3A_1727, %swap3A_1728], %swap3A_1731 {strides = array<i32>} : memref<2x1000xf32, #tpu.memory_space<vmem>>, vector<1x16xf32>,
    %get3A_1732 = arith.constant 1 : i32
    %get3A_1733 = arith.index_cast %get3A_1732 : i32 to index
    %get3A_1734 = arith.constant 608 : index
    %get3A_1735 = tpu.vector_load %arg5[%get3A_1733, %get3A_1734] {strides = array<i32>} : memref<2x1000xf32, #tpu.memory_space<vmem>>, vector<1x16xf32>,
    %get3A_1736 = vector.shape_cast %get3A_1735 : vector<1x16xf32> to vector<16xf32>
    %get3A_1737 = arith.constant 1 : i32
    %get3A_1738 = arith.index_cast %get3A_1737 : i32 to index
    %get3A_1739 = arith.constant 608 : index
    %get3A_1740 = tpu.vector_load %arg6[%get3A_1738, %get3A_1739] {strides = array<i32>} : memref<2x1000xf32, #tpu.memory_space<vmem>>, vector<1x16xf32>,
    %get3A_1741 = vector.shape_cast %get3A_1740 : vector<1x16xf32> to vector<16xf32>
    %add3A_1742 = arith.addf %get3A_1736, %get3A_1741 : vector<16xf32>
    %swap3A_1743 = arith.constant 1 : i32
    %swap3A_1744 = arith.index_cast %swap3A_1743 : i32 to index
    %swap3A_1745 = arith.constant 608 : index
    %swap3A_1746 = tpu.vector_load %arg7[%swap3A_1744, %swap3A_1745] {strides = array<i32>} : memref<2x1000xf32, #tpu.memory_space<vmem>>, vector<1x16xf32>,
    %swap3A_1747 = vector.shape_cast %swap3A_1746 : vector<1x16xf32> to vector<16xf32>
    %swap3A_1748 = vector.shape_cast %add3A_1742 : vector<16xf32> to vector<1x16xf32>
    tpu.vector_store %arg7[%swap3A_1744, %swap3A_1745], %swap3A_1748 {strides = array<i32>} : memref<2x1000xf32, #tpu.memory_space<vmem>>, vector<1x16xf32>,
    %get3A_1749 = arith.constant 1 : i32
    %get3A_1750 = arith.index_cast %get3A_1749 : i32 to index
    %get3A_1751 = arith.constant 624 : index
    %get3A_1752 = tpu.vector_load %arg5[%get3A_1750, %get3A_1751] {strides = array<i32>} : memref<2x1000xf32, #tpu.memory_space<vmem>>, vector<1x16xf32>,
    %get3A_1753 = vector.shape_cast %get3A_1752 : vector<1x16xf32> to vector<16xf32>
    %get3A_1754 = arith.constant 1 : i32
    %get3A_1755 = arith.index_cast %get3A_1754 : i32 to index
    %get3A_1756 = arith.constant 624 : index
    %get3A_1757 = tpu.vector_load %arg6[%get3A_1755, %get3A_1756] {strides = array<i32>} : memref<2x1000xf32, #tpu.memory_space<vmem>>, vector<1x16xf32>,
    %get3A_1758 = vector.shape_cast %get3A_1757 : vector<1x16xf32> to vector<16xf32>
    %add3A_1759 = arith.addf %get3A_1753, %get3A_1758 : vector<16xf32>
    %swap3A_1760 = arith.constant 1 : i32
    %swap3A_1761 = arith.index_cast %swap3A_1760 : i32 to index
    %swap3A_1762 = arith.constant 624 : index
    %swap3A_1763 = tpu.vector_load %arg7[%swap3A_1761, %swap3A_1762] {strides = array<i32>} : memref<2x1000xf32, #tpu.memory_space<vmem>>, vector<1x16xf32>,
    %swap3A_1764 = vector.shape_cast %swap3A_1763 : vector<1x16xf32> to vector<16xf32>
    %swap3A_1765 = vector.shape_cast %add3A_1759 : vector<16xf32> to vector<1x16xf32>
    tpu.vector_store %arg7[%swap3A_1761, %swap3A_1762], %swap3A_1765 {strides = array<i32>} : memref<2x1000xf32, #tpu.memory_space<vmem>>, vector<1x16xf32>,
    %get3A_1766 = arith.constant 1 : i32
    %get3A_1767 = arith.index_cast %get3A_1766 : i32 to index
    %get3A_1768 = arith.constant 640 : index
    %get3A_1769 = tpu.vector_load %arg5[%get3A_1767, %get3A_1768] {strides = array<i32>} : memref<2x1000xf32, #tpu.memory_space<vmem>>, vector<1x16xf32>,
    %get3A_1770 = vector.shape_cast %get3A_1769 : vector<1x16xf32> to vector<16xf32>
    %get3A_1771 = arith.constant 1 : i32
    %get3A_1772 = arith.index_cast %get3A_1771 : i32 to index
    %get3A_1773 = arith.constant 640 : index
    %get3A_1774 = tpu.vector_load %arg6[%get3A_1772, %get3A_1773] {strides = array<i32>} : memref<2x1000xf32, #tpu.memory_space<vmem>>, vector<1x16xf32>,
    %get3A_1775 = vector.shape_cast %get3A_1774 : vector<1x16xf32> to vector<16xf32>
    %add3A_1776 = arith.addf %get3A_1770, %get3A_1775 : vector<16xf32>
    %swap3A_1777 = arith.constant 1 : i32
    %swap3A_1778 = arith.index_cast %swap3A_1777 : i32 to index
    %swap3A_1779 = arith.constant 640 : index
    %swap3A_1780 = tpu.vector_load %arg7[%swap3A_1778, %swap3A_1779] {strides = array<i32>} : memref<2x1000xf32, #tpu.memory_space<vmem>>, vector<1x16xf32>,
    %swap3A_1781 = vector.shape_cast %swap3A_1780 : vector<1x16xf32> to vector<16xf32>
    %swap3A_1782 = vector.shape_cast %add3A_1776 : vector<16xf32> to vector<1x16xf32>
    tpu.vector_store %arg7[%swap3A_1778, %swap3A_1779], %swap3A_1782 {strides = array<i32>} : memref<2x1000xf32, #tpu.memory_space<vmem>>, vector<1x16xf32>,
    %get3A_1783 = arith.constant 1 : i32
    %get3A_1784 = arith.index_cast %get3A_1783 : i32 to index
    %get3A_1785 = arith.constant 656 : index
    %get3A_1786 = tpu.vector_load %arg5[%get3A_1784, %get3A_1785] {strides = array<i32>} : memref<2x1000xf32, #tpu.memory_space<vmem>>, vector<1x16xf32>,
    %get3A_1787 = vector.shape_cast %get3A_1786 : vector<1x16xf32> to vector<16xf32>
    %get3A_1788 = arith.constant 1 : i32
    %get3A_1789 = arith.index_cast %get3A_1788 : i32 to index
    %get3A_1790 = arith.constant 656 : index
    %get3A_1791 = tpu.vector_load %arg6[%get3A_1789, %get3A_1790] {strides = array<i32>} : memref<2x1000xf32, #tpu.memory_space<vmem>>, vector<1x16xf32>,
    %get3A_1792 = vector.shape_cast %get3A_1791 : vector<1x16xf32> to vector<16xf32>
    %add3A_1793 = arith.addf %get3A_1787, %get3A_1792 : vector<16xf32>
    %swap3A_1794 = arith.constant 1 : i32
    %swap3A_1795 = arith.index_cast %swap3A_1794 : i32 to index
    %swap3A_1796 = arith.constant 656 : index
    %swap3A_1797 = tpu.vector_load %arg7[%swap3A_1795, %swap3A_1796] {strides = array<i32>} : memref<2x1000xf32, #tpu.memory_space<vmem>>, vector<1x16xf32>,
    %swap3A_1798 = vector.shape_cast %swap3A_1797 : vector<1x16xf32> to vector<16xf32>
    %swap3A_1799 = vector.shape_cast %add3A_1793 : vector<16xf32> to vector<1x16xf32>
    tpu.vector_store %arg7[%swap3A_1795, %swap3A_1796], %swap3A_1799 {strides = array<i32>} : memref<2x1000xf32, #tpu.memory_space<vmem>>, vector<1x16xf32>,
    %get3A_1800 = arith.constant 1 : i32
    %get3A_1801 = arith.index_cast %get3A_1800 : i32 to index
    %get3A_1802 = arith.constant 672 : index
    %get3A_1803 = tpu.vector_load %arg5[%get3A_1801, %get3A_1802] {strides = array<i32>} : memref<2x1000xf32, #tpu.memory_space<vmem>>, vector<1x16xf32>,
    %get3A_1804 = vector.shape_cast %get3A_1803 : vector<1x16xf32> to vector<16xf32>
    %get3A_1805 = arith.constant 1 : i32
    %get3A_1806 = arith.index_cast %get3A_1805 : i32 to index
    %get3A_1807 = arith.constant 672 : index
    %get3A_1808 = tpu.vector_load %arg6[%get3A_1806, %get3A_1807] {strides = array<i32>} : memref<2x1000xf32, #tpu.memory_space<vmem>>, vector<1x16xf32>,
    %get3A_1809 = vector.shape_cast %get3A_1808 : vector<1x16xf32> to vector<16xf32>
    %add3A_1810 = arith.addf %get3A_1804, %get3A_1809 : vector<16xf32>
    %swap3A_1811 = arith.constant 1 : i32
    %swap3A_1812 = arith.index_cast %swap3A_1811 : i32 to index
    %swap3A_1813 = arith.constant 672 : index
    %swap3A_1814 = tpu.vector_load %arg7[%swap3A_1812, %swap3A_1813] {strides = array<i32>} : memref<2x1000xf32, #tpu.memory_space<vmem>>, vector<1x16xf32>,
    %swap3A_1815 = vector.shape_cast %swap3A_1814 : vector<1x16xf32> to vector<16xf32>
    %swap3A_1816 = vector.shape_cast %add3A_1810 : vector<16xf32> to vector<1x16xf32>
    tpu.vector_store %arg7[%swap3A_1812, %swap3A_1813], %swap3A_1816 {strides = array<i32>} : memref<2x1000xf32, #tpu.memory_space<vmem>>, vector<1x16xf32>,
    %get3A_1817 = arith.constant 1 : i32
    %get3A_1818 = arith.index_cast %get3A_1817 : i32 to index
    %get3A_1819 = arith.constant 688 : index
    %get3A_1820 = tpu.vector_load %arg5[%get3A_1818, %get3A_1819] {strides = array<i32>} : memref<2x1000xf32, #tpu.memory_space<vmem>>, vector<1x16xf32>,
    %get3A_1821 = vector.shape_cast %get3A_1820 : vector<1x16xf32> to vector<16xf32>
    %get3A_1822 = arith.constant 1 : i32
    %get3A_1823 = arith.index_cast %get3A_1822 : i32 to index
    %get3A_1824 = arith.constant 688 : index
    %get3A_1825 = tpu.vector_load %arg6[%get3A_1823, %get3A_1824] {strides = array<i32>} : memref<2x1000xf32, #tpu.memory_space<vmem>>, vector<1x16xf32>,
    %get3A_1826 = vector.shape_cast %get3A_1825 : vector<1x16xf32> to vector<16xf32>
    %add3A_1827 = arith.addf %get3A_1821, %get3A_1826 : vector<16xf32>
    %swap3A_1828 = arith.constant 1 : i32
    %swap3A_1829 = arith.index_cast %swap3A_1828 : i32 to index
    %swap3A_1830 = arith.constant 688 : index
    %swap3A_1831 = tpu.vector_load %arg7[%swap3A_1829, %swap3A_1830] {strides = array<i32>} : memref<2x1000xf32, #tpu.memory_space<vmem>>, vector<1x16xf32>,
    %swap3A_1832 = vector.shape_cast %swap3A_1831 : vector<1x16xf32> to vector<16xf32>
    %swap3A_1833 = vector.shape_cast %add3A_1827 : vector<16xf32> to vector<1x16xf32>
    tpu.vector_store %arg7[%swap3A_1829, %swap3A_1830], %swap3A_1833 {strides = array<i32>} : memref<2x1000xf32, #tpu.memory_space<vmem>>, vector<1x16xf32>,
    %get3A_1834 = arith.constant 1 : i32
    %get3A_1835 = arith.index_cast %get3A_1834 : i32 to index
    %get3A_1836 = arith.constant 704 : index
    %get3A_1837 = tpu.vector_load %arg5[%get3A_1835, %get3A_1836] {strides = array<i32>} : memref<2x1000xf32, #tpu.memory_space<vmem>>, vector<1x16xf32>,
    %get3A_1838 = vector.shape_cast %get3A_1837 : vector<1x16xf32> to vector<16xf32>
    %get3A_1839 = arith.constant 1 : i32
    %get3A_1840 = arith.index_cast %get3A_1839 : i32 to index
    %get3A_1841 = arith.constant 704 : index
    %get3A_1842 = tpu.vector_load %arg6[%get3A_1840, %get3A_1841] {strides = array<i32>} : memref<2x1000xf32, #tpu.memory_space<vmem>>, vector<1x16xf32>,
    %get3A_1843 = vector.shape_cast %get3A_1842 : vector<1x16xf32> to vector<16xf32>
    %add3A_1844 = arith.addf %get3A_1838, %get3A_1843 : vector<16xf32>
    %swap3A_1845 = arith.constant 1 : i32
    %swap3A_1846 = arith.index_cast %swap3A_1845 : i32 to index
    %swap3A_1847 = arith.constant 704 : index
    %swap3A_1848 = tpu.vector_load %arg7[%swap3A_1846, %swap3A_1847] {strides = array<i32>} : memref<2x1000xf32, #tpu.memory_space<vmem>>, vector<1x16xf32>,
    %swap3A_1849 = vector.shape_cast %swap3A_1848 : vector<1x16xf32> to vector<16xf32>
    %swap3A_1850 = vector.shape_cast %add3A_1844 : vector<16xf32> to vector<1x16xf32>
    tpu.vector_store %arg7[%swap3A_1846, %swap3A_1847], %swap3A_1850 {strides = array<i32>} : memref<2x1000xf32, #tpu.memory_space<vmem>>, vector<1x16xf32>,
    %get3A_1851 = arith.constant 1 : i32
    %get3A_1852 = arith.index_cast %get3A_1851 : i32 to index
    %get3A_1853 = arith.constant 720 : index
    %get3A_1854 = tpu.vector_load %arg5[%get3A_1852, %get3A_1853] {strides = array<i32>} : memref<2x1000xf32, #tpu.memory_space<vmem>>, vector<1x16xf32>,
    %get3A_1855 = vector.shape_cast %get3A_1854 : vector<1x16xf32> to vector<16xf32>
    %get3A_1856 = arith.constant 1 : i32
    %get3A_1857 = arith.index_cast %get3A_1856 : i32 to index
    %get3A_1858 = arith.constant 720 : index
    %get3A_1859 = tpu.vector_load %arg6[%get3A_1857, %get3A_1858] {strides = array<i32>} : memref<2x1000xf32, #tpu.memory_space<vmem>>, vector<1x16xf32>,
    %get3A_1860 = vector.shape_cast %get3A_1859 : vector<1x16xf32> to vector<16xf32>
    %add3A_1861 = arith.addf %get3A_1855, %get3A_1860 : vector<16xf32>
    %swap3A_1862 = arith.constant 1 : i32
    %swap3A_1863 = arith.index_cast %swap3A_1862 : i32 to index
    %swap3A_1864 = arith.constant 720 : index
    %swap3A_1865 = tpu.vector_load %arg7[%swap3A_1863, %swap3A_1864] {strides = array<i32>} : memref<2x1000xf32, #tpu.memory_space<vmem>>, vector<1x16xf32>,
    %swap3A_1866 = vector.shape_cast %swap3A_1865 : vector<1x16xf32> to vector<16xf32>
    %swap3A_1867 = vector.shape_cast %add3A_1861 : vector<16xf32> to vector<1x16xf32>
    tpu.vector_store %arg7[%swap3A_1863, %swap3A_1864], %swap3A_1867 {strides = array<i32>} : memref<2x1000xf32, #tpu.memory_space<vmem>>, vector<1x16xf32>,
    %get3A_1868 = arith.constant 1 : i32
    %get3A_1869 = arith.index_cast %get3A_1868 : i32 to index
    %get3A_1870 = arith.constant 736 : index
    %get3A_1871 = tpu.vector_load %arg5[%get3A_1869, %get3A_1870] {strides = array<i32>} : memref<2x1000xf32, #tpu.memory_space<vmem>>, vector<1x16xf32>,
    %get3A_1872 = vector.shape_cast %get3A_1871 : vector<1x16xf32> to vector<16xf32>
    %get3A_1873 = arith.constant 1 : i32
    %get3A_1874 = arith.index_cast %get3A_1873 : i32 to index
    %get3A_1875 = arith.constant 736 : index
    %get3A_1876 = tpu.vector_load %arg6[%get3A_1874, %get3A_1875] {strides = array<i32>} : memref<2x1000xf32, #tpu.memory_space<vmem>>, vector<1x16xf32>,
    %get3A_1877 = vector.shape_cast %get3A_1876 : vector<1x16xf32> to vector<16xf32>
    %add3A_1878 = arith.addf %get3A_1872, %get3A_1877 : vector<16xf32>
    %swap3A_1879 = arith.constant 1 : i32
    %swap3A_1880 = arith.index_cast %swap3A_1879 : i32 to index
    %swap3A_1881 = arith.constant 736 : index
    %swap3A_1882 = tpu.vector_load %arg7[%swap3A_1880, %swap3A_1881] {strides = array<i32>} : memref<2x1000xf32, #tpu.memory_space<vmem>>, vector<1x16xf32>,
    %swap3A_1883 = vector.shape_cast %swap3A_1882 : vector<1x16xf32> to vector<16xf32>
    %swap3A_1884 = vector.shape_cast %add3A_1878 : vector<16xf32> to vector<1x16xf32>
    tpu.vector_store %arg7[%swap3A_1880, %swap3A_1881], %swap3A_1884 {strides = array<i32>} : memref<2x1000xf32, #tpu.memory_space<vmem>>, vector<1x16xf32>,
    %get3A_1885 = arith.constant 1 : i32
    %get3A_1886 = arith.index_cast %get3A_1885 : i32 to index
    %get3A_1887 = arith.constant 752 : index
    %get3A_1888 = tpu.vector_load %arg5[%get3A_1886, %get3A_1887] {strides = array<i32>} : memref<2x1000xf32, #tpu.memory_space<vmem>>, vector<1x16xf32>,
    %get3A_1889 = vector.shape_cast %get3A_1888 : vector<1x16xf32> to vector<16xf32>
    %get3A_1890 = arith.constant 1 : i32
    %get3A_1891 = arith.index_cast %get3A_1890 : i32 to index
    %get3A_1892 = arith.constant 752 : index
    %get3A_1893 = tpu.vector_load %arg6[%get3A_1891, %get3A_1892] {strides = array<i32>} : memref<2x1000xf32, #tpu.memory_space<vmem>>, vector<1x16xf32>,
    %get3A_1894 = vector.shape_cast %get3A_1893 : vector<1x16xf32> to vector<16xf32>
    %add3A_1895 = arith.addf %get3A_1889, %get3A_1894 : vector<16xf32>
    %swap3A_1896 = arith.constant 1 : i32
    %swap3A_1897 = arith.index_cast %swap3A_1896 : i32 to index
    %swap3A_1898 = arith.constant 752 : index
    %swap3A_1899 = tpu.vector_load %arg7[%swap3A_1897, %swap3A_1898] {strides = array<i32>} : memref<2x1000xf32, #tpu.memory_space<vmem>>, vector<1x16xf32>,
    %swap3A_1900 = vector.shape_cast %swap3A_1899 : vector<1x16xf32> to vector<16xf32>
    %swap3A_1901 = vector.shape_cast %add3A_1895 : vector<16xf32> to vector<1x16xf32>
    tpu.vector_store %arg7[%swap3A_1897, %swap3A_1898], %swap3A_1901 {strides = array<i32>} : memref<2x1000xf32, #tpu.memory_space<vmem>>, vector<1x16xf32>,
    %get3A_1902 = arith.constant 1 : i32
    %get3A_1903 = arith.index_cast %get3A_1902 : i32 to index
    %get3A_1904 = arith.constant 768 : index
    %get3A_1905 = tpu.vector_load %arg5[%get3A_1903, %get3A_1904] {strides = array<i32>} : memref<2x1000xf32, #tpu.memory_space<vmem>>, vector<1x16xf32>,
    %get3A_1906 = vector.shape_cast %get3A_1905 : vector<1x16xf32> to vector<16xf32>
    %get3A_1907 = arith.constant 1 : i32
    %get3A_1908 = arith.index_cast %get3A_1907 : i32 to index
    %get3A_1909 = arith.constant 768 : index
    %get3A_1910 = tpu.vector_load %arg6[%get3A_1908, %get3A_1909] {strides = array<i32>} : memref<2x1000xf32, #tpu.memory_space<vmem>>, vector<1x16xf32>,
    %get3A_1911 = vector.shape_cast %get3A_1910 : vector<1x16xf32> to vector<16xf32>
    %add3A_1912 = arith.addf %get3A_1906, %get3A_1911 : vector<16xf32>
    %swap3A_1913 = arith.constant 1 : i32
    %swap3A_1914 = arith.index_cast %swap3A_1913 : i32 to index
    %swap3A_1915 = arith.constant 768 : index
    %swap3A_1916 = tpu.vector_load %arg7[%swap3A_1914, %swap3A_1915] {strides = array<i32>} : memref<2x1000xf32, #tpu.memory_space<vmem>>, vector<1x16xf32>,
    %swap3A_1917 = vector.shape_cast %swap3A_1916 : vector<1x16xf32> to vector<16xf32>
    %swap3A_1918 = vector.shape_cast %add3A_1912 : vector<16xf32> to vector<1x16xf32>
    tpu.vector_store %arg7[%swap3A_1914, %swap3A_1915], %swap3A_1918 {strides = array<i32>} : memref<2x1000xf32, #tpu.memory_space<vmem>>, vector<1x16xf32>,
    %get3A_1919 = arith.constant 1 : i32
    %get3A_1920 = arith.index_cast %get3A_1919 : i32 to index
    %get3A_1921 = arith.constant 784 : index
    %get3A_1922 = tpu.vector_load %arg5[%get3A_1920, %get3A_1921] {strides = array<i32>} : memref<2x1000xf32, #tpu.memory_space<vmem>>, vector<1x16xf32>,
    %get3A_1923 = vector.shape_cast %get3A_1922 : vector<1x16xf32> to vector<16xf32>
    %get3A_1924 = arith.constant 1 : i32
    %get3A_1925 = arith.index_cast %get3A_1924 : i32 to index
    %get3A_1926 = arith.constant 784 : index
    %get3A_1927 = tpu.vector_load %arg6[%get3A_1925, %get3A_1926] {strides = array<i32>} : memref<2x1000xf32, #tpu.memory_space<vmem>>, vector<1x16xf32>,
    %get3A_1928 = vector.shape_cast %get3A_1927 : vector<1x16xf32> to vector<16xf32>
    %add3A_1929 = arith.addf %get3A_1923, %get3A_1928 : vector<16xf32>
    %swap3A_1930 = arith.constant 1 : i32
    %swap3A_1931 = arith.index_cast %swap3A_1930 : i32 to index
    %swap3A_1932 = arith.constant 784 : index
    %swap3A_1933 = tpu.vector_load %arg7[%swap3A_1931, %swap3A_1932] {strides = array<i32>} : memref<2x1000xf32, #tpu.memory_space<vmem>>, vector<1x16xf32>,
    %swap3A_1934 = vector.shape_cast %swap3A_1933 : vector<1x16xf32> to vector<16xf32>
    %swap3A_1935 = vector.shape_cast %add3A_1929 : vector<16xf32> to vector<1x16xf32>
    tpu.vector_store %arg7[%swap3A_1931, %swap3A_1932], %swap3A_1935 {strides = array<i32>} : memref<2x1000xf32, #tpu.memory_space<vmem>>, vector<1x16xf32>,
    %get3A_1936 = arith.constant 1 : i32
    %get3A_1937 = arith.index_cast %get3A_1936 : i32 to index
    %get3A_1938 = arith.constant 800 : index
    %get3A_1939 = tpu.vector_load %arg5[%get3A_1937, %get3A_1938] {strides = array<i32>} : memref<2x1000xf32, #tpu.memory_space<vmem>>, vector<1x16xf32>,
    %get3A_1940 = vector.shape_cast %get3A_1939 : vector<1x16xf32> to vector<16xf32>
    %get3A_1941 = arith.constant 1 : i32
    %get3A_1942 = arith.index_cast %get3A_1941 : i32 to index
    %get3A_1943 = arith.constant 800 : index
    %get3A_1944 = tpu.vector_load %arg6[%get3A_1942, %get3A_1943] {strides = array<i32>} : memref<2x1000xf32, #tpu.memory_space<vmem>>, vector<1x16xf32>,
    %get3A_1945 = vector.shape_cast %get3A_1944 : vector<1x16xf32> to vector<16xf32>
    %add3A_1946 = arith.addf %get3A_1940, %get3A_1945 : vector<16xf32>
    %swap3A_1947 = arith.constant 1 : i32
    %swap3A_1948 = arith.index_cast %swap3A_1947 : i32 to index
    %swap3A_1949 = arith.constant 800 : index
    %swap3A_1950 = tpu.vector_load %arg7[%swap3A_1948, %swap3A_1949] {strides = array<i32>} : memref<2x1000xf32, #tpu.memory_space<vmem>>, vector<1x16xf32>,
    %swap3A_1951 = vector.shape_cast %swap3A_1950 : vector<1x16xf32> to vector<16xf32>
    %swap3A_1952 = vector.shape_cast %add3A_1946 : vector<16xf32> to vector<1x16xf32>
    tpu.vector_store %arg7[%swap3A_1948, %swap3A_1949], %swap3A_1952 {strides = array<i32>} : memref<2x1000xf32, #tpu.memory_space<vmem>>, vector<1x16xf32>,
    %get3A_1953 = arith.constant 1 : i32
    %get3A_1954 = arith.index_cast %get3A_1953 : i32 to index
    %get3A_1955 = arith.constant 816 : index
    %get3A_1956 = tpu.vector_load %arg5[%get3A_1954, %get3A_1955] {strides = array<i32>} : memref<2x1000xf32, #tpu.memory_space<vmem>>, vector<1x16xf32>,
    %get3A_1957 = vector.shape_cast %get3A_1956 : vector<1x16xf32> to vector<16xf32>
    %get3A_1958 = arith.constant 1 : i32
    %get3A_1959 = arith.index_cast %get3A_1958 : i32 to index
    %get3A_1960 = arith.constant 816 : index
    %get3A_1961 = tpu.vector_load %arg6[%get3A_1959, %get3A_1960] {strides = array<i32>} : memref<2x1000xf32, #tpu.memory_space<vmem>>, vector<1x16xf32>,
    %get3A_1962 = vector.shape_cast %get3A_1961 : vector<1x16xf32> to vector<16xf32>
    %add3A_1963 = arith.addf %get3A_1957, %get3A_1962 : vector<16xf32>
    %swap3A_1964 = arith.constant 1 : i32
    %swap3A_1965 = arith.index_cast %swap3A_1964 : i32 to index
    %swap3A_1966 = arith.constant 816 : index
    %swap3A_1967 = tpu.vector_load %arg7[%swap3A_1965, %swap3A_1966] {strides = array<i32>} : memref<2x1000xf32, #tpu.memory_space<vmem>>, vector<1x16xf32>,
    %swap3A_1968 = vector.shape_cast %swap3A_1967 : vector<1x16xf32> to vector<16xf32>
    %swap3A_1969 = vector.shape_cast %add3A_1963 : vector<16xf32> to vector<1x16xf32>
    tpu.vector_store %arg7[%swap3A_1965, %swap3A_1966], %swap3A_1969 {strides = array<i32>} : memref<2x1000xf32, #tpu.memory_space<vmem>>, vector<1x16xf32>,
    %get3A_1970 = arith.constant 1 : i32
    %get3A_1971 = arith.index_cast %get3A_1970 : i32 to index
    %get3A_1972 = arith.constant 832 : index
    %get3A_1973 = tpu.vector_load %arg5[%get3A_1971, %get3A_1972] {strides = array<i32>} : memref<2x1000xf32, #tpu.memory_space<vmem>>, vector<1x16xf32>,
    %get3A_1974 = vector.shape_cast %get3A_1973 : vector<1x16xf32> to vector<16xf32>
    %get3A_1975 = arith.constant 1 : i32
    %get3A_1976 = arith.index_cast %get3A_1975 : i32 to index
    %get3A_1977 = arith.constant 832 : index
    %get3A_1978 = tpu.vector_load %arg6[%get3A_1976, %get3A_1977] {strides = array<i32>} : memref<2x1000xf32, #tpu.memory_space<vmem>>, vector<1x16xf32>,
    %get3A_1979 = vector.shape_cast %get3A_1978 : vector<1x16xf32> to vector<16xf32>
    %add3A_1980 = arith.addf %get3A_1974, %get3A_1979 : vector<16xf32>
    %swap3A_1981 = arith.constant 1 : i32
    %swap3A_1982 = arith.index_cast %swap3A_1981 : i32 to index
    %swap3A_1983 = arith.constant 832 : index
    %swap3A_1984 = tpu.vector_load %arg7[%swap3A_1982, %swap3A_1983] {strides = array<i32>} : memref<2x1000xf32, #tpu.memory_space<vmem>>, vector<1x16xf32>,
    %swap3A_1985 = vector.shape_cast %swap3A_1984 : vector<1x16xf32> to vector<16xf32>
    %swap3A_1986 = vector.shape_cast %add3A_1980 : vector<16xf32> to vector<1x16xf32>
    tpu.vector_store %arg7[%swap3A_1982, %swap3A_1983], %swap3A_1986 {strides = array<i32>} : memref<2x1000xf32, #tpu.memory_space<vmem>>, vector<1x16xf32>,
    %get3A_1987 = arith.constant 1 : i32
    %get3A_1988 = arith.index_cast %get3A_1987 : i32 to index
    %get3A_1989 = arith.constant 848 : index
    %get3A_1990 = tpu.vector_load %arg5[%get3A_1988, %get3A_1989] {strides = array<i32>} : memref<2x1000xf32, #tpu.memory_space<vmem>>, vector<1x16xf32>,
    %get3A_1991 = vector.shape_cast %get3A_1990 : vector<1x16xf32> to vector<16xf32>
    %get3A_1992 = arith.constant 1 : i32
    %get3A_1993 = arith.index_cast %get3A_1992 : i32 to index
    %get3A_1994 = arith.constant 848 : index
    %get3A_1995 = tpu.vector_load %arg6[%get3A_1993, %get3A_1994] {strides = array<i32>} : memref<2x1000xf32, #tpu.memory_space<vmem>>, vector<1x16xf32>,
    %get3A_1996 = vector.shape_cast %get3A_1995 : vector<1x16xf32> to vector<16xf32>
    %add3A_1997 = arith.addf %get3A_1991, %get3A_1996 : vector<16xf32>
    %swap3A_1998 = arith.constant 1 : i32
    %swap3A_1999 = arith.index_cast %swap3A_1998 : i32 to index
    %swap3A_2000 = arith.constant 848 : index
    %swap3A_2001 = tpu.vector_load %arg7[%swap3A_1999, %swap3A_2000] {strides = array<i32>} : memref<2x1000xf32, #tpu.memory_space<vmem>>, vector<1x16xf32>,
    %swap3A_2002 = vector.shape_cast %swap3A_2001 : vector<1x16xf32> to vector<16xf32>
    %swap3A_2003 = vector.shape_cast %add3A_1997 : vector<16xf32> to vector<1x16xf32>
    tpu.vector_store %arg7[%swap3A_1999, %swap3A_2000], %swap3A_2003 {strides = array<i32>} : memref<2x1000xf32, #tpu.memory_space<vmem>>, vector<1x16xf32>,
    %get3A_2004 = arith.constant 1 : i32
    %get3A_2005 = arith.index_cast %get3A_2004 : i32 to index
    %get3A_2006 = arith.constant 864 : index
    %get3A_2007 = tpu.vector_load %arg5[%get3A_2005, %get3A_2006] {strides = array<i32>} : memref<2x1000xf32, #tpu.memory_space<vmem>>, vector<1x16xf32>,
    %get3A_2008 = vector.shape_cast %get3A_2007 : vector<1x16xf32> to vector<16xf32>
    %get3A_2009 = arith.constant 1 : i32
    %get3A_2010 = arith.index_cast %get3A_2009 : i32 to index
    %get3A_2011 = arith.constant 864 : index
    %get3A_2012 = tpu.vector_load %arg6[%get3A_2010, %get3A_2011] {strides = array<i32>} : memref<2x1000xf32, #tpu.memory_space<vmem>>, vector<1x16xf32>,
    %get3A_2013 = vector.shape_cast %get3A_2012 : vector<1x16xf32> to vector<16xf32>
    %add3A_2014 = arith.addf %get3A_2008, %get3A_2013 : vector<16xf32>
    %swap3A_2015 = arith.constant 1 : i32
    %swap3A_2016 = arith.index_cast %swap3A_2015 : i32 to index
    %swap3A_2017 = arith.constant 864 : index
    %swap3A_2018 = tpu.vector_load %arg7[%swap3A_2016, %swap3A_2017] {strides = array<i32>} : memref<2x1000xf32, #tpu.memory_space<vmem>>, vector<1x16xf32>,
    %swap3A_2019 = vector.shape_cast %swap3A_2018 : vector<1x16xf32> to vector<16xf32>
    %swap3A_2020 = vector.shape_cast %add3A_2014 : vector<16xf32> to vector<1x16xf32>
    tpu.vector_store %arg7[%swap3A_2016, %swap3A_2017], %swap3A_2020 {strides = array<i32>} : memref<2x1000xf32, #tpu.memory_space<vmem>>, vector<1x16xf32>,
    %get3A_2021 = arith.constant 1 : i32
    %get3A_2022 = arith.index_cast %get3A_2021 : i32 to index
    %get3A_2023 = arith.constant 880 : index
    %get3A_2024 = tpu.vector_load %arg5[%get3A_2022, %get3A_2023] {strides = array<i32>} : memref<2x1000xf32, #tpu.memory_space<vmem>>, vector<1x16xf32>,
    %get3A_2025 = vector.shape_cast %get3A_2024 : vector<1x16xf32> to vector<16xf32>
    %get3A_2026 = arith.constant 1 : i32
    %get3A_2027 = arith.index_cast %get3A_2026 : i32 to index
    %get3A_2028 = arith.constant 880 : index
    %get3A_2029 = tpu.vector_load %arg6[%get3A_2027, %get3A_2028] {strides = array<i32>} : memref<2x1000xf32, #tpu.memory_space<vmem>>, vector<1x16xf32>,
    %get3A_2030 = vector.shape_cast %get3A_2029 : vector<1x16xf32> to vector<16xf32>
    %add3A_2031 = arith.addf %get3A_2025, %get3A_2030 : vector<16xf32>
    %swap3A_2032 = arith.constant 1 : i32
    %swap3A_2033 = arith.index_cast %swap3A_2032 : i32 to index
    %swap3A_2034 = arith.constant 880 : index
    %swap3A_2035 = tpu.vector_load %arg7[%swap3A_2033, %swap3A_2034] {strides = array<i32>} : memref<2x1000xf32, #tpu.memory_space<vmem>>, vector<1x16xf32>,
    %swap3A_2036 = vector.shape_cast %swap3A_2035 : vector<1x16xf32> to vector<16xf32>
    %swap3A_2037 = vector.shape_cast %add3A_2031 : vector<16xf32> to vector<1x16xf32>
    tpu.vector_store %arg7[%swap3A_2033, %swap3A_2034], %swap3A_2037 {strides = array<i32>} : memref<2x1000xf32, #tpu.memory_space<vmem>>, vector<1x16xf32>,
    %get3A_2038 = arith.constant 1 : i32
    %get3A_2039 = arith.index_cast %get3A_2038 : i32 to index
    %get3A_2040 = arith.constant 896 : index
    %get3A_2041 = tpu.vector_load %arg5[%get3A_2039, %get3A_2040] {strides = array<i32>} : memref<2x1000xf32, #tpu.memory_space<vmem>>, vector<1x16xf32>,
    %get3A_2042 = vector.shape_cast %get3A_2041 : vector<1x16xf32> to vector<16xf32>
    %get3A_2043 = arith.constant 1 : i32
    %get3A_2044 = arith.index_cast %get3A_2043 : i32 to index
    %get3A_2045 = arith.constant 896 : index
    %get3A_2046 = tpu.vector_load %arg6[%get3A_2044, %get3A_2045] {strides = array<i32>} : memref<2x1000xf32, #tpu.memory_space<vmem>>, vector<1x16xf32>,
    %get3A_2047 = vector.shape_cast %get3A_2046 : vector<1x16xf32> to vector<16xf32>
    %add3A_2048 = arith.addf %get3A_2042, %get3A_2047 : vector<16xf32>
    %swap3A_2049 = arith.constant 1 : i32
    %swap3A_2050 = arith.index_cast %swap3A_2049 : i32 to index
    %swap3A_2051 = arith.constant 896 : index
    %swap3A_2052 = tpu.vector_load %arg7[%swap3A_2050, %swap3A_2051] {strides = array<i32>} : memref<2x1000xf32, #tpu.memory_space<vmem>>, vector<1x16xf32>,
    %swap3A_2053 = vector.shape_cast %swap3A_2052 : vector<1x16xf32> to vector<16xf32>
    %swap3A_2054 = vector.shape_cast %add3A_2048 : vector<16xf32> to vector<1x16xf32>
    tpu.vector_store %arg7[%swap3A_2050, %swap3A_2051], %swap3A_2054 {strides = array<i32>} : memref<2x1000xf32, #tpu.memory_space<vmem>>, vector<1x16xf32>,
    %get3A_2055 = arith.constant 1 : i32
    %get3A_2056 = arith.index_cast %get3A_2055 : i32 to index
    %get3A_2057 = arith.constant 912 : index
    %get3A_2058 = tpu.vector_load %arg5[%get3A_2056, %get3A_2057] {strides = array<i32>} : memref<2x1000xf32, #tpu.memory_space<vmem>>, vector<1x16xf32>,
    %get3A_2059 = vector.shape_cast %get3A_2058 : vector<1x16xf32> to vector<16xf32>
    %get3A_2060 = arith.constant 1 : i32
    %get3A_2061 = arith.index_cast %get3A_2060 : i32 to index
    %get3A_2062 = arith.constant 912 : index
    %get3A_2063 = tpu.vector_load %arg6[%get3A_2061, %get3A_2062] {strides = array<i32>} : memref<2x1000xf32, #tpu.memory_space<vmem>>, vector<1x16xf32>,
    %get3A_2064 = vector.shape_cast %get3A_2063 : vector<1x16xf32> to vector<16xf32>
    %add3A_2065 = arith.addf %get3A_2059, %get3A_2064 : vector<16xf32>
    %swap3A_2066 = arith.constant 1 : i32
    %swap3A_2067 = arith.index_cast %swap3A_2066 : i32 to index
    %swap3A_2068 = arith.constant 912 : index
    %swap3A_2069 = tpu.vector_load %arg7[%swap3A_2067, %swap3A_2068] {strides = array<i32>} : memref<2x1000xf32, #tpu.memory_space<vmem>>, vector<1x16xf32>,
    %swap3A_2070 = vector.shape_cast %swap3A_2069 : vector<1x16xf32> to vector<16xf32>
    %swap3A_2071 = vector.shape_cast %add3A_2065 : vector<16xf32> to vector<1x16xf32>
    tpu.vector_store %arg7[%swap3A_2067, %swap3A_2068], %swap3A_2071 {strides = array<i32>} : memref<2x1000xf32, #tpu.memory_space<vmem>>, vector<1x16xf32>,
    %get3A_2072 = arith.constant 1 : i32
    %get3A_2073 = arith.index_cast %get3A_2072 : i32 to index
    %get3A_2074 = arith.constant 928 : index
    %get3A_2075 = tpu.vector_load %arg5[%get3A_2073, %get3A_2074] {strides = array<i32>} : memref<2x1000xf32, #tpu.memory_space<vmem>>, vector<1x16xf32>,
    %get3A_2076 = vector.shape_cast %get3A_2075 : vector<1x16xf32> to vector<16xf32>
    %get3A_2077 = arith.constant 1 : i32
    %get3A_2078 = arith.index_cast %get3A_2077 : i32 to index
    %get3A_2079 = arith.constant 928 : index
    %get3A_2080 = tpu.vector_load %arg6[%get3A_2078, %get3A_2079] {strides = array<i32>} : memref<2x1000xf32, #tpu.memory_space<vmem>>, vector<1x16xf32>,
    %get3A_2081 = vector.shape_cast %get3A_2080 : vector<1x16xf32> to vector<16xf32>
    %add3A_2082 = arith.addf %get3A_2076, %get3A_2081 : vector<16xf32>
    %swap3A_2083 = arith.constant 1 : i32
    %swap3A_2084 = arith.index_cast %swap3A_2083 : i32 to index
    %swap3A_2085 = arith.constant 928 : index
    %swap3A_2086 = tpu.vector_load %arg7[%swap3A_2084, %swap3A_2085] {strides = array<i32>} : memref<2x1000xf32, #tpu.memory_space<vmem>>, vector<1x16xf32>,
    %swap3A_2087 = vector.shape_cast %swap3A_2086 : vector<1x16xf32> to vector<16xf32>
    %swap3A_2088 = vector.shape_cast %add3A_2082 : vector<16xf32> to vector<1x16xf32>
    tpu.vector_store %arg7[%swap3A_2084, %swap3A_2085], %swap3A_2088 {strides = array<i32>} : memref<2x1000xf32, #tpu.memory_space<vmem>>, vector<1x16xf32>,
    %get3A_2089 = arith.constant 1 : i32
    %get3A_2090 = arith.index_cast %get3A_2089 : i32 to index
    %get3A_2091 = arith.constant 944 : index
    %get3A_2092 = tpu.vector_load %arg5[%get3A_2090, %get3A_2091] {strides = array<i32>} : memref<2x1000xf32, #tpu.memory_space<vmem>>, vector<1x16xf32>,
    %get3A_2093 = vector.shape_cast %get3A_2092 : vector<1x16xf32> to vector<16xf32>
    %get3A_2094 = arith.constant 1 : i32
    %get3A_2095 = arith.index_cast %get3A_2094 : i32 to index
    %get3A_2096 = arith.constant 944 : index
    %get3A_2097 = tpu.vector_load %arg6[%get3A_2095, %get3A_2096] {strides = array<i32>} : memref<2x1000xf32, #tpu.memory_space<vmem>>, vector<1x16xf32>,
    %get3A_2098 = vector.shape_cast %get3A_2097 : vector<1x16xf32> to vector<16xf32>
    %add3A_2099 = arith.addf %get3A_2093, %get3A_2098 : vector<16xf32>
    %swap3A_2100 = arith.constant 1 : i32
    %swap3A_2101 = arith.index_cast %swap3A_2100 : i32 to index
    %swap3A_2102 = arith.constant 944 : index
    %swap3A_2103 = tpu.vector_load %arg7[%swap3A_2101, %swap3A_2102] {strides = array<i32>} : memref<2x1000xf32, #tpu.memory_space<vmem>>, vector<1x16xf32>,
    %swap3A_2104 = vector.shape_cast %swap3A_2103 : vector<1x16xf32> to vector<16xf32>
    %swap3A_2105 = vector.shape_cast %add3A_2099 : vector<16xf32> to vector<1x16xf32>
    tpu.vector_store %arg7[%swap3A_2101, %swap3A_2102], %swap3A_2105 {strides = array<i32>} : memref<2x1000xf32, #tpu.memory_space<vmem>>, vector<1x16xf32>,
    %get3A_2106 = arith.constant 1 : i32
    %get3A_2107 = arith.index_cast %get3A_2106 : i32 to index
    %get3A_2108 = arith.constant 960 : index
    %get3A_2109 = tpu.vector_load %arg5[%get3A_2107, %get3A_2108] {strides = array<i32>} : memref<2x1000xf32, #tpu.memory_space<vmem>>, vector<1x16xf32>,
    %get3A_2110 = vector.shape_cast %get3A_2109 : vector<1x16xf32> to vector<16xf32>
    %get3A_2111 = arith.constant 1 : i32
    %get3A_2112 = arith.index_cast %get3A_2111 : i32 to index
    %get3A_2113 = arith.constant 960 : index
    %get3A_2114 = tpu.vector_load %arg6[%get3A_2112, %get3A_2113] {strides = array<i32>} : memref<2x1000xf32, #tpu.memory_space<vmem>>, vector<1x16xf32>,
    %get3A_2115 = vector.shape_cast %get3A_2114 : vector<1x16xf32> to vector<16xf32>
    %add3A_2116 = arith.addf %get3A_2110, %get3A_2115 : vector<16xf32>
    %swap3A_2117 = arith.constant 1 : i32
    %swap3A_2118 = arith.index_cast %swap3A_2117 : i32 to index
    %swap3A_2119 = arith.constant 960 : index
    %swap3A_2120 = tpu.vector_load %arg7[%swap3A_2118, %swap3A_2119] {strides = array<i32>} : memref<2x1000xf32, #tpu.memory_space<vmem>>, vector<1x16xf32>,
    %swap3A_2121 = vector.shape_cast %swap3A_2120 : vector<1x16xf32> to vector<16xf32>
    %swap3A_2122 = vector.shape_cast %add3A_2116 : vector<16xf32> to vector<1x16xf32>
    tpu.vector_store %arg7[%swap3A_2118, %swap3A_2119], %swap3A_2122 {strides = array<i32>} : memref<2x1000xf32, #tpu.memory_space<vmem>>, vector<1x16xf32>,
    %get3A_2123 = arith.constant 1 : i32
    %get3A_2124 = arith.index_cast %get3A_2123 : i32 to index
    %get3A_2125 = arith.constant 976 : index
    %get3A_2126 = tpu.vector_load %arg5[%get3A_2124, %get3A_2125] {strides = array<i32>} : memref<2x1000xf32, #tpu.memory_space<vmem>>, vector<1x16xf32>,
    %get3A_2127 = vector.shape_cast %get3A_2126 : vector<1x16xf32> to vector<16xf32>
    %get3A_2128 = arith.constant 1 : i32
    %get3A_2129 = arith.index_cast %get3A_2128 : i32 to index
    %get3A_2130 = arith.constant 976 : index
    %get3A_2131 = tpu.vector_load %arg6[%get3A_2129, %get3A_2130] {strides = array<i32>} : memref<2x1000xf32, #tpu.memory_space<vmem>>, vector<1x16xf32>,
    %get3A_2132 = vector.shape_cast %get3A_2131 : vector<1x16xf32> to vector<16xf32>
    %add3A_2133 = arith.addf %get3A_2127, %get3A_2132 : vector<16xf32>
    %swap3A_2134 = arith.constant 1 : i32
    %swap3A_2135 = arith.index_cast %swap3A_2134 : i32 to index
    %swap3A_2136 = arith.constant 976 : index
    %swap3A_2137 = tpu.vector_load %arg7[%swap3A_2135, %swap3A_2136] {strides = array<i32>} : memref<2x1000xf32, #tpu.memory_space<vmem>>, vector<1x16xf32>,
    %swap3A_2138 = vector.shape_cast %swap3A_2137 : vector<1x16xf32> to vector<16xf32>
    %swap3A_2139 = vector.shape_cast %add3A_2133 : vector<16xf32> to vector<1x16xf32>
    tpu.vector_store %arg7[%swap3A_2135, %swap3A_2136], %swap3A_2139 {strides = array<i32>} : memref<2x1000xf32, #tpu.memory_space<vmem>>, vector<1x16xf32>,
    %get3A_2140 = arith.constant 1 : i32
    %get3A_2141 = arith.index_cast %get3A_2140 : i32 to index
    %get3A_2142 = arith.constant 984 : index
    %get3A_2143 = tpu.vector_load %arg5[%get3A_2141, %get3A_2142] {strides = array<i32>} : memref<2x1000xf32, #tpu.memory_space<vmem>>, vector<1x16xf32>,
    %get3A_2144 = vector.shape_cast %get3A_2143 : vector<1x16xf32> to vector<16xf32>
    %get3A_2145 = arith.constant 1 : i32
    %get3A_2146 = arith.index_cast %get3A_2145 : i32 to index
    %get3A_2147 = arith.constant 984 : index
    %get3A_2148 = tpu.vector_load %arg6[%get3A_2146, %get3A_2147] {strides = array<i32>} : memref<2x1000xf32, #tpu.memory_space<vmem>>, vector<1x16xf32>,
    %get3A_2149 = vector.shape_cast %get3A_2148 : vector<1x16xf32> to vector<16xf32>
    %add3A_2150 = arith.addf %get3A_2144, %get3A_2149 : vector<16xf32>
    %swap3A_2151 = arith.constant 1 : i32
    %swap3A_2152 = arith.index_cast %swap3A_2151 : i32 to index
    %swap3A_2153 = arith.constant 984 : index
    %swap3A_2154 = tpu.vector_load %arg7[%swap3A_2152, %swap3A_2153] {strides = array<i32>} : memref<2x1000xf32, #tpu.memory_space<vmem>>, vector<1x16xf32>,
    %swap3A_2155 = vector.shape_cast %swap3A_2154 : vector<1x16xf32> to vector<16xf32>
    %swap3A_2156 = vector.shape_cast %add3A_2150 : vector<16xf32> to vector<1x16xf32>
    tpu.vector_store %arg7[%swap3A_2152, %swap3A_2153], %swap3A_2156 {strides = array<i32>} : memref<2x1000xf32, #tpu.memory_space<vmem>>, vector<1x16xf32>,
    "tpu.region"() ({
      %run_scoped3A = tpu.sem_alloc : memref<!tpu.dma_semaphore, #tpu.memory_space<semaphore_mem>>
      %dma_start3A_2157 = arith.constant 0 : i32
      %dma_start3A_2158 = tpu.memref_slice %arg4[%mul3A_2, %dma_start3A_2157] : memref<64x1000xf32, #tpu.memory_space<hbm>> -> memref<2x1000xf32, #tpu.memory_space<hbm>>
      %dma_start3A_2159 = arith.constant 0 : i32
      %dma_start3A_2160 = tpu.memref_slice %arg4[%mul3A_2, %dma_start3A_2159] : memref<64x1000xf32, #tpu.memory_space<hbm>> -> memref<2x1000xf32, #tpu.memory_space<hbm>>
      tpu.enqueue_dma source(%arg7 : memref<2x1000xf32, #tpu.memory_space<vmem>>) target(%dma_start3A_2160 : memref<2x1000xf32, #tpu.memory_space<hbm>>) target_semaphore(%run_scoped3A : memref<!tpu.dma_semaphore, #tpu.memory_space<semaphore_mem>>)
      %dma_wait3A_2161 = arith.constant 0 : i32
      %dma_wait3A_2162 = tpu.memref_slice %arg4[%mul3A_2, %dma_wait3A_2161] : memref<64x1000xf32, #tpu.memory_space<hbm>> -> memref<2x1000xf32, #tpu.memory_space<hbm>>
      %dma_wait3A_2163 = arith.constant 0 : i32
      %dma_wait3A_2164 = tpu.memref_slice %arg4[%mul3A_2, %dma_wait3A_2163] : memref<64x1000xf32, #tpu.memory_space<hbm>> -> memref<2x1000xf32, #tpu.memory_space<hbm>>
      tpu.wait_dma2 semaphore(%run_scoped3A : memref<!tpu.dma_semaphore, #tpu.memory_space<semaphore_mem>>) src(%arg7 : memref<2x1000xf32, #tpu.memory_space<vmem>>) dst(%dma_wait3A_2164 : memref<2x1000xf32, #tpu.memory_space<hbm>>)
      tpu.yield
    }) : () -> ()
    return
  }
}

module attributes {stable_mosaic.version = 14 : i64} {
  func.func @_ent_add_kernel(%arg0: i32, %arg1: memref<64x16384xf32, #tpu.memory_space<vmem>>, %arg2: memref<64x16384xf32, #tpu.memory_space<vmem>>, %arg3: memref<64x16384xf32, #tpu.memory_space<vmem>>) attributes {dimension_semantics = [#tpu.dimension_semantics<arbitrary>], iteration_bounds = array<i64: 7>, scalar_prefetch = 0 : i64, scratch_operands = 0 : i64, tpu.core_type = #tpu.core_type<tc>, window_params = [{transform_indices = @transform_0, window_bounds = array<i64: 64, 16384>}, {transform_indices = @transform_1, window_bounds = array<i64: 64, 16384>}, {transform_indices = @transform_2, window_bounds = array<i64: 64, 16384>}]} {
    %get3A = arith.constant 0 : index
    %get3A_0 = arith.constant 0 : index
    %get3A_1 = vector.load %arg1[%get3A, %get3A_0] : memref<64x16384xf32, #tpu.memory_space<vmem>>, vector<64x16384xf32>
    %get3A_2 = arith.constant 0 : index
    %get3A_3 = arith.constant 0 : index
    %get3A_4 = vector.load %arg2[%get3A_2, %get3A_3] : memref<64x16384xf32, #tpu.memory_space<vmem>>, vector<64x16384xf32>
    %add3A = arith.addf %get3A_1, %get3A_4 : vector<64x16384xf32>
    %swap3A = arith.constant 0 : index
    %swap3A_5 = arith.constant 0 : index
    %swap3A_6 = vector.load %arg3[%swap3A, %swap3A_5] : memref<64x16384xf32, #tpu.memory_space<vmem>>, vector<64x16384xf32>
    tpu.vector_store %arg3[%swap3A, %swap3A_5], %add3A {strides = array<i32>} : memref<64x16384xf32, #tpu.memory_space<vmem>>, vector<64x16384xf32>,
    return
  }
  func.func @transform_0(%arg0: i32) -> (i32, i32) {
    %c0_i32 = arith.constant 0 : i32
    %c0_i32_0 = arith.constant 0 : i32
    return %c0_i32, %arg0 : i32, i32
  }
  func.func @transform_1(%arg0: i32) -> (i32, i32) {
    %c0_i32 = arith.constant 0 : i32
    %c0_i32_0 = arith.constant 0 : i32
    return %c0_i32, %arg0 : i32, i32
  }
  func.func @transform_2(%arg0: i32) -> (i32, i32) {
    %c0_i32 = arith.constant 0 : i32
    %c0_i32_0 = arith.constant 0 : i32
    return %c0_i32, %arg0 : i32, i32
  }
}

</mosaic_0001>

<sc_bundles>
// kernel: kernel.4.cloned.1.call-start
scs
__scs_entry_jumppad:
0x0: {  	(pc) =	sbr.rel $0x88, $3  }
0x1: {  	(tag) =	ssettag $0x0;
	lr =	simm.s32 $0x1  }
0x2: {  	[smem:$0x3F9D] =	sst lr;
	_ =	strace $0xD0000000  }
0x3: {  	_ = 	snop  }
0x4: {  	_ = 	snop  }
0x5: {  	_ = 	snop  }
0x6: {  	_ = 	snop  }
0x7: {  	_ = 	snop  }
__scs_overlays_trampoline_lowered:
0x8: {  	[smem:$0x3FAC] =	sst s0  }
0x9: {  	[smem:$0x3FAD] =	sst s1  }
0xa: {  	[smem:$0x3FAE] =	sst s2  }
0xb: {  	[smem:$0x3FAF] =	sst s3  }
0xc: {  	[smem:$0x3FB0] =	sst s4  }
0xd: {  	[smem:$0x3FB1] =	sst s5  }
0xe: {  	[smem:$0x3FB2] =	sst s6  }
0xf: {  	[smem:$0x3FB3] =	sst s7  }
0x10: {  	[smem:$0x3FB4] =	sst s8  }
0x11: {  	[smem:$0x3FB5] =	sst s9;
	s0 =	simm.s32 @!p0 $0x0  }
0x12: {  	s1 =	sld [smem:$0x3F9B];
	s0 =	simm.s32 @p0 $0x1  }
0x13: {  	[smem:$0x3FB6] =	sst s0;
	s0 =	simm.s32 @!p1 $0x0  }
0x14: {  	s2 =	sld [smem:$0x3F9A];
	s0 =	simm.s32 @p1 $0x1  }
0x15: {  	[smem:$0x3FB7] =	sst s0;
	s0 =	simm.s32 @!p2 $0x0  }
0x16: {  	s3 =	sld [smem:$0x3FDB];
	s0 =	simm.s32 @p2 $0x1  }
0x17: {  	s4 =	simm.s32 $0x1BF5;
	[smem:$0x3FB9] =	sst s0  }
0x18: {  	s0 =	sld [smem:$0x3F9C];
	_ =	swait.ge [sflag:s4], $0x0  }
0x19: {  	s7 =	sld [smem:$0x3F9D]  }
0x1a: {  	s8 =	sadd.s32 $0xFFFFE003, lr  }
0x1b: {  	s9 =	sadd.s32 $0xFFFFFEF7, lr;
	s5 =	simm.s32 $0xFFFFFFFF;
	p2 =	slt.u32 s8, $0xFFFFF086  }
0x1c: {  	p1 =	slt.u32 s9, $0xF7A;
	s5 =	simm.s32 @!p2 $0x0  }
0x1d: {  	s5 =	simm.s32 @p1 $0x1;
	p0 =	seq.s32 s7, s2  }
0x1e: {  	s7 =	smul.u32 @!p0 $0xF7A, s2;
	p2 =	seq.s32 @!p0 s5, $0x0  }
0x1f: {  	s9 =	smul.u32 $0xF7A, s1;
	s8 =	simm.s32 @!p0 $0x1BF5;
	p2 =	por !p2, p0  }
0x20: {  	[sflag:s8] =	ssyncset.s32 @!p0 $0xFFFFF086;
	s6 =	sadd.s32 @!p0 s3, s7;
	s7 =	simm.s32 @!p0 $0x108  }
0x21: {  	s3 =	sadd.s32 s3, s9;
	s6 =	sadd.s32 @!p0 $0x88, s6;
	s7 =	simm.s32 @p2 $0x1082  }
0x22: {  	[simem:s7], [sflag:s8] =	dma.local @!p0 [hbm:s6], $0xF7A  }
0x23: {  	s9 =	sor.u32 $0xD0000000, s2;
	s6 =	simm.s32 $0x108;
	_ =	swait.ge @!p0 [sflag:s8], $0x0  }
0x24: {  	s3 =	sadd.s32 $0x88, s3;
	s6 =	simm.s32 @!p1 $0x1082;
	[sflag:s4] =	ssyncset.s32 $0xFFFFF086  }
0x25: {  	[simem:s6], [sflag:s4] =	dma.local [hbm:s3], $0xF7A  }
0x26: {  	[smem:$0x3F9D] =	sst s1;
	(tag) =	ssettag s2;
	_ =	strace s9  }
0x27: {  	s1 =	sld [smem:$0x3FAD]  }
0x28: {  	s2 =	sld [smem:$0x3FAE]  }
0x29: {  	s4 =	sld [smem:$0x3FB0]  }
0x2a: {  	p0 =	seq.s32 s5, $0x0;
	s5 =	sld [smem:$0x3FB1]  }
0x2b: {  	s6 =	sld [smem:$0x3FB2]  }
0x2c: {  	s7 =	sld [smem:$0x3FB3]  }
0x2d: {  	s3 =	simm.s32 $0x108;
	s8 =	sld [smem:$0x3FB4]  }
0x2e: {  	s3 =	simm.s32 @!p0 $0x1082;
	s9 =	sld [smem:$0x3FB5]  }
0x2f: {  	lr =	sadd.s32 s0, s3;
	s0 =	sld [smem:$0x3FAC]  }
0x30: {  	s3 =	sld [smem:$0x3FAF]  }
0x31: {  	[smem:$0x3FB8] =	sst s10  }
0x32: {  	s10 =	sld [smem:$0x3FB6];
	_ =	sdelay $0x3  }
0x33: {  	p0 =	seq.s32 s10, $0x1;
	s10 =	sld [smem:$0x3FB8];
	_ =	sdelay $0x3  }
0x34: {  	[smem:$0x3FB8] =	sst s10  }
0x35: {  	s10 =	sld [smem:$0x3FB7];
	_ =	sdelay $0x3  }
0x36: {  	p1 =	seq.s32 s10, $0x1;
	s10 =	sld [smem:$0x3FB8];
	_ =	sdelay $0x3  }
0x37: {  	[smem:$0x3FB8] =	sst s10  }
0x38: {  	s10 =	sld [smem:$0x3FB9]  }
0x39: {  	_ = 	snop;
	(pc) =	sbr.ind lr, $3  }
0x3a: {  	_ = 	snop  }
0x3b: {  	_ = 	snop  }
0x3c: {  	p2 =	seq.s32 s10, $0x1;
	s10 =	sld [smem:$0x3FB8]  }
0x3d: {  	_ =	shalt  }
0x3e: {  	_ =	shalt  }
0x3f: {  	_ =	shalt  }
0x40: {  	_ =	shalt  }
0x41: {  	_ =	shalt  }
0x42: {  	_ =	shalt  }
0x43: {  	_ =	shalt  }
0x44: {  	_ =	shalt  }
0x45: {  	_ =	shalt  }
0x46: {  	_ =	shalt  }
0x47: {  	_ =	shalt  }
0x48: {  	_ =	shalt  }
0x49: {  	_ =	shalt  }
0x4a: {  	_ =	shalt  }
0x4b: {  	_ =	shalt  }
0x4c: {  	_ =	shalt  }
0x4d: {  	_ =	shalt  }
0x4e: {  	_ =	shalt  }
0x4f: {  	_ =	shalt  }
0x50: {  	_ =	shalt  }
0x51: {  	_ =	shalt  }
0x52: {  	_ =	shalt  }
0x53: {  	_ =	shalt  }
0x54: {  	_ =	shalt  }
0x55: {  	_ =	shalt  }
0x56: {  	_ =	shalt  }
0x57: {  	_ =	shalt  }
0x58: {  	_ =	shalt  }
0x59: {  	_ =	shalt  }
0x5a: {  	_ =	shalt  }
0x5b: {  	_ =	shalt  }
0x5c: {  	_ =	shalt  }
0x5d: {  	_ =	shalt  }
0x5e: {  	_ =	shalt  }
0x5f: {  	_ =	shalt  }
0x60: {  	_ =	shalt  }
0x61: {  	_ =	shalt  }
0x62: {  	_ =	shalt  }
0x63: {  	_ =	shalt  }
0x64: {  	_ =	shalt  }
0x65: {  	_ =	shalt  }
0x66: {  	_ =	shalt  }
0x67: {  	_ =	shalt  }
0x68: {  	_ =	shalt  }
0x69: {  	_ =	shalt  }
0x6a: {  	_ =	shalt  }
0x6b: {  	_ =	shalt  }
0x6c: {  	_ =	shalt  }
0x6d: {  	_ =	shalt  }
0x6e: {  	_ =	shalt  }
0x6f: {  	_ =	shalt  }
0x70: {  	_ =	shalt  }
0x71: {  	_ =	shalt  }
0x72: {  	_ =	shalt  }
0x73: {  	_ =	shalt  }
0x74: {  	_ =	shalt  }
0x75: {  	_ =	shalt  }
0x76: {  	_ =	shalt  }
0x77: {  	_ =	shalt  }
0x78: {  	_ =	shalt  }
0x79: {  	_ =	shalt  }
0x7a: {  	_ =	shalt  }
0x7b: {  	_ =	shalt  }
0x7c: {  	_ =	shalt  }
0x7d: {  	_ =	shalt  }
0x7e: {  	_ =	shalt  }
0x7f: {  	_ =	shalt  }
0x80: {  	_ =	shalt  }
0x81: {  	_ =	shalt  }
0x82: {  	_ =	shalt  }
0x83: {  	_ =	shalt  }
0x84: {  	_ =	shalt  }
0x85: {  	_ =	shalt  }
0x86: {  	_ =	shalt  }
0x87: {  	_ =	shalt  }
.Lfunc_end0:
.L_simem_size_0:
called_computation_lowered:
.L_overlay_start_0:
0x88: {  	s2 =	sld [smem:$0x3FD9]  }
0x89: {  	s3 =	sld [smem:$0x3FFE];
	_ =	sdelay $0x1  }
0x8a: {  	s1 =	srdreg.scid  }
0x8b: {  	s0 =	sand.u32 $0x1, s1  }
0x8c: {  	s15 =	sshll.u32 s0, $0xA;
	s2 =	sadd.s32 s3, s2  }
0x8d: {  	s2 =	sadd.s32 s2, s15  }
0x8e: {  	[smem:$0x3FC4] =	sst s2  }
0x8f: {  	_ = 	snop  }
0x90: {  	s2 =	sld [smem:$0x3FD0];
	_ =	sdelay $0x1  }
0x91: {  	s16 =	sld [smem:$0x3FC8]  }
0x92: {  	s5 =	simm.s32 $0xA;
	s6 =	simm.s32 $0x10;
	s4 =	sld [smem:$0x3FC6]  }
0x93: {  	[smem:s6], [sflag:s5] =	dma.local [hbm:s2], $0x1  }
0x94: {  	_ =	swait.eq [sflag:s5], $0x1  }
0x95: {  	[sflag:s5] =	ssyncset.done $0x0  }
0x96: {  	[sflag:s5] =	ssyncadd.s32 $0xFFFFFFFF  }
0x97: {  	s17 =	sld [smem:$0x11];
	(tm) =	ssettm $0x1  }
0x98: {  	s18 =	sld [smem:$0x3FFB];
	_ =	sdelay $0x3  }
0x99: {  	_ =	strace s18  }
0x9a: {  	s5 =	sld [smem:$0x3FFC];
	_ =	sdelay $0x3  }
0x9b: {  	_ =	strace s5  }
0x9c: {  	s5 =	sld [smem:$0x3FFD];
	_ =	sdelay $0x3  }
0x9d: {  	_ =	strace s5  }
0x9e: {  	_ =	strace $0x8FFFFFFF  }
0x9f: {  	s19 =	sld [smem:$0x3FDB];
	_ =	sdelay $0x1  }
0xa0: {  	s20 =	simm.s32 $_scs_section_size  }
0xa1: {  	s7 =	simm.s32 $_size__tile_overlayer_lowered;
	s8 =	simm.s32 $_tile_overlayer_lowered  }
0xa2: {  	s23 =	simm.s32 $0x1BFF;
	s22 =	sshll.u32 s8, $0x1;
	s5 =	sadd.s32 s20, s19  }
0xa3: {  	s9 =	simm.s32 $0x0;
	s21 =	sshll.u32 s7, $0x1;
	s7 =	sadd.s32 s22, s5  }
0xa4: {  	[timem:s9], [sflag:s23] =	dma.local [hbm:s7], s21  }
0xa5: {  	_ =	swait.ge [sflag:s23], s21  }
0xa6: {  	s6 =	ssub.s32 $0x0, s21;
	[sflag:s23] =	ssyncset.done $0x0  }
0xa7: {  	[sflag:s23] =	ssyncadd.s32 s6;
	_ =	sdelay $0x1  }
0xa8: {  	s24 =	simm.s32 $0x1B8B  }
0xa9: {  	_ =	swait.ge [sflag:s24], $0x1  }
0xaa: {  	[sflag:s24] =	ssyncset.done $0x0  }
0xab: {  	s25 =	simm.s32 $0x1B8E;
	[sflag:s24] =	ssyncadd.s32 $0xFFFFFFFF  }
0xac: {  	s26 =	simm.s32 $execute0_lowered;
	[smem:$0x3FD2] =	sst s25  }
0xad: {  	s6 =	sshll.u32 s26, $0x1;
	_ =	strace $0x80000046;
	[dreg:$0x1] =	wrdreg $0xFFFFFFFF  }
0xae: {  	s28 =	simm.s32 $_size_execute0_lowered;
	s5 =	sadd.s32 s5, s6;
	[dreg:$0x0] =	wrdreg $0x0  }
0xaf: {  	s6 =	sshll.u32 s28, $0x1;
	[dreg:$0x2] =	wrdreg s5  }
0xb0: {  	[dreg:$0x3] =	wrdreg s6  }
0xb1: {  	[dreg:$0x4] =	wrdreg $0xC0  }
0xb2: {  	_ =	task [dreg:s9], $0x5FFFF  }
0xb3: {  	[dreg:$0x1] =	wrdreg $0xFFFFFFFF  }
0xb4: {  	[dreg:$0x0] =	wrdreg $0x60  }
0xb5: {  	[dreg:$0x2] =	wrdreg s16  }
0xb6: {  	[dreg:$0x3] =	wrdreg s4  }
0xb7: {  	[dreg:$0x4] =	wrdreg s17  }
0xb8: {  	[dreg:$0x5] =	wrdreg $0x9  }
0xb9: {  	_ =	task.clear_ibuf [dreg:s9], $0x6FFFF;
	_ =	strace $0x90000046  }
0xba: {  	s29 =	simm.s32 $0x9;
	_ =	strace $0x80000048  }
0xbb: {  	_ =	swait.ge [sflag:s29], $0x1  }
0xbc: {  	[sflag:s29] =	ssyncadd.s32 $0xFFFFFFFF  }
0xbd: {  	_ =	strace $0x90000048  }
0xbe: {  	_ =	sfence  }
0xbf: {  	s30 =	sld [smem:$0x0];
	_ =	sdelay $0x2  }
0xc0: {  	s31 =	sshll.u32 s1, $0xD;
	s1 =	sshrl.u32 s1, $0x2  }
0xc1: {  	s3 =	sand.u32 $0x4000, s31;
	s1 =	sadd.s32 s1, s30  }
0xc2: {  	s0 =	sor.u32 s3, s0;
	s1 =	sshll.u32 s1, $0x11  }
0xc3: {  	s0 =	sor.u32 s1, s0  }
0xc4: {  	s0 =	sadd.s32 $0x8F2B, s0  }
0xc5: {  	[sflag:s0] =	ssyncadd.remote.s32 $0x1  }
0xc6: {  	_ =	sfence.sel $0xFFFF  }
0xc7: {  	[dreg:$0x0] =	wrdreg $0xFFFFFFFF;
	(pc) =	sbr.abs _section_cstart, $3  }
0xc8: {  	[dreg:$0x1] =	wrdreg $0xFFFFFFFF  }
0xc9: {  	_ =	task.clear_ibuf [dreg:s9], $0x2FFFF;
	_ =	strace $0x9FFFFFFF  }
0xca: {  	(tm) =	ssettm $0x7FFFFFFF  }
0xcb: {  	_ =	shalt  }
tec
execute0_lowered:
.L_overlay_start_1:
0x0: {  	(tag) =	ssettag $0x1  }
0x1: {  	s3 =	rddreg [dreg:$0x0]  }
0x2: {  	s4 =	rddreg [dreg:$0x1]  }
0x3: {  	s5 =	rddreg [dreg:$0x2]  }
0x4: {  	s0 =	rddreg [dreg:$0x3]  }
0x5: {  	s6 =	srdreg.scid;
	s1 =	stileid.u32  }
0x6: {  	s2 =	simm.s32 $0x0;
	s10 =	simm.s32 $0x1;
	s11 =	simm.s32 $0x2  }
0x7: {  	s12 =	simm.s32 $0x1760;
	s13 =	simm.s32 $0x17E0;
	s14 =	simm.s32 $0x1000  }
0x8: {  	s15 =	simm.s32 $0x3;
	s6 =	sand.u32 $0x1, s6;
	s7 =	sshll.u32 s1, $0x6  }
0x9: {  	s9 =	sshll.u32 s1, $0x9;
	[smem:$0x7FF] =	sst s2;
	s8 =	sshll.u32 s6, $0x5  }
0xa: {  	s7 =	sand.u32 $0x40, s7;
	s6 =	ssub.s32 $0x2, s6;
	s9 =	sand.u32 $0x1C00, s9  }
0xb: {  	_ =	strace $0x80000047;
	s7 =	sor.u32 s8, s7;
	s31 =	sshrl.u32 s6, $0x1  }
0xc: {  	s8 =	simm.s32 $0x400;
	s7 =	sor.u32 s9, s7;
	s6 =	ssub.s32 s6, s31  }
0xd: {  	s9 =	simm.s32 $0x800;
	s3 =	sadd.s32 s3, s7;
	s4 =	sadd.s32 s4, s7  }
0xe: {  	s5 =	sadd.s32 s5, s7;
	s6 =	smax.u32 s6, $0x1;
	s7 =	simm.s32 $0x100  }
.LBB2_1:
0xf: {  	[tilespmem:s2], [sflag:$0x1] =	stream.strided.gather [hbm4b:s3+s7], $0x800, s8, s7, $0x38;
	[tilespmem:$0x1800] =	vst v63  }
0x10: {  	_ = 	snop  }
0x11: {  	[tilespmem:s9], [sflag:$0x2] =	stream.strided.gather [hbm4b:s4+s7], $0x800, s8, s7, $0x38;
	[tilespmem:$0x1800] =	vst v63  }
0x12: {  	_ =	swait.ge [sflag:s10], $0x800  }
0x13: {  	[sflag:s10] =	ssyncset.done $0x0  }
0x14: {  	[sflag:s10] =	ssyncadd.s32 $0xFFFFF800  }
0x15: {  	_ =	swait.ge [sflag:s11], $0x800  }
0x16: {  	[sflag:s11] =	ssyncset.done $0x0  }
0x17: {  	[sflag:s11] =	ssyncadd.s32 $0xFFFFF800  }
0x18: {  	v0 =	vld [tilespmem:$0x0]  }
0x19: {  	v1 =	vld [tilespmem:$0x800]  }
0x1a: {  	v2 =	vld [tilespmem:$0x10]  }
0x1b: {  	v3 =	vld [tilespmem:$0x810]  }
0x1c: {  	v4 =	vld [tilespmem:$0x20]  }
0x1d: {  	v5 =	vld [tilespmem:$0x820]  }
0x1e: {  	v6 =	vld [tilespmem:$0x30]  }
0x1f: {  	v7 =	vld [tilespmem:$0x830]  }
0x20: {  	v8 =	vld [tilespmem:$0x40]  }
0x21: {  	v9 =	vld [tilespmem:$0x840]  }
0x22: {  	v10 =	vld [tilespmem:$0x50]  }
0x23: {  	v11 =	vld [tilespmem:$0x850]  }
0x24: {  	v12 =	vld [tilespmem:$0x60]  }
0x25: {  	v13 =	vld [tilespmem:$0x860]  }
0x26: {  	v14 =	vld [tilespmem:$0x70]  }
0x27: {  	v15 =	vld [tilespmem:$0x870]  }
0x28: {  	v16 =	vld [tilespmem:$0x100]  }
0x29: {  	v17 =	vld [tilespmem:$0x900]  }
0x2a: {  	v18 =	vld [tilespmem:$0x110]  }
0x2b: {  	v19 =	vld [tilespmem:$0x910]  }
0x2c: {  	v20 =	vld [tilespmem:$0x120]  }
0x2d: {  	v21 =	vld [tilespmem:$0x920]  }
0x2e: {  	v22 =	vld [tilespmem:$0x130]  }
0x2f: {  	v23 =	vld [tilespmem:$0x930]  }
0x30: {  	v24 =	vld [tilespmem:$0x140]  }
0x31: {  	v25 =	vld [tilespmem:$0x940]  }
0x32: {  	v26 =	vld [tilespmem:$0x150]  }
0x33: {  	v27 =	vld [tilespmem:$0x950]  }
0x34: {  	v28 =	vld [tilespmem:$0x160]  }
0x35: {  	v29 =	vld [tilespmem:$0x960]  }
0x36: {  	v30 =	vld [tilespmem:$0x170]  }
0x37: {  	v31 =	vld [tilespmem:$0x970]  }
0x38: {  	v32 =	vld [tilespmem:$0x200]  }
0x39: {  	v33 =	vld [tilespmem:$0xA00]  }
0x3a: {  	v34 =	vld [tilespmem:$0x210]  }
0x3b: {  	v35 =	vld [tilespmem:$0xA10]  }
0x3c: {  	v36 =	vld [tilespmem:$0x220]  }
0x3d: {  	v37 =	vld [tilespmem:$0xA20]  }
0x3e: {  	v38 =	vld [tilespmem:$0x230]  }
0x3f: {  	v39 =	vld [tilespmem:$0xA30]  }
0x40: {  	v40 =	vld [tilespmem:$0x240]  }
0x41: {  	v41 =	vld [tilespmem:$0xA40]  }
0x42: {  	v42 =	vld [tilespmem:$0x250]  }
0x43: {  	v43 =	vld [tilespmem:$0xA50]  }
0x44: {  	v44 =	vld [tilespmem:$0x260]  }
0x45: {  	v45 =	vld [tilespmem:$0xA60]  }
0x46: {  	v46 =	vld [tilespmem:$0x270]  }
0x47: {  	v47 =	vld [tilespmem:$0xA70]  }
0x48: {  	v48 =	vld [tilespmem:$0x300]  }
0x49: {  	v49 =	vld [tilespmem:$0xB00]  }
0x4a: {  	v50 =	vld [tilespmem:$0x310]  }
0x4b: {  	v51 =	vld [tilespmem:$0xB10]  }
0x4c: {  	v52 =	vld [tilespmem:$0x320]  }
0x4d: {  	v53 =	vld [tilespmem:$0xB20]  }
0x4e: {  	v54 =	vld [tilespmem:$0x330]  }
0x4f: {  	v55 =	vld [tilespmem:$0xB30]  }
0x50: {  	v56 =	vld [tilespmem:$0x340]  }
0x51: {  	v57 =	vld [tilespmem:$0xB40]  }
0x52: {  	v58 =	vld [tilespmem:$0x350]  }
0x53: {  	v62 =	vld [tilespmem:$0x370]  }
0x54: {  	v59 =	vld [tilespmem:$0xB50]  }
0x55: {  	v60 =	vld [tilespmem:$0x360]  }
0x56: {  	v61 =	vld [tilespmem:$0xB60]  }
0x57: {  	v63 =	vld [tilespmem:$0xB70]  }
0x58: {  	[tilespmem:$0x1FF40] =	vst v62;
	v62 =	vld [tilespmem:$0x400]  }
0x59: {  	v0 =	vadd.f32 v1, v0;
	v1 =	vld [tilespmem:$0xC20]  }
0x5a: {  	v2 =	vadd.f32 v3, v2;
	v3 =	vld [tilespmem:$0x430]  }
0x5b: {  	v9 =	vadd.f32 v9, v8;
	v8 =	vld [tilespmem:$0xC50]  }
0x5c: {  	v13 =	vadd.f32 v13, v12;
	v12 =	vld [tilespmem:$0xC70]  }
0x5d: {  	v15 =	vadd.f32 v15, v14;
	v14 =	vld [tilespmem:$0xD00]  }
0x5e: {  	v17 =	vadd.f32 v17, v16;
	v16 =	vld [tilespmem:$0xD10]  }
0x5f: {  	v19 =	vadd.f32 v19, v18;
	v18 =	vld [tilespmem:$0xD20]  }
0x60: {  	v21 =	vadd.f32 v21, v20;
	v20 =	vld [tilespmem:$0xD30];
	[tilespmem:$0x1000] =	vst v0  }
0x61: {  	v23 =	vadd.f32 v23, v22;
	v22 =	vld [tilespmem:$0xD40];
	[tilespmem:$0x1010] =	vst v2  }
0x62: {  	v25 =	vadd.f32 v25, v24;
	v24 =	vld [tilespmem:$0xD50];
	[tilespmem:$0x1040] =	vst v9  }
0x63: {  	v27 =	vadd.f32 v27, v26;
	v26 =	vld [tilespmem:$0xD60];
	[tilespmem:$0x1060] =	vst v13  }
0x64: {  	v29 =	vadd.f32 v29, v28;
	v28 =	vld [tilespmem:$0xD70];
	[tilespmem:$0x1070] =	vst v15  }
0x65: {  	v31 =	vadd.f32 v31, v30;
	v30 =	vld [tilespmem:$0xE00];
	[tilespmem:$0x1100] =	vst v17  }
0x66: {  	v33 =	vadd.f32 v33, v32;
	v32 =	vld [tilespmem:$0xE10];
	[tilespmem:$0x1110] =	vst v19  }
0x67: {  	v41 =	vadd.f32 v41, v40;
	v40 =	vld [tilespmem:$0xE20];
	[tilespmem:$0x1120] =	vst v21  }
0x68: {  	v37 =	vadd.f32 v37, v36;
	v36 =	vadd.f32 v61, v60;
	v61 =	vld [tilespmem:$0xE70];
	[tilespmem:$0x1130] =	vst v23  }
0x69: {  	v0 =	vadd.f32 v5, v4;
	v4 =	vld [tilespmem:$0xC30];
	[tilespmem:$0x1140] =	vst v25  }
0x6a: {  	v5 =	vld [tilespmem:$0x440];
	[tilespmem:$0x1150] =	vst v27  }
0x6b: {  	v9 =	vld [tilespmem:$0x460];
	[tilespmem:$0x1160] =	vst v29  }
0x6c: {  	v35 =	vadd.f32 v35, v34;
	v13 =	vld [tilespmem:$0x500];
	[tilespmem:$0x1170] =	vst v31  }
0x6d: {  	v15 =	vld [tilespmem:$0x510];
	[tilespmem:$0x1200] =	vst v33  }
0x6e: {  	v39 =	vadd.f32 v39, v38;
	v17 =	vld [tilespmem:$0x520];
	[tilespmem:$0x1210] =	vst v35  }
0x6f: {  	v19 =	vld [tilespmem:$0x530];
	[tilespmem:$0x1220] =	vst v37  }
0x70: {  	v43 =	vadd.f32 v43, v42;
	v21 =	vld [tilespmem:$0x540];
	[tilespmem:$0x1230] =	vst v39  }
0x71: {  	v45 =	vadd.f32 v45, v44;
	v23 =	vld [tilespmem:$0x550];
	[tilespmem:$0x1240] =	vst v41  }
0x72: {  	v47 =	vadd.f32 v47, v46;
	[tilespmem:$0x1250] =	vst v43;
	v25 =	vld [tilespmem:$0x560]  }
0x73: {  	v49 =	vadd.f32 v49, v48;
	[tilespmem:$0x1260] =	vst v45;
	v27 =	vld [tilespmem:$0x570]  }
0x74: {  	[tilespmem:$0x1270] =	vst v47;
	v29 =	vld [tilespmem:$0x600]  }
0x75: {  	v51 =	vadd.f32 v51, v50;
	[tilespmem:$0x1300] =	vst v49;
	v31 =	vld [tilespmem:$0x610]  }
0x76: {  	v53 =	vadd.f32 v53, v52;
	[tilespmem:$0x1FF50] =	vst v62;
	v62 =	vld [tilespmem:$0xC00]  }
0x77: {  	v55 =	vadd.f32 v55, v54;
	[tilespmem:$0x1310] =	vst v51;
	v37 =	vld [tilespmem:$0x1FF40]  }
0x78: {  	v57 =	vadd.f32 v57, v56;
	[tilespmem:$0x1320] =	vst v53;
	v33 =	vld [tilespmem:$0x620]  }
0x79: {  	[tilespmem:$0x1330] =	vst v55;
	v43 =	vld [tilespmem:$0x630]  }
0x7a: {  	[tilespmem:$0x1340] =	vst v57;
	v45 =	vld [tilespmem:$0xE30]  }
0x7b: {  	[tilespmem:$0x1FF60] =	vst v62;
	v62 =	vld [tilespmem:$0x410]  }
0x7c: {  	[tilespmem:$0x1360] =	vst v36;
	v47 =	vld [tilespmem:$0x640];
	v2 =	vadd.f32 v63, v37  }
0x7d: {  	v49 =	vld [tilespmem:$0xE40];
	[tilespmem:$0x1020] =	vst v0;
	v46 =	vadd.f32 v4, v3  }
0x7e: {  	v51 =	vld [tilespmem:$0x650];
	[tilespmem:$0x1370] =	vst v2  }
0x7f: {  	v53 =	vld [tilespmem:$0xE50];
	v56 =	vadd.f32 v14, v13;
	[tilespmem:$0x1430] =	vst v46  }
0x80: {  	v60 =	vadd.f32 v18, v17;
	[tilespmem:$0x1FF70] =	vst v62;
	v62 =	vld [tilespmem:$0xC10]  }
0x81: {  	v55 =	vld [tilespmem:$0x660];
	v21 =	vadd.f32 v22, v21;
	[tilespmem:$0x1500] =	vst v56  }
0x82: {  	v57 =	vld [tilespmem:$0xE60];
	v23 =	vadd.f32 v24, v23;
	[tilespmem:$0x1520] =	vst v60  }
0x83: {  	v38 =	vld [tilespmem:$0x1FF50];
	[tilespmem:$0x1540] =	vst v21  }
0x84: {  	v25 =	vadd.f32 v26, v25;
	[tilespmem:$0x1550] =	vst v23;
	v39 =	vld [tilespmem:$0x1FF60]  }
0x85: {  	v27 =	vadd.f32 v28, v27;
	[tilespmem:$0x1FF80] =	vst v62;
	v62 =	vld [tilespmem:$0x420]  }
0x86: {  	v63 =	vld [tilespmem:$0x700];
	v36 =	vadd.f32 v30, v29;
	[tilespmem:$0x1560] =	vst v25  }
0x87: {  	v40 =	vadd.f32 v40, v33;
	[tilespmem:$0x1570] =	vst v27;
	v41 =	vld [tilespmem:$0x1FF70]  }
0x88: {  	[tilespmem:$0x1600] =	vst v36;
	v42 =	vld [tilespmem:$0x1FF80]  }
0x89: {  	v22 =	vld [tilespmem:$0xF00];
	[tilespmem:$0x1620] =	vst v40;
	v0 =	vadd.f32 v39, v38  }
0x8a: {  	v24 =	vld [tilespmem:$0x710];
	[tilespmem:$0x1FF90] =	vst v62;
	v62 =	vadd.f32 v7, v6  }
0x8b: {  	v38 =	vadd.f32 v32, v31;
	[tilespmem:$0x1400] =	vst v0;
	v6 =	vld [tilespmem:$0xC40]  }
0x8c: {  	v7 =	vld [tilespmem:$0x450];
	[tilespmem:$0x1030] =	vst v62;
	v62 =	vadd.f32 v11, v10  }
0x8d: {  	[tilespmem:$0x1610] =	vst v38;
	v2 =	vadd.f32 v42, v41;
	v44 =	vld [tilespmem:$0x1FF90]  }
0x8e: {  	v26 =	vld [tilespmem:$0xF10];
	[tilespmem:$0x1050] =	vst v62;
	v62 =	vadd.f32 v59, v58  }
0x8f: {  	v28 =	vld [tilespmem:$0x720];
	[tilespmem:$0x1410] =	vst v2;
	v58 =	vadd.f32 v16, v15  }
0x90: {  	v37 =	vld [tilespmem:$0xF20];
	v48 =	vadd.f32 v6, v5;
	[tilespmem:$0x1350] =	vst v62  }
0x91: {  	v46 =	vld [tilespmem:$0x750];
	v50 =	vadd.f32 v8, v7;
	[tilespmem:$0x1510] =	vst v58  }
0x92: {  	v56 =	vld.msk [tilespmem:$0xF60], $0xff;
	v0 =	vadd.f32 v1, v44;
	[tilespmem:$0x1440] =	vst v48  }
0x93: {  	v39 =	vld [tilespmem:$0x730];
	v62 =	vadd.f32 v20, v19;
	[tilespmem:$0x1450] =	vst v50  }
0x94: {  	v41 =	vld [tilespmem:$0xF30];
	v1 =	vadd.f32 v45, v43;
	[tilespmem:$0x1420] =	vst v0  }
0x95: {  	v11 =	vld [tilespmem:$0x470];
	v43 =	vadd.f32 v49, v47;
	[tilespmem:$0x1530] =	vst v62  }
0x96: {  	v10 =	vld [tilespmem:$0xC60];
	v45 =	vadd.f32 v53, v51;
	[tilespmem:$0x1630] =	vst v1  }
0x97: {  	v42 =	vld [tilespmem:$0x740];
	v47 =	vadd.f32 v57, v55;
	[tilespmem:$0x1640] =	vst v43  }
0x98: {  	v59 =	vld [tilespmem:$0x670];
	v51 =	vadd.f32 v22, v63;
	[tilespmem:$0x1650] =	vst v45  }
0x99: {  	v44 =	vld [tilespmem:$0xF40];
	v53 =	vadd.f32 v26, v24;
	[tilespmem:$0x1660] =	vst v47  }
0x9a: {  	v54 =	vadd.f32 v12, v11;
	v48 =	vld [tilespmem:$0xF50];
	[tilespmem:$0x1700] =	vst v51  }
0x9b: {  	v52 =	vadd.f32 v10, v9;
	v50 =	vld [tilespmem:$0x750];
	[tilespmem:$0x1710] =	vst v53  }
0x9c: {  	v55 =	vadd.f32 v37, v28;
	[tilespmem:$0x1470] =	vst v54;
	v54 =	vld [tilespmem:$0xF50]  }
0x9d: {  	v57 =	vadd.f32 v41, v39;
	[tilespmem:$0x1460] =	vst v52;
	v52 =	vld.msk [tilespmem:$0x760], $0xff  }
0x9e: {  	[tilespmem:$0x1720] =	vst v55;
	v49 =	vadd.f32 v61, v59  }
0x9f: {  	[tilespmem:$0x1730] =	vst v57;
	v58 =	vadd.f32 v44, v42  }
0xa0: {  	[tilespmem:$0x1670] =	vst v49;
	v59 =	vadd.f32 v48, v46  }
0xa1: {  	[tilespmem:$0x1740] =	vst v58;
	v60 =	vadd.f32 v54, v50  }
0xa2: {  	[tilespmem:$0x1750] =	vst v59;
	v61 =	vadd.f32 v56, v52  }
0xa3: {  	[tilespmem:$0x1750] =	vst v60  }
0xa4: {  	[tilespmem:s12+$0x0] =	vst.msk $0xff, v61  }
0xa5: {  	v0 =	vld [tilespmem:$0x80]  }
0xa6: {  	v1 =	vld [tilespmem:$0x880]  }
0xa7: {  	v2 =	vld [tilespmem:$0x90]  }
0xa8: {  	v3 =	vld [tilespmem:$0x890]  }
0xa9: {  	v4 =	vld [tilespmem:$0xA0]  }
0xaa: {  	v5 =	vld [tilespmem:$0x8A0]  }
0xab: {  	v6 =	vld [tilespmem:$0xB0]  }
0xac: {  	v7 =	vld [tilespmem:$0x8B0]  }
0xad: {  	v8 =	vld [tilespmem:$0xC0]  }
0xae: {  	v9 =	vld [tilespmem:$0x8C0]  }
0xaf: {  	v10 =	vld [tilespmem:$0xD0]  }
0xb0: {  	v11 =	vld [tilespmem:$0x8D0]  }
0xb1: {  	v12 =	vld [tilespmem:$0xE0]  }
0xb2: {  	v13 =	vld [tilespmem:$0x8E0]  }
0xb3: {  	v14 =	vld [tilespmem:$0xF0]  }
0xb4: {  	v15 =	vld [tilespmem:$0x8F0]  }
0xb5: {  	v16 =	vld [tilespmem:$0x180]  }
0xb6: {  	v17 =	vld [tilespmem:$0x980]  }
0xb7: {  	v18 =	vld [tilespmem:$0x190]  }
0xb8: {  	v19 =	vld [tilespmem:$0x990]  }
0xb9: {  	v20 =	vld [tilespmem:$0x1A0]  }
0xba: {  	v21 =	vld [tilespmem:$0x9A0]  }
0xbb: {  	v22 =	vld [tilespmem:$0x1B0]  }
0xbc: {  	v23 =	vld [tilespmem:$0x9B0]  }
0xbd: {  	v24 =	vld [tilespmem:$0x1C0]  }
0xbe: {  	v25 =	vld [tilespmem:$0x9C0]  }
0xbf: {  	v26 =	vld [tilespmem:$0x1D0]  }
0xc0: {  	v27 =	vld [tilespmem:$0x9D0]  }
0xc1: {  	v28 =	vld [tilespmem:$0x1E0]  }
0xc2: {  	v29 =	vld [tilespmem:$0x9E0]  }
0xc3: {  	v30 =	vld [tilespmem:$0x1F0]  }
0xc4: {  	v31 =	vld [tilespmem:$0x9F0]  }
0xc5: {  	v32 =	vld [tilespmem:$0x280]  }
0xc6: {  	v33 =	vld [tilespmem:$0xA80]  }
0xc7: {  	v34 =	vld [tilespmem:$0x290]  }
0xc8: {  	v35 =	vld [tilespmem:$0xA90]  }
0xc9: {  	v36 =	vld [tilespmem:$0x2A0]  }
0xca: {  	v37 =	vld [tilespmem:$0xAA0]  }
0xcb: {  	v38 =	vld [tilespmem:$0x2B0]  }
0xcc: {  	v39 =	vld [tilespmem:$0xAB0]  }
0xcd: {  	v40 =	vld [tilespmem:$0x2C0]  }
0xce: {  	v41 =	vld [tilespmem:$0xAC0]  }
0xcf: {  	v42 =	vld [tilespmem:$0x2D0]  }
0xd0: {  	v43 =	vld [tilespmem:$0xAD0]  }
0xd1: {  	v44 =	vld [tilespmem:$0x2E0]  }
0xd2: {  	v45 =	vld [tilespmem:$0xAE0]  }
0xd3: {  	v46 =	vld [tilespmem:$0x2F0]  }
0xd4: {  	v47 =	vld [tilespmem:$0xAF0]  }
0xd5: {  	v48 =	vld [tilespmem:$0x380]  }
0xd6: {  	v49 =	vld [tilespmem:$0xB80]  }
0xd7: {  	v50 =	vld [tilespmem:$0x390]  }
0xd8: {  	v51 =	vld [tilespmem:$0xB90]  }
0xd9: {  	v52 =	vld [tilespmem:$0x3A0]  }
0xda: {  	v53 =	vld [tilespmem:$0xBA0]  }
0xdb: {  	v54 =	vld [tilespmem:$0x3B0]  }
0xdc: {  	v55 =	vld [tilespmem:$0xBB0]  }
0xdd: {  	v56 =	vld [tilespmem:$0x3C0]  }
0xde: {  	v57 =	vld [tilespmem:$0xBC0]  }
0xdf: {  	v58 =	vld [tilespmem:$0x3D0]  }
0xe0: {  	v62 =	vld [tilespmem:$0x3F0]  }
0xe1: {  	v59 =	vld [tilespmem:$0xBD0]  }
0xe2: {  	v60 =	vld [tilespmem:$0x3E0]  }
0xe3: {  	v61 =	vld [tilespmem:$0xBE0]  }
0xe4: {  	v63 =	vld [tilespmem:$0xBF0]  }
0xe5: {  	[tilespmem:$0x1FFA0] =	vst v62;
	v62 =	vld [tilespmem:$0x480]  }
0xe6: {  	v0 =	vadd.f32 v1, v0;
	v1 =	vld [tilespmem:$0xCA0]  }
0xe7: {  	v2 =	vadd.f32 v3, v2;
	v3 =	vld [tilespmem:$0x4B0]  }
0xe8: {  	v9 =	vadd.f32 v9, v8;
	v8 =	vld [tilespmem:$0xCD0]  }
0xe9: {  	v13 =	vadd.f32 v13, v12;
	v12 =	vld [tilespmem:$0xCF0]  }
0xea: {  	v15 =	vadd.f32 v15, v14;
	v14 =	vld [tilespmem:$0xD80]  }
0xeb: {  	v17 =	vadd.f32 v17, v16;
	v16 =	vld [tilespmem:$0xD90]  }
0xec: {  	v19 =	vadd.f32 v19, v18;
	v18 =	vld [tilespmem:$0xDA0]  }
0xed: {  	v23 =	vadd.f32 v23, v22;
	v22 =	vld [tilespmem:$0xDC0];
	[tilespmem:$0x1080] =	vst v0  }
0xee: {  	v25 =	vadd.f32 v25, v24;
	v24 =	vld [tilespmem:$0xDD0];
	[tilespmem:$0x1090] =	vst v2  }
0xef: {  	v21 =	vadd.f32 v21, v20;
	v27 =	vadd.f32 v27, v26;
	v26 =	vld [tilespmem:$0xDE0];
	[tilespmem:$0x10C0] =	vst v9  }
0xf0: {  	v31 =	vadd.f32 v31, v30;
	v30 =	vadd.f32 v45, v44;
	v45 =	vld [tilespmem:$0xEB0];
	[tilespmem:$0x10E0] =	vst v13  }
0xf1: {  	v33 =	vadd.f32 v33, v32;
	v32 =	vadd.f32 v49, v48;
	v49 =	vld [tilespmem:$0xEC0];
	[tilespmem:$0x10F0] =	vst v15  }
0xf2: {  	v35 =	vadd.f32 v35, v34;
	v34 =	vadd.f32 v53, v52;
	v53 =	vld [tilespmem:$0xED0];
	[tilespmem:$0x1180] =	vst v17  }
0xf3: {  	v37 =	vadd.f32 v37, v36;
	v36 =	vadd.f32 v57, v56;
	v57 =	vld [tilespmem:$0xEE0];
	[tilespmem:$0x1190] =	vst v19  }
0xf4: {  	v0 =	vadd.f32 v5, v4;
	v4 =	vld [tilespmem:$0xCB0];
	[tilespmem:$0x11A0] =	vst v21  }
0xf5: {  	v5 =	vld [tilespmem:$0x4C0];
	[tilespmem:$0x11B0] =	vst v23  }
0xf6: {  	v29 =	vadd.f32 v29, v28;
	v9 =	vld [tilespmem:$0x4E0];
	[tilespmem:$0x11C0] =	vst v25  }
0xf7: {  	v13 =	vld [tilespmem:$0x580];
	[tilespmem:$0x11D0] =	vst v27  }
0xf8: {  	v15 =	vld [tilespmem:$0x590];
	[tilespmem:$0x11E0] =	vst v29  }
0xf9: {  	v17 =	vld [tilespmem:$0x5A0];
	[tilespmem:$0x11F0] =	vst v31  }
0xfa: {  	v19 =	vld [tilespmem:$0x5B0];
	[tilespmem:$0x1280] =	vst v33  }
0xfb: {  	v28 =	vadd.f32 v41, v40;
	[tilespmem:$0x1290] =	vst v35;
	v21 =	vld [tilespmem:$0x5C0]  }
0xfc: {  	[tilespmem:$0x12A0] =	vst v37;
	v23 =	vld [tilespmem:$0x5D0]  }
0xfd: {  	[tilespmem:$0x12C0] =	vst v28;
	v25 =	vld [tilespmem:$0x5E0]  }
0xfe: {  	[tilespmem:$0x12E0] =	vst v30;
	v28 =	vld [tilespmem:$0xDF0]  }
0xff: {  	[tilespmem:$0x1380] =	vst v32;
	v30 =	vld [tilespmem:$0xE80]  }
0x100: {  	[tilespmem:$0x13A0] =	vst v34;
	v32 =	vld [tilespmem:$0xE90]  }
0x101: {  	v27 =	vadd.f32 v39, v38;
	[tilespmem:$0x13C0] =	vst v36;
	v39 =	vld [tilespmem:$0x1FFA0]  }
0x102: {  	v34 =	vld [tilespmem:$0xEA0];
	[tilespmem:$0x10A0] =	vst v0  }
0x103: {  	v29 =	vadd.f32 v43, v42;
	v31 =	vadd.f32 v47, v46;
	v47 =	vld [tilespmem:$0x6C0];
	[tilespmem:$0x12B0] =	vst v27  }
0x104: {  	[tilespmem:$0x1FFB0] =	vst v62;
	v62 =	vld [tilespmem:$0xC80]  }
0x105: {  	v33 =	vadd.f32 v51, v50;
	v51 =	vld [tilespmem:$0x6D0];
	[tilespmem:$0x12D0] =	vst v29  }
0x106: {  	v35 =	vadd.f32 v55, v54;
	v55 =	vld [tilespmem:$0x6E0];
	[tilespmem:$0x12F0] =	vst v31  }
0x107: {  	v37 =	vadd.f32 v59, v58;
	v59 =	vld [tilespmem:$0x6F0];
	[tilespmem:$0x1390] =	vst v33  }
0x108: {  	v38 =	vadd.f32 v61, v60;
	v61 =	vld [tilespmem:$0xEF0];
	[tilespmem:$0x13B0] =	vst v35  }
0x109: {  	[tilespmem:$0x1FFC0] =	vst v62;
	v62 =	vld [tilespmem:$0x490]  }
0x10a: {  	v27 =	vld [tilespmem:$0x5F0];
	[tilespmem:$0x13D0] =	vst v37;
	v2 =	vadd.f32 v63, v39  }
0x10b: {  	v29 =	vld [tilespmem:$0x680];
	[tilespmem:$0x13E0] =	vst v38;
	v46 =	vadd.f32 v4, v3  }
0x10c: {  	v31 =	vld [tilespmem:$0x690];
	[tilespmem:$0x13F0] =	vst v2  }
0x10d: {  	v33 =	vld [tilespmem:$0x6A0];
	v56 =	vadd.f32 v14, v13;
	[tilespmem:$0x14B0] =	vst v46  }
0x10e: {  	v58 =	vadd.f32 v16, v15;
	[tilespmem:$0x1FFD0] =	vst v62;
	v62 =	vld [tilespmem:$0xC90]  }
0x10f: {  	v35 =	vld [tilespmem:$0x6B0];
	v60 =	vadd.f32 v18, v17;
	[tilespmem:$0x1580] =	vst v56  }
0x110: {  	v37 =	vld [tilespmem:$0x7A0];
	v21 =	vadd.f32 v22, v21;
	[tilespmem:$0x1590] =	vst v58  }
0x111: {  	v40 =	vld [tilespmem:$0x1FFB0];
	[tilespmem:$0x15A0] =	vst v60  }
0x112: {  	v23 =	vadd.f32 v24, v23;
	[tilespmem:$0x15C0] =	vst v21;
	v41 =	vld [tilespmem:$0x1FFC0]  }
0x113: {  	v25 =	vadd.f32 v26, v25;
	[tilespmem:$0x1FFE0] =	vst v62;
	v62 =	vld [tilespmem:$0x4A0]  }
0x114: {  	[tilespmem:$0x15D0] =	vst v23;
	v36 =	vadd.f32 v28, v27;
	v42 =	vld [tilespmem:$0x1FFD0]  }
0x115: {  	[tilespmem:$0x15E0] =	vst v25;
	v38 =	vadd.f32 v30, v29;
	v43 =	vld [tilespmem:$0x1FFE0]  }
0x116: {  	v63 =	vld [tilespmem:$0x780];
	[tilespmem:$0x15F0] =	vst v36  }
0x117: {  	v22 =	vld [tilespmem:$0xF80];
	[tilespmem:$0x1680] =	vst v38;
	v0 =	vadd.f32 v41, v40  }
0x118: {  	v40 =	vadd.f32 v32, v31;
	[tilespmem:$0x1FFF0] =	vst v62;
	v62 =	vadd.f32 v7, v6;
	v6 =	vld [tilespmem:$0xCC0]  }
0x119: {  	[tilespmem:$0x1480] =	vst v0;
	v7 =	vld [tilespmem:$0x4D0]  }
0x11a: {  	[tilespmem:$0x1690] =	vst v40;
	v2 =	vadd.f32 v43, v42;
	v44 =	vld [tilespmem:$0x1FFF0]  }
0x11b: {  	v24 =	vld [tilespmem:$0x790];
	v42 =	vadd.f32 v34, v33;
	[tilespmem:$0x10B0] =	vst v62  }
0x11c: {  	v26 =	vld [tilespmem:$0xF90];
	v62 =	vadd.f32 v11, v10;
	[tilespmem:$0x1490] =	vst v2  }
0x11d: {  	v39 =	vld [tilespmem:$0xFA0];
	[tilespmem:$0x16A0] =	vst v42;
	v48 =	vadd.f32 v6, v5  }
0x11e: {  	v46 =	vld [tilespmem:$0xFC0];
	[tilespmem:$0x10D0] =	vst v62;
	v50 =	vadd.f32 v8, v7  }
0x11f: {  	v56 =	vld [tilespmem:$0xFD0];
	v0 =	vadd.f32 v1, v44;
	[tilespmem:$0x14C0] =	vst v48  }
0x120: {  	v58 =	vld.msk [tilespmem:$0xFE0], $0xff;
	v1 =	vadd.f32 v45, v35;
	[tilespmem:$0x14D0] =	vst v50  }
0x121: {  	v41 =	vld [tilespmem:$0x7B0];
	v45 =	vadd.f32 v49, v47;
	[tilespmem:$0x14A0] =	vst v0  }
0x122: {  	v10 =	vld [tilespmem:$0xCE0];
	v47 =	vadd.f32 v53, v51;
	[tilespmem:$0x16B0] =	vst v1  }
0x123: {  	v11 =	vld [tilespmem:$0x4F0];
	v49 =	vadd.f32 v57, v55;
	[tilespmem:$0x16C0] =	vst v45  }
0x124: {  	v43 =	vld [tilespmem:$0xFB0];
	v51 =	vadd.f32 v61, v59;
	[tilespmem:$0x16D0] =	vst v47  }
0x125: {  	v62 =	vld [tilespmem:$0xDB0];
	v53 =	vadd.f32 v22, v63;
	[tilespmem:$0x16E0] =	vst v49  }
0x126: {  	v44 =	vld [tilespmem:$0x7C0];
	v55 =	vadd.f32 v26, v24;
	[tilespmem:$0x16F0] =	vst v51  }
0x127: {  	v52 =	vadd.f32 v10, v9;
	v48 =	vld [tilespmem:$0x7D0];
	[tilespmem:$0x1780] =	vst v53  }
0x128: {  	v54 =	vadd.f32 v12, v11;
	v50 =	vld [tilespmem:$0xFD0];
	[tilespmem:$0x1790] =	vst v55  }
0x129: {  	v57 =	vadd.f32 v39, v37;
	[tilespmem:$0x14E0] =	vst v52;
	v52 =	vld [tilespmem:$0x7D0]  }
0x12a: {  	v59 =	vadd.f32 v43, v41;
	[tilespmem:$0x14F0] =	vst v54;
	v54 =	vld.msk [tilespmem:$0x7E0], $0xff  }
0x12b: {  	[tilespmem:$0x17A0] =	vst v57;
	v62 =	vadd.f32 v62, v19  }
0x12c: {  	[tilespmem:$0x17B0] =	vst v59;
	v60 =	vadd.f32 v46, v44  }
0x12d: {  	[tilespmem:$0x15B0] =	vst v62;
	v61 =	vadd.f32 v50, v48  }
0x12e: {  	[tilespmem:$0x17C0] =	vst v60;
	v62 =	vadd.f32 v56, v52  }
0x12f: {  	[tilespmem:$0x17D0] =	vst v61;
	v63 =	vadd.f32 v58, v54  }
0x130: {  	p0 =	sne.s32 s6, $0x1;
	[tilespmem:$0x17D0] =	vst v62  }
.Ltmp0:
0x131: {  	[tilespmem:s13+$0x0] =	vst.msk $0xff, v63;
	(pc) =	sbr.rel @p0 .LBB2_1-.Ltmp0, $4  }
0x132: {  	[hbm4b:s5+s7] =	stream.strided.scatter [tilespmem:s14], [sflag:$0x3], $0x800, s8, s7, $0x38;
	[tilespmem:$0x1800] =	vst v63  }
0x133: {  	_ =	swait.ge [sflag:s15], $0x800  }
0x134: {  	[sflag:s15] =	ssyncset.done $0x0  }
0x135: {  	s6 =	sadd.s32 $0xFFFFFFFF, s6;
	[sflag:s15] =	ssyncadd.s32 $0xFFFFF800  }
0x136: {  	_ =	sfence.sel $0x180000  }
0x137: {  	[bflag:$0x0] =	sbarrier.arrive $0xFFFF  }
0x138: {  	p0 =	sne.s32 s1, $0x0;
	_ =	strace $0x90000047  }
0x139: {  	s0 =	sadd.s32 @!p0 $0x100000, s0;
	[bflag:$0x2] =	sbarrier.arrive $0xFFFF  }
0x13a: {  	[sflag:s0] =	ssyncadd.tile.s32 @!p0 $0x1;
	_ =	shalt  }
.Lfunc_end2:
_tile_overlayer_lowered:
.L_overlay_start_2:
0x13b: {  	(tag) =	ssettag $0x2  }
0x13c: {  	s0 =	rddreg [dreg:$0x0];
	s2 =	stileid.u32  }
0x13d: {  	s1 =	rddreg [dreg:$0x1];
	p0 =	sne.s32 s2, $0x0  }
0x13e: {  	s3 =	rddreg [dreg:$0x2];
	[bflag:$0x3] =	sbarrier.arrive $0xFFFF;
	s2 =	simm.s32 @!p0 $0x1C03  }
0x13f: {  	[timem:s3], [sflag:s2] =	dma.local @!p0 [hbm:s0], s1  }
0x140: {  	s0 =	simm.s32 @!p0 $0x3  }
0x141: {  	_ =	swait.ge @!p0 [sflag:s0], s1  }
0x142: {  	s1 =	ssub.s32 @!p0 $0x0, s1;
	[sflag:s0] =	ssyncset.done @!p0 $0x0  }
0x143: {  	[sflag:s0] =	ssyncadd.s32 @!p0 s1  }
0x144: {  	[bflag:$0x3] =	sbarrier.arrive $0xFFFF  }
0x145: {  	_ =	shalt  }

</sc_bundles>
